<compile_context>
chip_gen: v7x
topology: tpu7x:2x2x1
jax: 0.10.2.dev20260603
libtpu: 0.0.44.dev20260713+nightly
codegen_flags: <defaults>
</compile_context>

<pallas_src>
import functools

import jax
import jax.numpy as jnp
from jax import lax
from jax.experimental import pallas as pl
from jax.experimental.pallas import tpu as pltpu
from jax.experimental.pallas import tpu_sc as plsc

B = 4
C = 64
N = 4096
K = 16

T_KNN = 128
T_ST = 128
T_FIN = 512
CP = 128


def _knn_conv_body(fc_ref, f_ref, w1t_ref, w2t_ref, knn_ref, s_ref, et_ref):
    fc = fc_ref[...]
    fb = f_ref[...]
    w1t = w1t_ref[...]
    w2t = w2t_ref[...]

    cdims = (((0,), (0,)), ((), ()))
    et = lax.dot_general(fc, w2t, cdims, preferred_element_type=jnp.float32)
    s = lax.dot_general(fc, w1t + w2t, cdims, preferred_element_type=jnp.float32)
    et_ref[:, :C] = et
    et_ref[:, C:] = jnp.zeros((fc.shape[1], CP - C), jnp.float32)
    s_ref[...] = s

    sq = jnp.sum(fb * fb, axis=0, keepdims=True)
    g = lax.dot_general(fc, fb, cdims, preferred_element_type=jnp.float32)
    score = sq - 2.0 * g
    iota = lax.broadcasted_iota(jnp.int32, score.shape, 1)
    inf = jnp.float32(jnp.inf)
    mprev = None
    for kstep in range(K):
        v = score if mprev is None else jnp.where(score > mprev, score, inf)
        i = iota
        w = N
        while w > 128:
            h = w // 2
            take = v[:, :h] <= v[:, h:w]
            v = jnp.where(take, v[:, :h], v[:, h:w])
            i = jnp.where(take, i[:, :h], i[:, h:w])
            w = h
        m = jnp.min(v, axis=1, keepdims=True)
        idx = jnp.min(jnp.where(v == m, i, N), axis=1, keepdims=True)
        knn_ref[:, kstep:kstep + 1] = idx
        mprev = m


def _knn_conv(fb, w1t, w2t):
    grid = (N // T_KNN,)
    return pl.pallas_call(
        _knn_conv_body,
        grid=grid,
        in_specs=[
            pl.BlockSpec((C, T_KNN), lambda t: (0, t)),
            pl.BlockSpec((C, N), lambda t: (0, 0)),
            pl.BlockSpec((C, C), lambda t: (0, 0)),
            pl.BlockSpec((C, C), lambda t: (0, 0)),
        ],
        out_specs=[
            pl.BlockSpec((T_KNN, K), lambda t: (t, 0)),
            pl.BlockSpec((T_KNN, C), lambda t: (t, 0)),
            pl.BlockSpec((T_KNN, CP), lambda t: (t, 0)),
        ],
        out_shape=[
            jax.ShapeDtypeStruct((N, K), jnp.int32),
            jax.ShapeDtypeStruct((N, C), jnp.float32),
            jax.ShapeDtypeStruct((N, CP), jnp.float32),
        ],
    )(fb, fb, w1t, w2t)


def _sc_gather(knn, table):
    R = N * K
    D = table.shape[1]
    NW = 32
    RW = N // NW
    RC = 8
    CH = RC * K
    nchunk = RW // RC
    mesh = plsc.VectorSubcoreMesh(core_axis_name="c", subcore_axis_name="s")

    @functools.partial(
        pl.kernel,
        mesh=mesh,
        out_type=jax.ShapeDtypeStruct((R, D), jnp.float32),
        scratch_types=[
            pltpu.VMEM((RC, K), jnp.int32),
            pltpu.VMEM((CH,), jnp.int32),
            pltpu.VMEM((CH, D), jnp.float32),
            pltpu.SemaphoreType.DMA,
        ],
    )
    def gk(idx_hbm, tab_hbm, out_hbm, idx2_v, idx_v, rows_v, sem):
        wid = lax.axis_index("s") * 2 + lax.axis_index("c")

        def chunk(i, carry):
            rb = pl.multiple_of(wid * RW + i * RC, RC)
            pltpu.sync_copy(idx_hbm.at[pl.ds(rb, RC), :], idx2_v)
            for r in range(RC):
                idx_v[pl.ds(r * K, K)] = idx2_v[r, :]
            pltpu.async_copy(tab_hbm.at[idx_v], rows_v, sem).wait()
            pltpu.sync_copy(rows_v, out_hbm.at[pl.ds(rb * K, CH)])
            return carry

        lax.fori_loop(0, nchunk, chunk, 0)

    return gk(knn, table)


def _edge_stats_body(nb_ref, s_ref, mx_ref, mn_ref, sum_ref, ssq_ref):
    first = pl.program_id(0) == 0
    s = s_ref[...]
    ones = jnp.ones((1, s.shape[0]), jnp.float32)
    mx = None
    mn = None
    psum = jnp.zeros((1, C), jnp.float32)
    psq = jnp.zeros((1, C), jnp.float32)
    for k in range(K):
        ef = s - nb_ref[:, k, :C]
        mx = ef if mx is None else jnp.maximum(mx, ef)
        mn = ef if mn is None else jnp.minimum(mn, ef)
        psum = psum + jnp.dot(ones, ef, preferred_element_type=jnp.float32)
        psq = psq + jnp.dot(ones, ef * ef, preferred_element_type=jnp.float32)
    mx_ref[...] = mx
    mn_ref[...] = mn

    @pl.when(first)
    def _init():
        sum_ref[...] = jnp.zeros_like(sum_ref)
        ssq_ref[...] = jnp.zeros_like(ssq_ref)

    sum_ref[...] += psum
    ssq_ref[...] += psq


def _edge_stats(nb3, S):
    grid = (N // T_ST,)
    return pl.pallas_call(
        _edge_stats_body,
        grid=grid,
        in_specs=[
            pl.BlockSpec((T_ST, K, CP), lambda t: (t, 0, 0)),
            pl.BlockSpec((T_ST, C), lambda t: (t, 0)),
        ],
        out_specs=[
            pl.BlockSpec((T_ST, C), lambda t: (t, 0)),
            pl.BlockSpec((T_ST, C), lambda t: (t, 0)),
            pl.BlockSpec((1, C), lambda t: (0, 0)),
            pl.BlockSpec((1, C), lambda t: (0, 0)),
        ],
        out_shape=[
            jax.ShapeDtypeStruct((N, C), jnp.float32),
            jax.ShapeDtypeStruct((N, C), jnp.float32),
            jax.ShapeDtypeStruct((1, C), jnp.float32),
            jax.ShapeDtypeStruct((1, C), jnp.float32),
        ],
    )(nb3, S)


def _finalize_body(mx0, mx1, mx2, mx3, mn0, mn1, mn2, mn3,
                   sum_ref, ssq_ref, g_ref, be_ref, out_ref):
    b = pl.program_id(0)
    cnt = float(B * N * K)
    mean = jnp.sum(sum_ref[...], axis=0, keepdims=True) / cnt
    var = jnp.sum(ssq_ref[...], axis=0, keepdims=True) / cnt - mean * mean
    inv = lax.rsqrt(var + 1e-5)
    scale = g_ref[...] * inv
    shift = be_ref[...] - mean * scale
    mx = jnp.where(b == 0, mx0[...],
                   jnp.where(b == 1, mx1[...],
                             jnp.where(b == 2, mx2[...], mx3[...])))
    mn = jnp.where(b == 0, mn0[...],
                   jnp.where(b == 1, mn1[...],
                             jnp.where(b == 2, mn2[...], mn3[...])))
    sel = jnp.where(scale >= 0.0, mx, mn)
    out_ref[0] = jnp.maximum(sel * scale + shift, 0.0).T


def _finalize(mxs, mns, sums4, ssq4, gamma2, beta2):
    grid = (B, N // T_FIN)
    tile = pl.BlockSpec((T_FIN, C), lambda b, t: (t, 0))
    small = pl.BlockSpec((B, C), lambda b, t: (0, 0))
    vec = pl.BlockSpec((1, C), lambda b, t: (0, 0))
    return pl.pallas_call(
        _finalize_body,
        grid=grid,
        in_specs=[tile] * 8 + [small, small, vec, vec],
        out_specs=pl.BlockSpec((1, C, T_FIN), lambda b, t: (b, 0, t)),
        out_shape=jax.ShapeDtypeStruct((B, C, N), jnp.float32),
    )(*mxs, *mns, sums4, ssq4, gamma2, beta2)


def kernel(feature, W1, W2, gamma, beta):
    w1t, w2t = W1.T, W2.T
    knns, Ss, Ets = [], [], []
    for b in range(B):
        knn_b, s_b, et_b = _knn_conv(feature[b], w1t, w2t)
        knns.append(knn_b)
        Ss.append(s_b)
        Ets.append(et_b)
    nbs = [_sc_gather(knns[b], Ets[b]) for b in range(B)]
    mxs, mns, psums, pssqs = [], [], [], []
    for b in range(B):
        mx_b, mn_b, psum_b, pssq_b = _edge_stats(
            nbs[b].reshape(N, K, CP), Ss[b])
        mxs.append(mx_b)
        mns.append(mn_b)
        psums.append(psum_b)
        pssqs.append(pssq_b)
    sums4 = jnp.concatenate(psums, axis=0)
    ssq4 = jnp.concatenate(pssqs, axis=0)
    gamma2, beta2 = gamma.reshape(1, C), beta.reshape(1, C)
    return _finalize(mxs, mns, sums4, ssq4, gamma2, beta2)

# --- scband reference (transcript-rebuilt; emitter-appended) ---
"""Pipeline reference for scband-edge-conv-block-v2-21741124452963 (READ-ONLY COPY).

The authoritative reference and input builder live on the scoring server;
editing this copy changes nothing except your own understanding.
"""

import jax, jax.numpy as jnp
import numpy as np

IN_C = 64
OUT_C = 64
K = 16
B = 4
N = 4096


def pdist(feature):
    # feature: [B, C, N] -> pairwise squared euclidean distance [B, N, N]
    sq = jnp.sum(feature ** 2, axis=1)  # [B, N]
    inner = jnp.einsum('bcn,bcm->bnm', feature, feature)  # [B, N, N]
    return sq[:, :, None] + sq[:, None, :] - 2.0 * inner


def get_knn_inds(distance, k):
    # k nearest = k largest of negated distance
    _, inds = jax.lax.top_k(-distance, k)  # [B, N, k]
    return inds


def gather_knn(feat, knn_inds):
    # feat: [B, C, N], knn_inds: [B, N, k] -> [B, C, N, k]
    return jax.vmap(lambda f, idx: f[:, idx])(feat, knn_inds)


def setup_inputs(seed: int = 0) -> dict:
    key = jax.random.key(seed)
    k1, k2, k3 = jax.random.split(key, 3)
    feature = jax.random.normal(k1, (B, IN_C, N), dtype=jnp.float32)
    W1 = jax.random.normal(k2, (OUT_C, IN_C), dtype=jnp.float32) * 0.05  # conv1 (1x1, no bias)
    W2 = jax.random.normal(k3, (OUT_C, IN_C), dtype=jnp.float32) * 0.05  # conv2 (1x1, no bias)
    gamma = jnp.ones((OUT_C,), dtype=jnp.float32)  # bn weight
    beta = jnp.zeros((OUT_C,), dtype=jnp.float32)  # bn bias
    return {"feature": feature, "W1": W1, "W2": W2, "gamma": gamma, "beta": beta}


def reference(feature, W1, W2, gamma, beta):
    # conv1 / conv2: 1x1 Conv1d, no bias
    local_feature = jnp.einsum('oc,bcn->bon', W1, feature)  # [B, O, N]
    edge_feature = jnp.einsum('oc,bcn->bon', W2, feature)   # [B, O, N]

    # knn computed under no_grad in torch -> stop_gradient here
    distance = pdist(jax.lax.stop_gradient(feature))  # [B, N, N]
    knn_inds = get_knn_inds(distance, K)              # [B, N, K]

    neighbour_feature = gather_knn(edge_feature, knn_inds)  # [B, O, N, K]
    ef = (local_feature + edge_feature)[:, :, :, None] - neighbour_feature  # [B, O, N, K]

    # BatchNorm2d (training mode): normalize per channel over (B, N, K)
    mean = jnp.mean(ef, axis=(0, 2, 3), keepdims=True)
    var = jnp.var(ef, axis=(0, 2, 3), keepdims=True)
    ef = (ef - mean) / jnp.sqrt(var + 1e-5)
    ef = ef * gamma[None, :, None, None] + beta[None, :, None, None]

    ef = jax.nn.relu(ef)
    out = jnp.max(ef, axis=3)  # [B, O, N]
    return out

if __name__ == "__main__":
    import jax
    _d = setup_inputs()
    print(jax.jit(kernel)(*tuple(_d.values())))

</pallas_src>

<mosaic_0001>
#map = affine_map<(d0, d1) -> (0, 0)>
module attributes {stable_mosaic.version = 14 : i64} {
  func.func @gk(%arg0: i32, %arg1: i32, %arg2: memref<4096x16xi32, #tpu.memory_space<hbm>>, %arg3: memref<4096x128xf32, #tpu.memory_space<hbm>>, %arg4: memref<65536x128xf32, #tpu.memory_space<hbm>>, %arg5: memref<8x16xi32, #tpu.memory_space<vmem>>, %arg6: memref<128xi32, #tpu.memory_space<vmem>>, %arg7: memref<128x128xf32, #tpu.memory_space<vmem>>, %arg8: memref<!tpu.dma_semaphore, #tpu.memory_space<semaphore_mem>>) attributes {dimension_semantics = [#tpu.dimension_semantics<core_parallel>, #tpu.dimension_semantics<subcore_parallel>], iteration_bounds = array<i64: 2, 16>, scalar_prefetch = 0 : i64, scratch_operands = 4 : i64, tpu.core_type = #tpu.core_type<sc_vector_subcore>, window_params = [{transform_indices = #map}, {transform_indices = #map}, {transform_indices = #map}]} {
    %mul3A = arith.constant 2 : i32
    %mul3A_0 = arith.muli %arg1, %mul3A : i32
    %add3A = arith.addi %mul3A_0, %arg0 : i32
    %scan3A = arith.constant 0 : i32
    %scan3A_1 = arith.constant 0 : i32
    %scan3A_2 = arith.constant 16 : i32
    %scan3A_3 = arith.addi %scan3A_1, %scan3A_2 : i32
    %scan3A_4 = arith.constant 1 : i32
    scf.for %scan3A_6 = %scan3A_1 to %scan3A_3 step %scan3A_4  : i32 {
      %mul3A_7 = arith.constant 128 : i32
      %mul3A_8 = arith.muli %add3A, %mul3A_7 : i32
      %mul3A_9 = arith.constant 8 : i32
      %mul3A_10 = arith.muli %scan3A_6, %mul3A_9 : i32
      %add3A_11 = arith.addi %mul3A_8, %mul3A_10 : i32
      %multiple_of3A = tpu.assume_multiple %add3A_11, 8 : i32
      "tpu.region"() ({
        %run_scoped3A = tpu.sem_alloc : memref<!tpu.dma_semaphore, #tpu.memory_space<semaphore_mem>>
        %dma_start3A_88 = arith.constant 0 : i32
        %dma_start3A_89 = tpu.memref_slice %arg2[%multiple_of3A, %dma_start3A_88] : memref<4096x16xi32, #tpu.memory_space<hbm>> -> memref<8x16xi32, #tpu.memory_space<hbm>>
        %dma_start3A_90 = arith.constant 0 : i32
        %dma_start3A_91 = tpu.memref_slice %arg2[%multiple_of3A, %dma_start3A_90] : memref<4096x16xi32, #tpu.memory_space<hbm>> -> memref<8x16xi32, #tpu.memory_space<hbm>>
        tpu.enqueue_dma source(%dma_start3A_91 : memref<8x16xi32, #tpu.memory_space<hbm>>) target(%arg5 : memref<8x16xi32, #tpu.memory_space<vmem>>) target_semaphore(%run_scoped3A : memref<!tpu.dma_semaphore, #tpu.memory_space<semaphore_mem>>)
        %dma_wait3A_92 = arith.constant 0 : i32
        %dma_wait3A_93 = tpu.memref_slice %arg2[%multiple_of3A, %dma_wait3A_92] : memref<4096x16xi32, #tpu.memory_space<hbm>> -> memref<8x16xi32, #tpu.memory_space<hbm>>
        %dma_wait3A_94 = arith.constant 0 : i32
        %dma_wait3A_95 = tpu.memref_slice %arg2[%multiple_of3A, %dma_wait3A_94] : memref<4096x16xi32, #tpu.memory_space<hbm>> -> memref<8x16xi32, #tpu.memory_space<hbm>>
        tpu.wait_dma2 semaphore(%run_scoped3A : memref<!tpu.dma_semaphore, #tpu.memory_space<semaphore_mem>>) src(%dma_wait3A_95 : memref<8x16xi32, #tpu.memory_space<hbm>>) dst(%arg5 : memref<8x16xi32, #tpu.memory_space<vmem>>)
        tpu.yield
      }) : () -> ()
      %get3A = arith.constant 0 : i32
      %get3A_12 = arith.index_cast %get3A : i32 to index
      %get3A_13 = arith.constant 0 : index
      %get3A_14 = tpu.vector_load %arg5[%get3A_12, %get3A_13] {strides = array<i32>} : memref<8x16xi32, #tpu.memory_space<vmem>>, vector<1x16xi32>,
      %get3A_15 = vector.shape_cast %get3A_14 : vector<1x16xi32> to vector<16xi32>
      %swap3A = arith.constant 0 : index
      %swap3A_16 = tpu.vector_load %arg6[%swap3A] {strides = array<i32>} : memref<128xi32, #tpu.memory_space<vmem>>, vector<16xi32>,
      %swap3A_17 = vector.shape_cast %swap3A_16 : vector<16xi32> to vector<16xi32>
      %swap3A_18 = vector.shape_cast %get3A_15 : vector<16xi32> to vector<16xi32>
      tpu.vector_store %arg6[%swap3A], %swap3A_18 {strides = array<i32>} : memref<128xi32, #tpu.memory_space<vmem>>, vector<16xi32>,
      %get3A_19 = arith.constant 1 : i32
      %get3A_20 = arith.index_cast %get3A_19 : i32 to index
      %get3A_21 = arith.constant 0 : index
      %get3A_22 = tpu.vector_load %arg5[%get3A_20, %get3A_21] {strides = array<i32>} : memref<8x16xi32, #tpu.memory_space<vmem>>, vector<1x16xi32>,
      %get3A_23 = vector.shape_cast %get3A_22 : vector<1x16xi32> to vector<16xi32>
      %swap3A_24 = arith.constant 16 : index
      %swap3A_25 = tpu.vector_load %arg6[%swap3A_24] {strides = array<i32>} : memref<128xi32, #tpu.memory_space<vmem>>, vector<16xi32>,
      %swap3A_26 = vector.shape_cast %swap3A_25 : vector<16xi32> to vector<16xi32>
      %swap3A_27 = vector.shape_cast %get3A_23 : vector<16xi32> to vector<16xi32>
      tpu.vector_store %arg6[%swap3A_24], %swap3A_27 {strides = array<i32>} : memref<128xi32, #tpu.memory_space<vmem>>, vector<16xi32>,
      %get3A_28 = arith.constant 2 : i32
      %get3A_29 = arith.index_cast %get3A_28 : i32 to index
      %get3A_30 = arith.constant 0 : index
      %get3A_31 = tpu.vector_load %arg5[%get3A_29, %get3A_30] {strides = array<i32>} : memref<8x16xi32, #tpu.memory_space<vmem>>, vector<1x16xi32>,
      %get3A_32 = vector.shape_cast %get3A_31 : vector<1x16xi32> to vector<16xi32>
      %swap3A_33 = arith.constant 32 : index
      %swap3A_34 = tpu.vector_load %arg6[%swap3A_33] {strides = array<i32>} : memref<128xi32, #tpu.memory_space<vmem>>, vector<16xi32>,
      %swap3A_35 = vector.shape_cast %swap3A_34 : vector<16xi32> to vector<16xi32>
      %swap3A_36 = vector.shape_cast %get3A_32 : vector<16xi32> to vector<16xi32>
      tpu.vector_store %arg6[%swap3A_33], %swap3A_36 {strides = array<i32>} : memref<128xi32, #tpu.memory_space<vmem>>, vector<16xi32>,
      %get3A_37 = arith.constant 3 : i32
      %get3A_38 = arith.index_cast %get3A_37 : i32 to index
      %get3A_39 = arith.constant 0 : index
      %get3A_40 = tpu.vector_load %arg5[%get3A_38, %get3A_39] {strides = array<i32>} : memref<8x16xi32, #tpu.memory_space<vmem>>, vector<1x16xi32>,
      %get3A_41 = vector.shape_cast %get3A_40 : vector<1x16xi32> to vector<16xi32>
      %swap3A_42 = arith.constant 48 : index
      %swap3A_43 = tpu.vector_load %arg6[%swap3A_42] {strides = array<i32>} : memref<128xi32, #tpu.memory_space<vmem>>, vector<16xi32>,
      %swap3A_44 = vector.shape_cast %swap3A_43 : vector<16xi32> to vector<16xi32>
      %swap3A_45 = vector.shape_cast %get3A_41 : vector<16xi32> to vector<16xi32>
      tpu.vector_store %arg6[%swap3A_42], %swap3A_45 {strides = array<i32>} : memref<128xi32, #tpu.memory_space<vmem>>, vector<16xi32>,
      %get3A_46 = arith.constant 4 : i32
      %get3A_47 = arith.index_cast %get3A_46 : i32 to index
      %get3A_48 = arith.constant 0 : index
      %get3A_49 = tpu.vector_load %arg5[%get3A_47, %get3A_48] {strides = array<i32>} : memref<8x16xi32, #tpu.memory_space<vmem>>, vector<1x16xi32>,
      %get3A_50 = vector.shape_cast %get3A_49 : vector<1x16xi32> to vector<16xi32>
      %swap3A_51 = arith.constant 64 : index
      %swap3A_52 = tpu.vector_load %arg6[%swap3A_51] {strides = array<i32>} : memref<128xi32, #tpu.memory_space<vmem>>, vector<16xi32>,
      %swap3A_53 = vector.shape_cast %swap3A_52 : vector<16xi32> to vector<16xi32>
      %swap3A_54 = vector.shape_cast %get3A_50 : vector<16xi32> to vector<16xi32>
      tpu.vector_store %arg6[%swap3A_51], %swap3A_54 {strides = array<i32>} : memref<128xi32, #tpu.memory_space<vmem>>, vector<16xi32>,
      %get3A_55 = arith.constant 5 : i32
      %get3A_56 = arith.index_cast %get3A_55 : i32 to index
      %get3A_57 = arith.constant 0 : index
      %get3A_58 = tpu.vector_load %arg5[%get3A_56, %get3A_57] {strides = array<i32>} : memref<8x16xi32, #tpu.memory_space<vmem>>, vector<1x16xi32>,
      %get3A_59 = vector.shape_cast %get3A_58 : vector<1x16xi32> to vector<16xi32>
      %swap3A_60 = arith.constant 80 : index
      %swap3A_61 = tpu.vector_load %arg6[%swap3A_60] {strides = array<i32>} : memref<128xi32, #tpu.memory_space<vmem>>, vector<16xi32>,
      %swap3A_62 = vector.shape_cast %swap3A_61 : vector<16xi32> to vector<16xi32>
      %swap3A_63 = vector.shape_cast %get3A_59 : vector<16xi32> to vector<16xi32>
      tpu.vector_store %arg6[%swap3A_60], %swap3A_63 {strides = array<i32>} : memref<128xi32, #tpu.memory_space<vmem>>, vector<16xi32>,
      %get3A_64 = arith.constant 6 : i32
      %get3A_65 = arith.index_cast %get3A_64 : i32 to index
      %get3A_66 = arith.constant 0 : index
      %get3A_67 = tpu.vector_load %arg5[%get3A_65, %get3A_66] {strides = array<i32>} : memref<8x16xi32, #tpu.memory_space<vmem>>, vector<1x16xi32>,
      %get3A_68 = vector.shape_cast %get3A_67 : vector<1x16xi32> to vector<16xi32>
      %swap3A_69 = arith.constant 96 : index
      %swap3A_70 = tpu.vector_load %arg6[%swap3A_69] {strides = array<i32>} : memref<128xi32, #tpu.memory_space<vmem>>, vector<16xi32>,
      %swap3A_71 = vector.shape_cast %swap3A_70 : vector<16xi32> to vector<16xi32>
      %swap3A_72 = vector.shape_cast %get3A_68 : vector<16xi32> to vector<16xi32>
      tpu.vector_store %arg6[%swap3A_69], %swap3A_72 {strides = array<i32>} : memref<128xi32, #tpu.memory_space<vmem>>, vector<16xi32>,
      %get3A_73 = arith.constant 7 : i32
      %get3A_74 = arith.index_cast %get3A_73 : i32 to index
      %get3A_75 = arith.constant 0 : index
      %get3A_76 = tpu.vector_load %arg5[%get3A_74, %get3A_75] {strides = array<i32>} : memref<8x16xi32, #tpu.memory_space<vmem>>, vector<1x16xi32>,
      %get3A_77 = vector.shape_cast %get3A_76 : vector<1x16xi32> to vector<16xi32>
      %swap3A_78 = arith.constant 112 : index
      %swap3A_79 = tpu.vector_load %arg6[%swap3A_78] {strides = array<i32>} : memref<128xi32, #tpu.memory_space<vmem>>, vector<16xi32>,
      %swap3A_80 = vector.shape_cast %swap3A_79 : vector<16xi32> to vector<16xi32>
      %swap3A_81 = vector.shape_cast %get3A_77 : vector<16xi32> to vector<16xi32>
      tpu.vector_store %arg6[%swap3A_78], %swap3A_81 {strides = array<i32>} : memref<128xi32, #tpu.memory_space<vmem>>, vector<16xi32>,
      %dma_start3A = arith.constant 0 : i32
      %dma_start3A_82 = arith.constant 0 : i32
      %dma_start3A_83 = tpu.memref_slice %arg3[%dma_start3A, %dma_start3A_82] : memref<4096x128xf32, #tpu.memory_space<hbm>> -> memref<4096x128xf32, #tpu.memory_space<hbm>>
      tpu.enqueue_indirect_dma source(%dma_start3A_83 : memref<4096x128xf32, #tpu.memory_space<hbm>>) target(%arg7 : memref<128x128xf32, #tpu.memory_space<vmem>>) offsets(%arg6 : memref<128xi32, #tpu.memory_space<vmem>>) semaphore(%arg8 : memref<!tpu.dma_semaphore, #tpu.memory_space<semaphore_mem>>)
      %dma_wait3A = arith.constant 0 : i32
      %dma_wait3A_84 = arith.constant 0 : i32
      %dma_wait3A_85 = tpu.memref_slice %arg3[%dma_wait3A, %dma_wait3A_84] : memref<4096x128xf32, #tpu.memory_space<hbm>> -> memref<4096x128xf32, #tpu.memory_space<hbm>>
      tpu.wait_indirect_dma semaphore(%arg8 : memref<!tpu.dma_semaphore, #tpu.memory_space<semaphore_mem>>) src(%dma_wait3A_85 : memref<4096x128xf32, #tpu.memory_space<hbm>>) dst(%arg7 : memref<128x128xf32, #tpu.memory_space<vmem>>)
      %mul3A_86 = arith.constant 16 : i32
      %mul3A_87 = arith.muli %multiple_of3A, %mul3A_86 : i32
      "tpu.region"() ({
        %run_scoped3A = tpu.sem_alloc : memref<!tpu.dma_semaphore, #tpu.memory_space<semaphore_mem>>
        %dma_start3A_88 = arith.constant 0 : i32
        %dma_start3A_89 = tpu.memref_slice %arg4[%mul3A_87, %dma_start3A_88] : memref<65536x128xf32, #tpu.memory_space<hbm>> -> memref<128x128xf32, #tpu.memory_space<hbm>>
        %dma_start3A_90 = arith.constant 0 : i32
        %dma_start3A_91 = tpu.memref_slice %arg4[%mul3A_87, %dma_start3A_90] : memref<65536x128xf32, #tpu.memory_space<hbm>> -> memref<128x128xf32, #tpu.memory_space<hbm>>
        tpu.enqueue_dma source(%arg7 : memref<128x128xf32, #tpu.memory_space<vmem>>) target(%dma_start3A_91 : memref<128x128xf32, #tpu.memory_space<hbm>>) target_semaphore(%run_scoped3A : memref<!tpu.dma_semaphore, #tpu.memory_space<semaphore_mem>>)
        %dma_wait3A_92 = arith.constant 0 : i32
        %dma_wait3A_93 = tpu.memref_slice %arg4[%mul3A_87, %dma_wait3A_92] : memref<65536x128xf32, #tpu.memory_space<hbm>> -> memref<128x128xf32, #tpu.memory_space<hbm>>
        %dma_wait3A_94 = arith.constant 0 : i32
        %dma_wait3A_95 = tpu.memref_slice %arg4[%mul3A_87, %dma_wait3A_94] : memref<65536x128xf32, #tpu.memory_space<hbm>> -> memref<128x128xf32, #tpu.memory_space<hbm>>
        tpu.wait_dma2 semaphore(%run_scoped3A : memref<!tpu.dma_semaphore, #tpu.memory_space<semaphore_mem>>) src(%arg7 : memref<128x128xf32, #tpu.memory_space<vmem>>) dst(%dma_wait3A_95 : memref<128x128xf32, #tpu.memory_space<hbm>>)
        tpu.yield
      }) : () -> ()
    }
    %scan3A_5 = arith.constant 16 : i32
    return
  }
}

#map = affine_map<(d0, d1) -> (0, 0)>
module attributes {stable_mosaic.version = 14 : i64} {
  func.func @gk(%arg0: i32, %arg1: i32, %arg2: memref<4096x16xi32, #tpu.memory_space<hbm>>, %arg3: memref<4096x128xf32, #tpu.memory_space<hbm>>, %arg4: memref<65536x128xf32, #tpu.memory_space<hbm>>, %arg5: memref<8x16xi32, #tpu.memory_space<vmem>>, %arg6: memref<128xi32, #tpu.memory_space<vmem>>, %arg7: memref<128x128xf32, #tpu.memory_space<vmem>>, %arg8: memref<!tpu.dma_semaphore, #tpu.memory_space<semaphore_mem>>) attributes {dimension_semantics = [#tpu.dimension_semantics<core_parallel>, #tpu.dimension_semantics<subcore_parallel>], iteration_bounds = array<i64: 2, 16>, scalar_prefetch = 0 : i64, scratch_operands = 4 : i64, tpu.core_type = #tpu.core_type<sc_vector_subcore>, window_params = [{transform_indices = #map}, {transform_indices = #map}, {transform_indices = #map}]} {
    %mul3A = arith.constant 2 : i32
    %mul3A_0 = arith.muli %arg1, %mul3A : i32
    %add3A = arith.addi %mul3A_0, %arg0 : i32
    %scan3A = arith.constant 0 : i32
    %scan3A_1 = arith.constant 0 : i32
    %scan3A_2 = arith.constant 16 : i32
    %scan3A_3 = arith.addi %scan3A_1, %scan3A_2 : i32
    %scan3A_4 = arith.constant 1 : i32
    scf.for %scan3A_6 = %scan3A_1 to %scan3A_3 step %scan3A_4  : i32 {
      %mul3A_7 = arith.constant 128 : i32
      %mul3A_8 = arith.muli %add3A, %mul3A_7 : i32
      %mul3A_9 = arith.constant 8 : i32
      %mul3A_10 = arith.muli %scan3A_6, %mul3A_9 : i32
      %add3A_11 = arith.addi %mul3A_8, %mul3A_10 : i32
      %multiple_of3A = tpu.assume_multiple %add3A_11, 8 : i32
      "tpu.region"() ({
        %run_scoped3A = tpu.sem_alloc : memref<!tpu.dma_semaphore, #tpu.memory_space<semaphore_mem>>
        %dma_start3A_88 = arith.constant 0 : i32
        %dma_start3A_89 = tpu.memref_slice %arg2[%multiple_of3A, %dma_start3A_88] : memref<4096x16xi32, #tpu.memory_space<hbm>> -> memref<8x16xi32, #tpu.memory_space<hbm>>
        %dma_start3A_90 = arith.constant 0 : i32
        %dma_start3A_91 = tpu.memref_slice %arg2[%multiple_of3A, %dma_start3A_90] : memref<4096x16xi32, #tpu.memory_space<hbm>> -> memref<8x16xi32, #tpu.memory_space<hbm>>
        tpu.enqueue_dma source(%dma_start3A_91 : memref<8x16xi32, #tpu.memory_space<hbm>>) target(%arg5 : memref<8x16xi32, #tpu.memory_space<vmem>>) target_semaphore(%run_scoped3A : memref<!tpu.dma_semaphore, #tpu.memory_space<semaphore_mem>>)
        %dma_wait3A_92 = arith.constant 0 : i32
        %dma_wait3A_93 = tpu.memref_slice %arg2[%multiple_of3A, %dma_wait3A_92] : memref<4096x16xi32, #tpu.memory_space<hbm>> -> memref<8x16xi32, #tpu.memory_space<hbm>>
        %dma_wait3A_94 = arith.constant 0 : i32
        %dma_wait3A_95 = tpu.memref_slice %arg2[%multiple_of3A, %dma_wait3A_94] : memref<4096x16xi32, #tpu.memory_space<hbm>> -> memref<8x16xi32, #tpu.memory_space<hbm>>
        tpu.wait_dma2 semaphore(%run_scoped3A : memref<!tpu.dma_semaphore, #tpu.memory_space<semaphore_mem>>) src(%dma_wait3A_95 : memref<8x16xi32, #tpu.memory_space<hbm>>) dst(%arg5 : memref<8x16xi32, #tpu.memory_space<vmem>>)
        tpu.yield
      }) : () -> ()
      %get3A = arith.constant 0 : i32
      %get3A_12 = arith.index_cast %get3A : i32 to index
      %get3A_13 = arith.constant 0 : index
      %get3A_14 = tpu.vector_load %arg5[%get3A_12, %get3A_13] {strides = array<i32>} : memref<8x16xi32, #tpu.memory_space<vmem>>, vector<1x16xi32>,
      %get3A_15 = vector.shape_cast %get3A_14 : vector<1x16xi32> to vector<16xi32>
      %swap3A = arith.constant 0 : index
      %swap3A_16 = tpu.vector_load %arg6[%swap3A] {strides = array<i32>} : memref<128xi32, #tpu.memory_space<vmem>>, vector<16xi32>,
      %swap3A_17 = vector.shape_cast %swap3A_16 : vector<16xi32> to vector<16xi32>
      %swap3A_18 = vector.shape_cast %get3A_15 : vector<16xi32> to vector<16xi32>
      tpu.vector_store %arg6[%swap3A], %swap3A_18 {strides = array<i32>} : memref<128xi32, #tpu.memory_space<vmem>>, vector<16xi32>,
      %get3A_19 = arith.constant 1 : i32
      %get3A_20 = arith.index_cast %get3A_19 : i32 to index
      %get3A_21 = arith.constant 0 : index
      %get3A_22 = tpu.vector_load %arg5[%get3A_20, %get3A_21] {strides = array<i32>} : memref<8x16xi32, #tpu.memory_space<vmem>>, vector<1x16xi32>,
      %get3A_23 = vector.shape_cast %get3A_22 : vector<1x16xi32> to vector<16xi32>
      %swap3A_24 = arith.constant 16 : index
      %swap3A_25 = tpu.vector_load %arg6[%swap3A_24] {strides = array<i32>} : memref<128xi32, #tpu.memory_space<vmem>>, vector<16xi32>,
      %swap3A_26 = vector.shape_cast %swap3A_25 : vector<16xi32> to vector<16xi32>
      %swap3A_27 = vector.shape_cast %get3A_23 : vector<16xi32> to vector<16xi32>
      tpu.vector_store %arg6[%swap3A_24], %swap3A_27 {strides = array<i32>} : memref<128xi32, #tpu.memory_space<vmem>>, vector<16xi32>,
      %get3A_28 = arith.constant 2 : i32
      %get3A_29 = arith.index_cast %get3A_28 : i32 to index
      %get3A_30 = arith.constant 0 : index
      %get3A_31 = tpu.vector_load %arg5[%get3A_29, %get3A_30] {strides = array<i32>} : memref<8x16xi32, #tpu.memory_space<vmem>>, vector<1x16xi32>,
      %get3A_32 = vector.shape_cast %get3A_31 : vector<1x16xi32> to vector<16xi32>
      %swap3A_33 = arith.constant 32 : index
      %swap3A_34 = tpu.vector_load %arg6[%swap3A_33] {strides = array<i32>} : memref<128xi32, #tpu.memory_space<vmem>>, vector<16xi32>,
      %swap3A_35 = vector.shape_cast %swap3A_34 : vector<16xi32> to vector<16xi32>
      %swap3A_36 = vector.shape_cast %get3A_32 : vector<16xi32> to vector<16xi32>
      tpu.vector_store %arg6[%swap3A_33], %swap3A_36 {strides = array<i32>} : memref<128xi32, #tpu.memory_space<vmem>>, vector<16xi32>,
      %get3A_37 = arith.constant 3 : i32
      %get3A_38 = arith.index_cast %get3A_37 : i32 to index
      %get3A_39 = arith.constant 0 : index
      %get3A_40 = tpu.vector_load %arg5[%get3A_38, %get3A_39] {strides = array<i32>} : memref<8x16xi32, #tpu.memory_space<vmem>>, vector<1x16xi32>,
      %get3A_41 = vector.shape_cast %get3A_40 : vector<1x16xi32> to vector<16xi32>
      %swap3A_42 = arith.constant 48 : index
      %swap3A_43 = tpu.vector_load %arg6[%swap3A_42] {strides = array<i32>} : memref<128xi32, #tpu.memory_space<vmem>>, vector<16xi32>,
      %swap3A_44 = vector.shape_cast %swap3A_43 : vector<16xi32> to vector<16xi32>
      %swap3A_45 = vector.shape_cast %get3A_41 : vector<16xi32> to vector<16xi32>
      tpu.vector_store %arg6[%swap3A_42], %swap3A_45 {strides = array<i32>} : memref<128xi32, #tpu.memory_space<vmem>>, vector<16xi32>,
      %get3A_46 = arith.constant 4 : i32
      %get3A_47 = arith.index_cast %get3A_46 : i32 to index
      %get3A_48 = arith.constant 0 : index
      %get3A_49 = tpu.vector_load %arg5[%get3A_47, %get3A_48] {strides = array<i32>} : memref<8x16xi32, #tpu.memory_space<vmem>>, vector<1x16xi32>,
      %get3A_50 = vector.shape_cast %get3A_49 : vector<1x16xi32> to vector<16xi32>
      %swap3A_51 = arith.constant 64 : index
      %swap3A_52 = tpu.vector_load %arg6[%swap3A_51] {strides = array<i32>} : memref<128xi32, #tpu.memory_space<vmem>>, vector<16xi32>,
      %swap3A_53 = vector.shape_cast %swap3A_52 : vector<16xi32> to vector<16xi32>
      %swap3A_54 = vector.shape_cast %get3A_50 : vector<16xi32> to vector<16xi32>
      tpu.vector_store %arg6[%swap3A_51], %swap3A_54 {strides = array<i32>} : memref<128xi32, #tpu.memory_space<vmem>>, vector<16xi32>,
      %get3A_55 = arith.constant 5 : i32
      %get3A_56 = arith.index_cast %get3A_55 : i32 to index
      %get3A_57 = arith.constant 0 : index
      %get3A_58 = tpu.vector_load %arg5[%get3A_56, %get3A_57] {strides = array<i32>} : memref<8x16xi32, #tpu.memory_space<vmem>>, vector<1x16xi32>,
      %get3A_59 = vector.shape_cast %get3A_58 : vector<1x16xi32> to vector<16xi32>
      %swap3A_60 = arith.constant 80 : index
      %swap3A_61 = tpu.vector_load %arg6[%swap3A_60] {strides = array<i32>} : memref<128xi32, #tpu.memory_space<vmem>>, vector<16xi32>,
      %swap3A_62 = vector.shape_cast %swap3A_61 : vector<16xi32> to vector<16xi32>
      %swap3A_63 = vector.shape_cast %get3A_59 : vector<16xi32> to vector<16xi32>
      tpu.vector_store %arg6[%swap3A_60], %swap3A_63 {strides = array<i32>} : memref<128xi32, #tpu.memory_space<vmem>>, vector<16xi32>,
      %get3A_64 = arith.constant 6 : i32
      %get3A_65 = arith.index_cast %get3A_64 : i32 to index
      %get3A_66 = arith.constant 0 : index
      %get3A_67 = tpu.vector_load %arg5[%get3A_65, %get3A_66] {strides = array<i32>} : memref<8x16xi32, #tpu.memory_space<vmem>>, vector<1x16xi32>,
      %get3A_68 = vector.shape_cast %get3A_67 : vector<1x16xi32> to vector<16xi32>
      %swap3A_69 = arith.constant 96 : index
      %swap3A_70 = tpu.vector_load %arg6[%swap3A_69] {strides = array<i32>} : memref<128xi32, #tpu.memory_space<vmem>>, vector<16xi32>,
      %swap3A_71 = vector.shape_cast %swap3A_70 : vector<16xi32> to vector<16xi32>
      %swap3A_72 = vector.shape_cast %get3A_68 : vector<16xi32> to vector<16xi32>
      tpu.vector_store %arg6[%swap3A_69], %swap3A_72 {strides = array<i32>} : memref<128xi32, #tpu.memory_space<vmem>>, vector<16xi32>,
      %get3A_73 = arith.constant 7 : i32
      %get3A_74 = arith.index_cast %get3A_73 : i32 to index
      %get3A_75 = arith.constant 0 : index
      %get3A_76 = tpu.vector_load %arg5[%get3A_74, %get3A_75] {strides = array<i32>} : memref<8x16xi32, #tpu.memory_space<vmem>>, vector<1x16xi32>,
      %get3A_77 = vector.shape_cast %get3A_76 : vector<1x16xi32> to vector<16xi32>
      %swap3A_78 = arith.constant 112 : index
      %swap3A_79 = tpu.vector_load %arg6[%swap3A_78] {strides = array<i32>} : memref<128xi32, #tpu.memory_space<vmem>>, vector<16xi32>,
      %swap3A_80 = vector.shape_cast %swap3A_79 : vector<16xi32> to vector<16xi32>
      %swap3A_81 = vector.shape_cast %get3A_77 : vector<16xi32> to vector<16xi32>
      tpu.vector_store %arg6[%swap3A_78], %swap3A_81 {strides = array<i32>} : memref<128xi32, #tpu.memory_space<vmem>>, vector<16xi32>,
      %dma_start3A = arith.constant 0 : i32
      %dma_start3A_82 = arith.constant 0 : i32
      %dma_start3A_83 = tpu.memref_slice %arg3[%dma_start3A, %dma_start3A_82] : memref<4096x128xf32, #tpu.memory_space<hbm>> -> memref<4096x128xf32, #tpu.memory_space<hbm>>
      tpu.enqueue_indirect_dma source(%dma_start3A_83 : memref<4096x128xf32, #tpu.memory_space<hbm>>) target(%arg7 : memref<128x128xf32, #tpu.memory_space<vmem>>) offsets(%arg6 : memref<128xi32, #tpu.memory_space<vmem>>) semaphore(%arg8 : memref<!tpu.dma_semaphore, #tpu.memory_space<semaphore_mem>>)
      %dma_wait3A = arith.constant 0 : i32
      %dma_wait3A_84 = arith.constant 0 : i32
      %dma_wait3A_85 = tpu.memref_slice %arg3[%dma_wait3A, %dma_wait3A_84] : memref<4096x128xf32, #tpu.memory_space<hbm>> -> memref<4096x128xf32, #tpu.memory_space<hbm>>
      tpu.wait_indirect_dma semaphore(%arg8 : memref<!tpu.dma_semaphore, #tpu.memory_space<semaphore_mem>>) src(%dma_wait3A_85 : memref<4096x128xf32, #tpu.memory_space<hbm>>) dst(%arg7 : memref<128x128xf32, #tpu.memory_space<vmem>>)
      %mul3A_86 = arith.constant 16 : i32
      %mul3A_87 = arith.muli %multiple_of3A, %mul3A_86 : i32
      "tpu.region"() ({
        %run_scoped3A = tpu.sem_alloc : memref<!tpu.dma_semaphore, #tpu.memory_space<semaphore_mem>>
        %dma_start3A_88 = arith.constant 0 : i32
        %dma_start3A_89 = tpu.memref_slice %arg4[%mul3A_87, %dma_start3A_88] : memref<65536x128xf32, #tpu.memory_space<hbm>> -> memref<128x128xf32, #tpu.memory_space<hbm>>
        %dma_start3A_90 = arith.constant 0 : i32
        %dma_start3A_91 = tpu.memref_slice %arg4[%mul3A_87, %dma_start3A_90] : memref<65536x128xf32, #tpu.memory_space<hbm>> -> memref<128x128xf32, #tpu.memory_space<hbm>>
        tpu.enqueue_dma source(%arg7 : memref<128x128xf32, #tpu.memory_space<vmem>>) target(%dma_start3A_91 : memref<128x128xf32, #tpu.memory_space<hbm>>) target_semaphore(%run_scoped3A : memref<!tpu.dma_semaphore, #tpu.memory_space<semaphore_mem>>)
        %dma_wait3A_92 = arith.constant 0 : i32
        %dma_wait3A_93 = tpu.memref_slice %arg4[%mul3A_87, %dma_wait3A_92] : memref<65536x128xf32, #tpu.memory_space<hbm>> -> memref<128x128xf32, #tpu.memory_space<hbm>>
        %dma_wait3A_94 = arith.constant 0 : i32
        %dma_wait3A_95 = tpu.memref_slice %arg4[%mul3A_87, %dma_wait3A_94] : memref<65536x128xf32, #tpu.memory_space<hbm>> -> memref<128x128xf32, #tpu.memory_space<hbm>>
        tpu.wait_dma2 semaphore(%run_scoped3A : memref<!tpu.dma_semaphore, #tpu.memory_space<semaphore_mem>>) src(%arg7 : memref<128x128xf32, #tpu.memory_space<vmem>>) dst(%dma_wait3A_95 : memref<128x128xf32, #tpu.memory_space<hbm>>)
        tpu.yield
      }) : () -> ()
    }
    %scan3A_5 = arith.constant 16 : i32
    return
  }
}

#map = affine_map<(d0, d1) -> (0, 0)>
module attributes {stable_mosaic.version = 14 : i64} {
  func.func @gk(%arg0: i32, %arg1: i32, %arg2: memref<4096x16xi32, #tpu.memory_space<hbm>>, %arg3: memref<4096x128xf32, #tpu.memory_space<hbm>>, %arg4: memref<65536x128xf32, #tpu.memory_space<hbm>>, %arg5: memref<8x16xi32, #tpu.memory_space<vmem>>, %arg6: memref<128xi32, #tpu.memory_space<vmem>>, %arg7: memref<128x128xf32, #tpu.memory_space<vmem>>, %arg8: memref<!tpu.dma_semaphore, #tpu.memory_space<semaphore_mem>>) attributes {dimension_semantics = [#tpu.dimension_semantics<core_parallel>, #tpu.dimension_semantics<subcore_parallel>], iteration_bounds = array<i64: 2, 16>, scalar_prefetch = 0 : i64, scratch_operands = 4 : i64, tpu.core_type = #tpu.core_type<sc_vector_subcore>, window_params = [{transform_indices = #map}, {transform_indices = #map}, {transform_indices = #map}]} {
    %mul3A = arith.constant 2 : i32
    %mul3A_0 = arith.muli %arg1, %mul3A : i32
    %add3A = arith.addi %mul3A_0, %arg0 : i32
    %scan3A = arith.constant 0 : i32
    %scan3A_1 = arith.constant 0 : i32
    %scan3A_2 = arith.constant 16 : i32
    %scan3A_3 = arith.addi %scan3A_1, %scan3A_2 : i32
    %scan3A_4 = arith.constant 1 : i32
    scf.for %scan3A_6 = %scan3A_1 to %scan3A_3 step %scan3A_4  : i32 {
      %mul3A_7 = arith.constant 128 : i32
      %mul3A_8 = arith.muli %add3A, %mul3A_7 : i32
      %mul3A_9 = arith.constant 8 : i32
      %mul3A_10 = arith.muli %scan3A_6, %mul3A_9 : i32
      %add3A_11 = arith.addi %mul3A_8, %mul3A_10 : i32
      %multiple_of3A = tpu.assume_multiple %add3A_11, 8 : i32
      "tpu.region"() ({
        %run_scoped3A = tpu.sem_alloc : memref<!tpu.dma_semaphore, #tpu.memory_space<semaphore_mem>>
        %dma_start3A_88 = arith.constant 0 : i32
        %dma_start3A_89 = tpu.memref_slice %arg2[%multiple_of3A, %dma_start3A_88] : memref<4096x16xi32, #tpu.memory_space<hbm>> -> memref<8x16xi32, #tpu.memory_space<hbm>>
        %dma_start3A_90 = arith.constant 0 : i32
        %dma_start3A_91 = tpu.memref_slice %arg2[%multiple_of3A, %dma_start3A_90] : memref<4096x16xi32, #tpu.memory_space<hbm>> -> memref<8x16xi32, #tpu.memory_space<hbm>>
        tpu.enqueue_dma source(%dma_start3A_91 : memref<8x16xi32, #tpu.memory_space<hbm>>) target(%arg5 : memref<8x16xi32, #tpu.memory_space<vmem>>) target_semaphore(%run_scoped3A : memref<!tpu.dma_semaphore, #tpu.memory_space<semaphore_mem>>)
        %dma_wait3A_92 = arith.constant 0 : i32
        %dma_wait3A_93 = tpu.memref_slice %arg2[%multiple_of3A, %dma_wait3A_92] : memref<4096x16xi32, #tpu.memory_space<hbm>> -> memref<8x16xi32, #tpu.memory_space<hbm>>
        %dma_wait3A_94 = arith.constant 0 : i32
        %dma_wait3A_95 = tpu.memref_slice %arg2[%multiple_of3A, %dma_wait3A_94] : memref<4096x16xi32, #tpu.memory_space<hbm>> -> memref<8x16xi32, #tpu.memory_space<hbm>>
        tpu.wait_dma2 semaphore(%run_scoped3A : memref<!tpu.dma_semaphore, #tpu.memory_space<semaphore_mem>>) src(%dma_wait3A_95 : memref<8x16xi32, #tpu.memory_space<hbm>>) dst(%arg5 : memref<8x16xi32, #tpu.memory_space<vmem>>)
        tpu.yield
      }) : () -> ()
      %get3A = arith.constant 0 : i32
      %get3A_12 = arith.index_cast %get3A : i32 to index
      %get3A_13 = arith.constant 0 : index
      %get3A_14 = tpu.vector_load %arg5[%get3A_12, %get3A_13] {strides = array<i32>} : memref<8x16xi32, #tpu.memory_space<vmem>>, vector<1x16xi32>,
      %get3A_15 = vector.shape_cast %get3A_14 : vector<1x16xi32> to vector<16xi32>
      %swap3A = arith.constant 0 : index
      %swap3A_16 = tpu.vector_load %arg6[%swap3A] {strides = array<i32>} : memref<128xi32, #tpu.memory_space<vmem>>, vector<16xi32>,
      %swap3A_17 = vector.shape_cast %swap3A_16 : vector<16xi32> to vector<16xi32>
      %swap3A_18 = vector.shape_cast %get3A_15 : vector<16xi32> to vector<16xi32>
      tpu.vector_store %arg6[%swap3A], %swap3A_18 {strides = array<i32>} : memref<128xi32, #tpu.memory_space<vmem>>, vector<16xi32>,
      %get3A_19 = arith.constant 1 : i32
      %get3A_20 = arith.index_cast %get3A_19 : i32 to index
      %get3A_21 = arith.constant 0 : index
      %get3A_22 = tpu.vector_load %arg5[%get3A_20, %get3A_21] {strides = array<i32>} : memref<8x16xi32, #tpu.memory_space<vmem>>, vector<1x16xi32>,
      %get3A_23 = vector.shape_cast %get3A_22 : vector<1x16xi32> to vector<16xi32>
      %swap3A_24 = arith.constant 16 : index
      %swap3A_25 = tpu.vector_load %arg6[%swap3A_24] {strides = array<i32>} : memref<128xi32, #tpu.memory_space<vmem>>, vector<16xi32>,
      %swap3A_26 = vector.shape_cast %swap3A_25 : vector<16xi32> to vector<16xi32>
      %swap3A_27 = vector.shape_cast %get3A_23 : vector<16xi32> to vector<16xi32>
      tpu.vector_store %arg6[%swap3A_24], %swap3A_27 {strides = array<i32>} : memref<128xi32, #tpu.memory_space<vmem>>, vector<16xi32>,
      %get3A_28 = arith.constant 2 : i32
      %get3A_29 = arith.index_cast %get3A_28 : i32 to index
      %get3A_30 = arith.constant 0 : index
      %get3A_31 = tpu.vector_load %arg5[%get3A_29, %get3A_30] {strides = array<i32>} : memref<8x16xi32, #tpu.memory_space<vmem>>, vector<1x16xi32>,
      %get3A_32 = vector.shape_cast %get3A_31 : vector<1x16xi32> to vector<16xi32>
      %swap3A_33 = arith.constant 32 : index
      %swap3A_34 = tpu.vector_load %arg6[%swap3A_33] {strides = array<i32>} : memref<128xi32, #tpu.memory_space<vmem>>, vector<16xi32>,
      %swap3A_35 = vector.shape_cast %swap3A_34 : vector<16xi32> to vector<16xi32>
      %swap3A_36 = vector.shape_cast %get3A_32 : vector<16xi32> to vector<16xi32>
      tpu.vector_store %arg6[%swap3A_33], %swap3A_36 {strides = array<i32>} : memref<128xi32, #tpu.memory_space<vmem>>, vector<16xi32>,
      %get3A_37 = arith.constant 3 : i32
      %get3A_38 = arith.index_cast %get3A_37 : i32 to index
      %get3A_39 = arith.constant 0 : index
      %get3A_40 = tpu.vector_load %arg5[%get3A_38, %get3A_39] {strides = array<i32>} : memref<8x16xi32, #tpu.memory_space<vmem>>, vector<1x16xi32>,
      %get3A_41 = vector.shape_cast %get3A_40 : vector<1x16xi32> to vector<16xi32>
      %swap3A_42 = arith.constant 48 : index
      %swap3A_43 = tpu.vector_load %arg6[%swap3A_42] {strides = array<i32>} : memref<128xi32, #tpu.memory_space<vmem>>, vector<16xi32>,
      %swap3A_44 = vector.shape_cast %swap3A_43 : vector<16xi32> to vector<16xi32>
      %swap3A_45 = vector.shape_cast %get3A_41 : vector<16xi32> to vector<16xi32>
      tpu.vector_store %arg6[%swap3A_42], %swap3A_45 {strides = array<i32>} : memref<128xi32, #tpu.memory_space<vmem>>, vector<16xi32>,
      %get3A_46 = arith.constant 4 : i32
      %get3A_47 = arith.index_cast %get3A_46 : i32 to index
      %get3A_48 = arith.constant 0 : index
      %get3A_49 = tpu.vector_load %arg5[%get3A_47, %get3A_48] {strides = array<i32>} : memref<8x16xi32, #tpu.memory_space<vmem>>, vector<1x16xi32>,
      %get3A_50 = vector.shape_cast %get3A_49 : vector<1x16xi32> to vector<16xi32>
      %swap3A_51 = arith.constant 64 : index
      %swap3A_52 = tpu.vector_load %arg6[%swap3A_51] {strides = array<i32>} : memref<128xi32, #tpu.memory_space<vmem>>, vector<16xi32>,
      %swap3A_53 = vector.shape_cast %swap3A_52 : vector<16xi32> to vector<16xi32>
      %swap3A_54 = vector.shape_cast %get3A_50 : vector<16xi32> to vector<16xi32>
      tpu.vector_store %arg6[%swap3A_51], %swap3A_54 {strides = array<i32>} : memref<128xi32, #tpu.memory_space<vmem>>, vector<16xi32>,
      %get3A_55 = arith.constant 5 : i32
      %get3A_56 = arith.index_cast %get3A_55 : i32 to index
      %get3A_57 = arith.constant 0 : index
      %get3A_58 = tpu.vector_load %arg5[%get3A_56, %get3A_57] {strides = array<i32>} : memref<8x16xi32, #tpu.memory_space<vmem>>, vector<1x16xi32>,
      %get3A_59 = vector.shape_cast %get3A_58 : vector<1x16xi32> to vector<16xi32>
      %swap3A_60 = arith.constant 80 : index
      %swap3A_61 = tpu.vector_load %arg6[%swap3A_60] {strides = array<i32>} : memref<128xi32, #tpu.memory_space<vmem>>, vector<16xi32>,
      %swap3A_62 = vector.shape_cast %swap3A_61 : vector<16xi32> to vector<16xi32>
      %swap3A_63 = vector.shape_cast %get3A_59 : vector<16xi32> to vector<16xi32>
      tpu.vector_store %arg6[%swap3A_60], %swap3A_63 {strides = array<i32>} : memref<128xi32, #tpu.memory_space<vmem>>, vector<16xi32>,
      %get3A_64 = arith.constant 6 : i32
      %get3A_65 = arith.index_cast %get3A_64 : i32 to index
      %get3A_66 = arith.constant 0 : index
      %get3A_67 = tpu.vector_load %arg5[%get3A_65, %get3A_66] {strides = array<i32>} : memref<8x16xi32, #tpu.memory_space<vmem>>, vector<1x16xi32>,
      %get3A_68 = vector.shape_cast %get3A_67 : vector<1x16xi32> to vector<16xi32>
      %swap3A_69 = arith.constant 96 : index
      %swap3A_70 = tpu.vector_load %arg6[%swap3A_69] {strides = array<i32>} : memref<128xi32, #tpu.memory_space<vmem>>, vector<16xi32>,
      %swap3A_71 = vector.shape_cast %swap3A_70 : vector<16xi32> to vector<16xi32>
      %swap3A_72 = vector.shape_cast %get3A_68 : vector<16xi32> to vector<16xi32>
      tpu.vector_store %arg6[%swap3A_69], %swap3A_72 {strides = array<i32>} : memref<128xi32, #tpu.memory_space<vmem>>, vector<16xi32>,
      %get3A_73 = arith.constant 7 : i32
      %get3A_74 = arith.index_cast %get3A_73 : i32 to index
      %get3A_75 = arith.constant 0 : index
      %get3A_76 = tpu.vector_load %arg5[%get3A_74, %get3A_75] {strides = array<i32>} : memref<8x16xi32, #tpu.memory_space<vmem>>, vector<1x16xi32>,
      %get3A_77 = vector.shape_cast %get3A_76 : vector<1x16xi32> to vector<16xi32>
      %swap3A_78 = arith.constant 112 : index
      %swap3A_79 = tpu.vector_load %arg6[%swap3A_78] {strides = array<i32>} : memref<128xi32, #tpu.memory_space<vmem>>, vector<16xi32>,
      %swap3A_80 = vector.shape_cast %swap3A_79 : vector<16xi32> to vector<16xi32>
      %swap3A_81 = vector.shape_cast %get3A_77 : vector<16xi32> to vector<16xi32>
      tpu.vector_store %arg6[%swap3A_78], %swap3A_81 {strides = array<i32>} : memref<128xi32, #tpu.memory_space<vmem>>, vector<16xi32>,
      %dma_start3A = arith.constant 0 : i32
      %dma_start3A_82 = arith.constant 0 : i32
      %dma_start3A_83 = tpu.memref_slice %arg3[%dma_start3A, %dma_start3A_82] : memref<4096x128xf32, #tpu.memory_space<hbm>> -> memref<4096x128xf32, #tpu.memory_space<hbm>>
      tpu.enqueue_indirect_dma source(%dma_start3A_83 : memref<4096x128xf32, #tpu.memory_space<hbm>>) target(%arg7 : memref<128x128xf32, #tpu.memory_space<vmem>>) offsets(%arg6 : memref<128xi32, #tpu.memory_space<vmem>>) semaphore(%arg8 : memref<!tpu.dma_semaphore, #tpu.memory_space<semaphore_mem>>)
      %dma_wait3A = arith.constant 0 : i32
      %dma_wait3A_84 = arith.constant 0 : i32
      %dma_wait3A_85 = tpu.memref_slice %arg3[%dma_wait3A, %dma_wait3A_84] : memref<4096x128xf32, #tpu.memory_space<hbm>> -> memref<4096x128xf32, #tpu.memory_space<hbm>>
      tpu.wait_indirect_dma semaphore(%arg8 : memref<!tpu.dma_semaphore, #tpu.memory_space<semaphore_mem>>) src(%dma_wait3A_85 : memref<4096x128xf32, #tpu.memory_space<hbm>>) dst(%arg7 : memref<128x128xf32, #tpu.memory_space<vmem>>)
      %mul3A_86 = arith.constant 16 : i32
      %mul3A_87 = arith.muli %multiple_of3A, %mul3A_86 : i32
      "tpu.region"() ({
        %run_scoped3A = tpu.sem_alloc : memref<!tpu.dma_semaphore, #tpu.memory_space<semaphore_mem>>
        %dma_start3A_88 = arith.constant 0 : i32
        %dma_start3A_89 = tpu.memref_slice %arg4[%mul3A_87, %dma_start3A_88] : memref<65536x128xf32, #tpu.memory_space<hbm>> -> memref<128x128xf32, #tpu.memory_space<hbm>>
        %dma_start3A_90 = arith.constant 0 : i32
        %dma_start3A_91 = tpu.memref_slice %arg4[%mul3A_87, %dma_start3A_90] : memref<65536x128xf32, #tpu.memory_space<hbm>> -> memref<128x128xf32, #tpu.memory_space<hbm>>
        tpu.enqueue_dma source(%arg7 : memref<128x128xf32, #tpu.memory_space<vmem>>) target(%dma_start3A_91 : memref<128x128xf32, #tpu.memory_space<hbm>>) target_semaphore(%run_scoped3A : memref<!tpu.dma_semaphore, #tpu.memory_space<semaphore_mem>>)
        %dma_wait3A_92 = arith.constant 0 : i32
        %dma_wait3A_93 = tpu.memref_slice %arg4[%mul3A_87, %dma_wait3A_92] : memref<65536x128xf32, #tpu.memory_space<hbm>> -> memref<128x128xf32, #tpu.memory_space<hbm>>
        %dma_wait3A_94 = arith.constant 0 : i32
        %dma_wait3A_95 = tpu.memref_slice %arg4[%mul3A_87, %dma_wait3A_94] : memref<65536x128xf32, #tpu.memory_space<hbm>> -> memref<128x128xf32, #tpu.memory_space<hbm>>
        tpu.wait_dma2 semaphore(%run_scoped3A : memref<!tpu.dma_semaphore, #tpu.memory_space<semaphore_mem>>) src(%arg7 : memref<128x128xf32, #tpu.memory_space<vmem>>) dst(%dma_wait3A_95 : memref<128x128xf32, #tpu.memory_space<hbm>>)
        tpu.yield
      }) : () -> ()
    }
    %scan3A_5 = arith.constant 16 : i32
    return
  }
}

#map = affine_map<(d0, d1) -> (0, 0)>
module attributes {stable_mosaic.version = 14 : i64} {
  func.func @gk(%arg0: i32, %arg1: i32, %arg2: memref<4096x16xi32, #tpu.memory_space<hbm>>, %arg3: memref<4096x128xf32, #tpu.memory_space<hbm>>, %arg4: memref<65536x128xf32, #tpu.memory_space<hbm>>, %arg5: memref<8x16xi32, #tpu.memory_space<vmem>>, %arg6: memref<128xi32, #tpu.memory_space<vmem>>, %arg7: memref<128x128xf32, #tpu.memory_space<vmem>>, %arg8: memref<!tpu.dma_semaphore, #tpu.memory_space<semaphore_mem>>) attributes {dimension_semantics = [#tpu.dimension_semantics<core_parallel>, #tpu.dimension_semantics<subcore_parallel>], iteration_bounds = array<i64: 2, 16>, scalar_prefetch = 0 : i64, scratch_operands = 4 : i64, tpu.core_type = #tpu.core_type<sc_vector_subcore>, window_params = [{transform_indices = #map}, {transform_indices = #map}, {transform_indices = #map}]} {
    %mul3A = arith.constant 2 : i32
    %mul3A_0 = arith.muli %arg1, %mul3A : i32
    %add3A = arith.addi %mul3A_0, %arg0 : i32
    %scan3A = arith.constant 0 : i32
    %scan3A_1 = arith.constant 0 : i32
    %scan3A_2 = arith.constant 16 : i32
    %scan3A_3 = arith.addi %scan3A_1, %scan3A_2 : i32
    %scan3A_4 = arith.constant 1 : i32
    scf.for %scan3A_6 = %scan3A_1 to %scan3A_3 step %scan3A_4  : i32 {
      %mul3A_7 = arith.constant 128 : i32
      %mul3A_8 = arith.muli %add3A, %mul3A_7 : i32
      %mul3A_9 = arith.constant 8 : i32
      %mul3A_10 = arith.muli %scan3A_6, %mul3A_9 : i32
      %add3A_11 = arith.addi %mul3A_8, %mul3A_10 : i32
      %multiple_of3A = tpu.assume_multiple %add3A_11, 8 : i32
      "tpu.region"() ({
        %run_scoped3A = tpu.sem_alloc : memref<!tpu.dma_semaphore, #tpu.memory_space<semaphore_mem>>
        %dma_start3A_88 = arith.constant 0 : i32
        %dma_start3A_89 = tpu.memref_slice %arg2[%multiple_of3A, %dma_start3A_88] : memref<4096x16xi32, #tpu.memory_space<hbm>> -> memref<8x16xi32, #tpu.memory_space<hbm>>
        %dma_start3A_90 = arith.constant 0 : i32
        %dma_start3A_91 = tpu.memref_slice %arg2[%multiple_of3A, %dma_start3A_90] : memref<4096x16xi32, #tpu.memory_space<hbm>> -> memref<8x16xi32, #tpu.memory_space<hbm>>
        tpu.enqueue_dma source(%dma_start3A_91 : memref<8x16xi32, #tpu.memory_space<hbm>>) target(%arg5 : memref<8x16xi32, #tpu.memory_space<vmem>>) target_semaphore(%run_scoped3A : memref<!tpu.dma_semaphore, #tpu.memory_space<semaphore_mem>>)
        %dma_wait3A_92 = arith.constant 0 : i32
        %dma_wait3A_93 = tpu.memref_slice %arg2[%multiple_of3A, %dma_wait3A_92] : memref<4096x16xi32, #tpu.memory_space<hbm>> -> memref<8x16xi32, #tpu.memory_space<hbm>>
        %dma_wait3A_94 = arith.constant 0 : i32
        %dma_wait3A_95 = tpu.memref_slice %arg2[%multiple_of3A, %dma_wait3A_94] : memref<4096x16xi32, #tpu.memory_space<hbm>> -> memref<8x16xi32, #tpu.memory_space<hbm>>
        tpu.wait_dma2 semaphore(%run_scoped3A : memref<!tpu.dma_semaphore, #tpu.memory_space<semaphore_mem>>) src(%dma_wait3A_95 : memref<8x16xi32, #tpu.memory_space<hbm>>) dst(%arg5 : memref<8x16xi32, #tpu.memory_space<vmem>>)
        tpu.yield
      }) : () -> ()
      %get3A = arith.constant 0 : i32
      %get3A_12 = arith.index_cast %get3A : i32 to index
      %get3A_13 = arith.constant 0 : index
      %get3A_14 = tpu.vector_load %arg5[%get3A_12, %get3A_13] {strides = array<i32>} : memref<8x16xi32, #tpu.memory_space<vmem>>, vector<1x16xi32>,
      %get3A_15 = vector.shape_cast %get3A_14 : vector<1x16xi32> to vector<16xi32>
      %swap3A = arith.constant 0 : index
      %swap3A_16 = tpu.vector_load %arg6[%swap3A] {strides = array<i32>} : memref<128xi32, #tpu.memory_space<vmem>>, vector<16xi32>,
      %swap3A_17 = vector.shape_cast %swap3A_16 : vector<16xi32> to vector<16xi32>
      %swap3A_18 = vector.shape_cast %get3A_15 : vector<16xi32> to vector<16xi32>
      tpu.vector_store %arg6[%swap3A], %swap3A_18 {strides = array<i32>} : memref<128xi32, #tpu.memory_space<vmem>>, vector<16xi32>,
      %get3A_19 = arith.constant 1 : i32
      %get3A_20 = arith.index_cast %get3A_19 : i32 to index
      %get3A_21 = arith.constant 0 : index
      %get3A_22 = tpu.vector_load %arg5[%get3A_20, %get3A_21] {strides = array<i32>} : memref<8x16xi32, #tpu.memory_space<vmem>>, vector<1x16xi32>,
      %get3A_23 = vector.shape_cast %get3A_22 : vector<1x16xi32> to vector<16xi32>
      %swap3A_24 = arith.constant 16 : index
      %swap3A_25 = tpu.vector_load %arg6[%swap3A_24] {strides = array<i32>} : memref<128xi32, #tpu.memory_space<vmem>>, vector<16xi32>,
      %swap3A_26 = vector.shape_cast %swap3A_25 : vector<16xi32> to vector<16xi32>
      %swap3A_27 = vector.shape_cast %get3A_23 : vector<16xi32> to vector<16xi32>
      tpu.vector_store %arg6[%swap3A_24], %swap3A_27 {strides = array<i32>} : memref<128xi32, #tpu.memory_space<vmem>>, vector<16xi32>,
      %get3A_28 = arith.constant 2 : i32
      %get3A_29 = arith.index_cast %get3A_28 : i32 to index
      %get3A_30 = arith.constant 0 : index
      %get3A_31 = tpu.vector_load %arg5[%get3A_29, %get3A_30] {strides = array<i32>} : memref<8x16xi32, #tpu.memory_space<vmem>>, vector<1x16xi32>,
      %get3A_32 = vector.shape_cast %get3A_31 : vector<1x16xi32> to vector<16xi32>
      %swap3A_33 = arith.constant 32 : index
      %swap3A_34 = tpu.vector_load %arg6[%swap3A_33] {strides = array<i32>} : memref<128xi32, #tpu.memory_space<vmem>>, vector<16xi32>,
      %swap3A_35 = vector.shape_cast %swap3A_34 : vector<16xi32> to vector<16xi32>
      %swap3A_36 = vector.shape_cast %get3A_32 : vector<16xi32> to vector<16xi32>
      tpu.vector_store %arg6[%swap3A_33], %swap3A_36 {strides = array<i32>} : memref<128xi32, #tpu.memory_space<vmem>>, vector<16xi32>,
      %get3A_37 = arith.constant 3 : i32
      %get3A_38 = arith.index_cast %get3A_37 : i32 to index
      %get3A_39 = arith.constant 0 : index
      %get3A_40 = tpu.vector_load %arg5[%get3A_38, %get3A_39] {strides = array<i32>} : memref<8x16xi32, #tpu.memory_space<vmem>>, vector<1x16xi32>,
      %get3A_41 = vector.shape_cast %get3A_40 : vector<1x16xi32> to vector<16xi32>
      %swap3A_42 = arith.constant 48 : index
      %swap3A_43 = tpu.vector_load %arg6[%swap3A_42] {strides = array<i32>} : memref<128xi32, #tpu.memory_space<vmem>>, vector<16xi32>,
      %swap3A_44 = vector.shape_cast %swap3A_43 : vector<16xi32> to vector<16xi32>
      %swap3A_45 = vector.shape_cast %get3A_41 : vector<16xi32> to vector<16xi32>
      tpu.vector_store %arg6[%swap3A_42], %swap3A_45 {strides = array<i32>} : memref<128xi32, #tpu.memory_space<vmem>>, vector<16xi32>,
      %get3A_46 = arith.constant 4 : i32
      %get3A_47 = arith.index_cast %get3A_46 : i32 to index
      %get3A_48 = arith.constant 0 : index
      %get3A_49 = tpu.vector_load %arg5[%get3A_47, %get3A_48] {strides = array<i32>} : memref<8x16xi32, #tpu.memory_space<vmem>>, vector<1x16xi32>,
      %get3A_50 = vector.shape_cast %get3A_49 : vector<1x16xi32> to vector<16xi32>
      %swap3A_51 = arith.constant 64 : index
      %swap3A_52 = tpu.vector_load %arg6[%swap3A_51] {strides = array<i32>} : memref<128xi32, #tpu.memory_space<vmem>>, vector<16xi32>,
      %swap3A_53 = vector.shape_cast %swap3A_52 : vector<16xi32> to vector<16xi32>
      %swap3A_54 = vector.shape_cast %get3A_50 : vector<16xi32> to vector<16xi32>
      tpu.vector_store %arg6[%swap3A_51], %swap3A_54 {strides = array<i32>} : memref<128xi32, #tpu.memory_space<vmem>>, vector<16xi32>,
      %get3A_55 = arith.constant 5 : i32
      %get3A_56 = arith.index_cast %get3A_55 : i32 to index
      %get3A_57 = arith.constant 0 : index
      %get3A_58 = tpu.vector_load %arg5[%get3A_56, %get3A_57] {strides = array<i32>} : memref<8x16xi32, #tpu.memory_space<vmem>>, vector<1x16xi32>,
      %get3A_59 = vector.shape_cast %get3A_58 : vector<1x16xi32> to vector<16xi32>
      %swap3A_60 = arith.constant 80 : index
      %swap3A_61 = tpu.vector_load %arg6[%swap3A_60] {strides = array<i32>} : memref<128xi32, #tpu.memory_space<vmem>>, vector<16xi32>,
      %swap3A_62 = vector.shape_cast %swap3A_61 : vector<16xi32> to vector<16xi32>
      %swap3A_63 = vector.shape_cast %get3A_59 : vector<16xi32> to vector<16xi32>
      tpu.vector_store %arg6[%swap3A_60], %swap3A_63 {strides = array<i32>} : memref<128xi32, #tpu.memory_space<vmem>>, vector<16xi32>,
      %get3A_64 = arith.constant 6 : i32
      %get3A_65 = arith.index_cast %get3A_64 : i32 to index
      %get3A_66 = arith.constant 0 : index
      %get3A_67 = tpu.vector_load %arg5[%get3A_65, %get3A_66] {strides = array<i32>} : memref<8x16xi32, #tpu.memory_space<vmem>>, vector<1x16xi32>,
      %get3A_68 = vector.shape_cast %get3A_67 : vector<1x16xi32> to vector<16xi32>
      %swap3A_69 = arith.constant 96 : index
      %swap3A_70 = tpu.vector_load %arg6[%swap3A_69] {strides = array<i32>} : memref<128xi32, #tpu.memory_space<vmem>>, vector<16xi32>,
      %swap3A_71 = vector.shape_cast %swap3A_70 : vector<16xi32> to vector<16xi32>
      %swap3A_72 = vector.shape_cast %get3A_68 : vector<16xi32> to vector<16xi32>
      tpu.vector_store %arg6[%swap3A_69], %swap3A_72 {strides = array<i32>} : memref<128xi32, #tpu.memory_space<vmem>>, vector<16xi32>,
      %get3A_73 = arith.constant 7 : i32
      %get3A_74 = arith.index_cast %get3A_73 : i32 to index
      %get3A_75 = arith.constant 0 : index
      %get3A_76 = tpu.vector_load %arg5[%get3A_74, %get3A_75] {strides = array<i32>} : memref<8x16xi32, #tpu.memory_space<vmem>>, vector<1x16xi32>,
      %get3A_77 = vector.shape_cast %get3A_76 : vector<1x16xi32> to vector<16xi32>
      %swap3A_78 = arith.constant 112 : index
      %swap3A_79 = tpu.vector_load %arg6[%swap3A_78] {strides = array<i32>} : memref<128xi32, #tpu.memory_space<vmem>>, vector<16xi32>,
      %swap3A_80 = vector.shape_cast %swap3A_79 : vector<16xi32> to vector<16xi32>
      %swap3A_81 = vector.shape_cast %get3A_77 : vector<16xi32> to vector<16xi32>
      tpu.vector_store %arg6[%swap3A_78], %swap3A_81 {strides = array<i32>} : memref<128xi32, #tpu.memory_space<vmem>>, vector<16xi32>,
      %dma_start3A = arith.constant 0 : i32
      %dma_start3A_82 = arith.constant 0 : i32
      %dma_start3A_83 = tpu.memref_slice %arg3[%dma_start3A, %dma_start3A_82] : memref<4096x128xf32, #tpu.memory_space<hbm>> -> memref<4096x128xf32, #tpu.memory_space<hbm>>
      tpu.enqueue_indirect_dma source(%dma_start3A_83 : memref<4096x128xf32, #tpu.memory_space<hbm>>) target(%arg7 : memref<128x128xf32, #tpu.memory_space<vmem>>) offsets(%arg6 : memref<128xi32, #tpu.memory_space<vmem>>) semaphore(%arg8 : memref<!tpu.dma_semaphore, #tpu.memory_space<semaphore_mem>>)
      %dma_wait3A = arith.constant 0 : i32
      %dma_wait3A_84 = arith.constant 0 : i32
      %dma_wait3A_85 = tpu.memref_slice %arg3[%dma_wait3A, %dma_wait3A_84] : memref<4096x128xf32, #tpu.memory_space<hbm>> -> memref<4096x128xf32, #tpu.memory_space<hbm>>
      tpu.wait_indirect_dma semaphore(%arg8 : memref<!tpu.dma_semaphore, #tpu.memory_space<semaphore_mem>>) src(%dma_wait3A_85 : memref<4096x128xf32, #tpu.memory_space<hbm>>) dst(%arg7 : memref<128x128xf32, #tpu.memory_space<vmem>>)
      %mul3A_86 = arith.constant 16 : i32
      %mul3A_87 = arith.muli %multiple_of3A, %mul3A_86 : i32
      "tpu.region"() ({
        %run_scoped3A = tpu.sem_alloc : memref<!tpu.dma_semaphore, #tpu.memory_space<semaphore_mem>>
        %dma_start3A_88 = arith.constant 0 : i32
        %dma_start3A_89 = tpu.memref_slice %arg4[%mul3A_87, %dma_start3A_88] : memref<65536x128xf32, #tpu.memory_space<hbm>> -> memref<128x128xf32, #tpu.memory_space<hbm>>
        %dma_start3A_90 = arith.constant 0 : i32
        %dma_start3A_91 = tpu.memref_slice %arg4[%mul3A_87, %dma_start3A_90] : memref<65536x128xf32, #tpu.memory_space<hbm>> -> memref<128x128xf32, #tpu.memory_space<hbm>>
        tpu.enqueue_dma source(%arg7 : memref<128x128xf32, #tpu.memory_space<vmem>>) target(%dma_start3A_91 : memref<128x128xf32, #tpu.memory_space<hbm>>) target_semaphore(%run_scoped3A : memref<!tpu.dma_semaphore, #tpu.memory_space<semaphore_mem>>)
        %dma_wait3A_92 = arith.constant 0 : i32
        %dma_wait3A_93 = tpu.memref_slice %arg4[%mul3A_87, %dma_wait3A_92] : memref<65536x128xf32, #tpu.memory_space<hbm>> -> memref<128x128xf32, #tpu.memory_space<hbm>>
        %dma_wait3A_94 = arith.constant 0 : i32
        %dma_wait3A_95 = tpu.memref_slice %arg4[%mul3A_87, %dma_wait3A_94] : memref<65536x128xf32, #tpu.memory_space<hbm>> -> memref<128x128xf32, #tpu.memory_space<hbm>>
        tpu.wait_dma2 semaphore(%run_scoped3A : memref<!tpu.dma_semaphore, #tpu.memory_space<semaphore_mem>>) src(%arg7 : memref<128x128xf32, #tpu.memory_space<vmem>>) dst(%dma_wait3A_95 : memref<128x128xf32, #tpu.memory_space<hbm>>)
        tpu.yield
      }) : () -> ()
    }
    %scan3A_5 = arith.constant 16 : i32
    return
  }
}

module attributes {stable_mosaic.version = 14 : i64} {
  func.func @_edge_stats_body(%arg0: i32, %arg1: memref<128x16x128xf32, #tpu.memory_space<vmem>>, %arg2: memref<128x64xf32, #tpu.memory_space<vmem>>, %arg3: memref<128x64xf32, #tpu.memory_space<vmem>>, %arg4: memref<128x64xf32, #tpu.memory_space<vmem>>, %arg5: memref<1x64xf32, #tpu.memory_space<vmem>>, %arg6: memref<1x64xf32, #tpu.memory_space<vmem>>) attributes {dimension_semantics = [#tpu.dimension_semantics<arbitrary>], iteration_bounds = array<i64: 32>, scalar_prefetch = 0 : i64, scratch_operands = 0 : i64, tpu.core_type = #tpu.core_type<tc>, window_params = [{transform_indices = @transform_0, window_bounds = array<i64: 128, 16, 128>}, {transform_indices = @transform_1, window_bounds = array<i64: 128, 64>}, {transform_indices = @transform_2, window_bounds = array<i64: 128, 64>}, {transform_indices = @transform_3, window_bounds = array<i64: 128, 64>}, {pipeline_mode = #tpu.pipeline_mode<synchronous>, transform_indices = @transform_4, window_bounds = array<i64: 1, 64>}, {pipeline_mode = #tpu.pipeline_mode<synchronous>, transform_indices = @transform_5, window_bounds = array<i64: 1, 64>}]} {
    %eq3A = arith.constant 0 : i32
    %eq3A_0 = arith.cmpi eq, %arg0, %eq3A : i32
    %get3A = arith.constant 0 : index
    %get3A_1 = arith.constant 0 : index
    %get3A_2 = vector.load %arg2[%get3A, %get3A_1] : memref<128x64xf32, #tpu.memory_space<vmem>>, vector<128x64xf32>
    %broadcast_in_dim3A = arith.constant 1.000000e+00 : f32
    %broadcast_in_dim3A_3 = vector.broadcast %broadcast_in_dim3A : f32 to vector<1x128xf32>
    %broadcast_in_dim3A_4 = arith.constant 0.000000e+00 : f32
    %broadcast_in_dim3A_5 = vector.broadcast %broadcast_in_dim3A_4 : f32 to vector<1x64xf32>
    %broadcast_in_dim3A_6 = arith.constant 0.000000e+00 : f32
    %broadcast_in_dim3A_7 = vector.broadcast %broadcast_in_dim3A_6 : f32 to vector<1x64xf32>
    %get3A_8 = arith.constant 0 : index
    %get3A_9 = arith.constant 0 : index
    %get3A_10 = arith.constant 0 : index
    %get3A_11 = vector.load %arg1[%get3A_8, %get3A_9, %get3A_10] : memref<128x16x128xf32, #tpu.memory_space<vmem>>, vector<128x1x64xf32>
    %get3A_12 = vector.shape_cast %get3A_11 : vector<128x1x64xf32> to vector<128x64xf32>
    %sub3A = arith.subf %get3A_2, %get3A_12 : vector<128x64xf32>
    %dot_general3A = arith.constant dense<0.000000e+00> : vector<1x64xf32>
    %dot_general3A_13 = tpu.matmul %broadcast_in_dim3A_3, %sub3A, %dot_general3A {dimension_numbers = #tpu.dot_dimension_numbers<[1], [0], [0], [1], [0, 0, 1, 1], [], []>, transpose_lhs_hint = false} : vector<1x128xf32>, vector<128x64xf32>, vector<1x64xf32> -> vector<1x64xf32>
    %add3A = arith.addf %broadcast_in_dim3A_5, %dot_general3A_13 : vector<1x64xf32>
    %mul3A = arith.mulf %sub3A, %sub3A : vector<128x64xf32>
    %dot_general3A_14 = arith.constant dense<0.000000e+00> : vector<1x64xf32>
    %dot_general3A_15 = tpu.matmul %broadcast_in_dim3A_3, %mul3A, %dot_general3A_14 {dimension_numbers = #tpu.dot_dimension_numbers<[1], [0], [0], [1], [0, 0, 1, 1], [], []>, transpose_lhs_hint = false} : vector<1x128xf32>, vector<128x64xf32>, vector<1x64xf32> -> vector<1x64xf32>
    %add3A_16 = arith.addf %broadcast_in_dim3A_7, %dot_general3A_15 : vector<1x64xf32>
    %get3A_17 = arith.constant 0 : index
    %get3A_18 = arith.constant 1 : index
    %get3A_19 = arith.constant 0 : index
    %get3A_20 = vector.load %arg1[%get3A_17, %get3A_18, %get3A_19] : memref<128x16x128xf32, #tpu.memory_space<vmem>>, vector<128x1x64xf32>
    %get3A_21 = vector.shape_cast %get3A_20 : vector<128x1x64xf32> to vector<128x64xf32>
    %sub3A_22 = arith.subf %get3A_2, %get3A_21 : vector<128x64xf32>
    %max3A = arith.maximumf %sub3A, %sub3A_22 : vector<128x64xf32>
    %min3A = arith.minimumf %sub3A, %sub3A_22 : vector<128x64xf32>
    %dot_general3A_23 = arith.constant dense<0.000000e+00> : vector<1x64xf32>
    %dot_general3A_24 = tpu.matmul %broadcast_in_dim3A_3, %sub3A_22, %dot_general3A_23 {dimension_numbers = #tpu.dot_dimension_numbers<[1], [0], [0], [1], [0, 0, 1, 1], [], []>, transpose_lhs_hint = false} : vector<1x128xf32>, vector<128x64xf32>, vector<1x64xf32> -> vector<1x64xf32>
    %add3A_25 = arith.addf %add3A, %dot_general3A_24 : vector<1x64xf32>
    %mul3A_26 = arith.mulf %sub3A_22, %sub3A_22 : vector<128x64xf32>
    %dot_general3A_27 = arith.constant dense<0.000000e+00> : vector<1x64xf32>
    %dot_general3A_28 = tpu.matmul %broadcast_in_dim3A_3, %mul3A_26, %dot_general3A_27 {dimension_numbers = #tpu.dot_dimension_numbers<[1], [0], [0], [1], [0, 0, 1, 1], [], []>, transpose_lhs_hint = false} : vector<1x128xf32>, vector<128x64xf32>, vector<1x64xf32> -> vector<1x64xf32>
    %add3A_29 = arith.addf %add3A_16, %dot_general3A_28 : vector<1x64xf32>
    %get3A_30 = arith.constant 0 : index
    %get3A_31 = arith.constant 2 : index
    %get3A_32 = arith.constant 0 : index
    %get3A_33 = vector.load %arg1[%get3A_30, %get3A_31, %get3A_32] : memref<128x16x128xf32, #tpu.memory_space<vmem>>, vector<128x1x64xf32>
    %get3A_34 = vector.shape_cast %get3A_33 : vector<128x1x64xf32> to vector<128x64xf32>
    %sub3A_35 = arith.subf %get3A_2, %get3A_34 : vector<128x64xf32>
    %max3A_36 = arith.maximumf %max3A, %sub3A_35 : vector<128x64xf32>
    %min3A_37 = arith.minimumf %min3A, %sub3A_35 : vector<128x64xf32>
    %dot_general3A_38 = arith.constant dense<0.000000e+00> : vector<1x64xf32>
    %dot_general3A_39 = tpu.matmul %broadcast_in_dim3A_3, %sub3A_35, %dot_general3A_38 {dimension_numbers = #tpu.dot_dimension_numbers<[1], [0], [0], [1], [0, 0, 1, 1], [], []>, transpose_lhs_hint = false} : vector<1x128xf32>, vector<128x64xf32>, vector<1x64xf32> -> vector<1x64xf32>
    %add3A_40 = arith.addf %add3A_25, %dot_general3A_39 : vector<1x64xf32>
    %mul3A_41 = arith.mulf %sub3A_35, %sub3A_35 : vector<128x64xf32>
    %dot_general3A_42 = arith.constant dense<0.000000e+00> : vector<1x64xf32>
    %dot_general3A_43 = tpu.matmul %broadcast_in_dim3A_3, %mul3A_41, %dot_general3A_42 {dimension_numbers = #tpu.dot_dimension_numbers<[1], [0], [0], [1], [0, 0, 1, 1], [], []>, transpose_lhs_hint = false} : vector<1x128xf32>, vector<128x64xf32>, vector<1x64xf32> -> vector<1x64xf32>
    %add3A_44 = arith.addf %add3A_29, %dot_general3A_43 : vector<1x64xf32>
    %get3A_45 = arith.constant 0 : index
    %get3A_46 = arith.constant 3 : index
    %get3A_47 = arith.constant 0 : index
    %get3A_48 = vector.load %arg1[%get3A_45, %get3A_46, %get3A_47] : memref<128x16x128xf32, #tpu.memory_space<vmem>>, vector<128x1x64xf32>
    %get3A_49 = vector.shape_cast %get3A_48 : vector<128x1x64xf32> to vector<128x64xf32>
    %sub3A_50 = arith.subf %get3A_2, %get3A_49 : vector<128x64xf32>
    %max3A_51 = arith.maximumf %max3A_36, %sub3A_50 : vector<128x64xf32>
    %min3A_52 = arith.minimumf %min3A_37, %sub3A_50 : vector<128x64xf32>
    %dot_general3A_53 = arith.constant dense<0.000000e+00> : vector<1x64xf32>
    %dot_general3A_54 = tpu.matmul %broadcast_in_dim3A_3, %sub3A_50, %dot_general3A_53 {dimension_numbers = #tpu.dot_dimension_numbers<[1], [0], [0], [1], [0, 0, 1, 1], [], []>, transpose_lhs_hint = false} : vector<1x128xf32>, vector<128x64xf32>, vector<1x64xf32> -> vector<1x64xf32>
    %add3A_55 = arith.addf %add3A_40, %dot_general3A_54 : vector<1x64xf32>
    %mul3A_56 = arith.mulf %sub3A_50, %sub3A_50 : vector<128x64xf32>
    %dot_general3A_57 = arith.constant dense<0.000000e+00> : vector<1x64xf32>
    %dot_general3A_58 = tpu.matmul %broadcast_in_dim3A_3, %mul3A_56, %dot_general3A_57 {dimension_numbers = #tpu.dot_dimension_numbers<[1], [0], [0], [1], [0, 0, 1, 1], [], []>, transpose_lhs_hint = false} : vector<1x128xf32>, vector<128x64xf32>, vector<1x64xf32> -> vector<1x64xf32>
    %add3A_59 = arith.addf %add3A_44, %dot_general3A_58 : vector<1x64xf32>
    %get3A_60 = arith.constant 0 : index
    %get3A_61 = arith.constant 4 : index
    %get3A_62 = arith.constant 0 : index
    %get3A_63 = vector.load %arg1[%get3A_60, %get3A_61, %get3A_62] : memref<128x16x128xf32, #tpu.memory_space<vmem>>, vector<128x1x64xf32>
    %get3A_64 = vector.shape_cast %get3A_63 : vector<128x1x64xf32> to vector<128x64xf32>
    %sub3A_65 = arith.subf %get3A_2, %get3A_64 : vector<128x64xf32>
    %max3A_66 = arith.maximumf %max3A_51, %sub3A_65 : vector<128x64xf32>
    %min3A_67 = arith.minimumf %min3A_52, %sub3A_65 : vector<128x64xf32>
    %dot_general3A_68 = arith.constant dense<0.000000e+00> : vector<1x64xf32>
    %dot_general3A_69 = tpu.matmul %broadcast_in_dim3A_3, %sub3A_65, %dot_general3A_68 {dimension_numbers = #tpu.dot_dimension_numbers<[1], [0], [0], [1], [0, 0, 1, 1], [], []>, transpose_lhs_hint = false} : vector<1x128xf32>, vector<128x64xf32>, vector<1x64xf32> -> vector<1x64xf32>
    %add3A_70 = arith.addf %add3A_55, %dot_general3A_69 : vector<1x64xf32>
    %mul3A_71 = arith.mulf %sub3A_65, %sub3A_65 : vector<128x64xf32>
    %dot_general3A_72 = arith.constant dense<0.000000e+00> : vector<1x64xf32>
    %dot_general3A_73 = tpu.matmul %broadcast_in_dim3A_3, %mul3A_71, %dot_general3A_72 {dimension_numbers = #tpu.dot_dimension_numbers<[1], [0], [0], [1], [0, 0, 1, 1], [], []>, transpose_lhs_hint = false} : vector<1x128xf32>, vector<128x64xf32>, vector<1x64xf32> -> vector<1x64xf32>
    %add3A_74 = arith.addf %add3A_59, %dot_general3A_73 : vector<1x64xf32>
    %get3A_75 = arith.constant 0 : index
    %get3A_76 = arith.constant 5 : index
    %get3A_77 = arith.constant 0 : index
    %get3A_78 = vector.load %arg1[%get3A_75, %get3A_76, %get3A_77] : memref<128x16x128xf32, #tpu.memory_space<vmem>>, vector<128x1x64xf32>
    %get3A_79 = vector.shape_cast %get3A_78 : vector<128x1x64xf32> to vector<128x64xf32>
    %sub3A_80 = arith.subf %get3A_2, %get3A_79 : vector<128x64xf32>
    %max3A_81 = arith.maximumf %max3A_66, %sub3A_80 : vector<128x64xf32>
    %min3A_82 = arith.minimumf %min3A_67, %sub3A_80 : vector<128x64xf32>
    %dot_general3A_83 = arith.constant dense<0.000000e+00> : vector<1x64xf32>
    %dot_general3A_84 = tpu.matmul %broadcast_in_dim3A_3, %sub3A_80, %dot_general3A_83 {dimension_numbers = #tpu.dot_dimension_numbers<[1], [0], [0], [1], [0, 0, 1, 1], [], []>, transpose_lhs_hint = false} : vector<1x128xf32>, vector<128x64xf32>, vector<1x64xf32> -> vector<1x64xf32>
    %add3A_85 = arith.addf %add3A_70, %dot_general3A_84 : vector<1x64xf32>
    %mul3A_86 = arith.mulf %sub3A_80, %sub3A_80 : vector<128x64xf32>
    %dot_general3A_87 = arith.constant dense<0.000000e+00> : vector<1x64xf32>
    %dot_general3A_88 = tpu.matmul %broadcast_in_dim3A_3, %mul3A_86, %dot_general3A_87 {dimension_numbers = #tpu.dot_dimension_numbers<[1], [0], [0], [1], [0, 0, 1, 1], [], []>, transpose_lhs_hint = false} : vector<1x128xf32>, vector<128x64xf32>, vector<1x64xf32> -> vector<1x64xf32>
    %add3A_89 = arith.addf %add3A_74, %dot_general3A_88 : vector<1x64xf32>
    %get3A_90 = arith.constant 0 : index
    %get3A_91 = arith.constant 6 : index
    %get3A_92 = arith.constant 0 : index
    %get3A_93 = vector.load %arg1[%get3A_90, %get3A_91, %get3A_92] : memref<128x16x128xf32, #tpu.memory_space<vmem>>, vector<128x1x64xf32>
    %get3A_94 = vector.shape_cast %get3A_93 : vector<128x1x64xf32> to vector<128x64xf32>
    %sub3A_95 = arith.subf %get3A_2, %get3A_94 : vector<128x64xf32>
    %max3A_96 = arith.maximumf %max3A_81, %sub3A_95 : vector<128x64xf32>
    %min3A_97 = arith.minimumf %min3A_82, %sub3A_95 : vector<128x64xf32>
    %dot_general3A_98 = arith.constant dense<0.000000e+00> : vector<1x64xf32>
    %dot_general3A_99 = tpu.matmul %broadcast_in_dim3A_3, %sub3A_95, %dot_general3A_98 {dimension_numbers = #tpu.dot_dimension_numbers<[1], [0], [0], [1], [0, 0, 1, 1], [], []>, transpose_lhs_hint = false} : vector<1x128xf32>, vector<128x64xf32>, vector<1x64xf32> -> vector<1x64xf32>
    %add3A_100 = arith.addf %add3A_85, %dot_general3A_99 : vector<1x64xf32>
    %mul3A_101 = arith.mulf %sub3A_95, %sub3A_95 : vector<128x64xf32>
    %dot_general3A_102 = arith.constant dense<0.000000e+00> : vector<1x64xf32>
    %dot_general3A_103 = tpu.matmul %broadcast_in_dim3A_3, %mul3A_101, %dot_general3A_102 {dimension_numbers = #tpu.dot_dimension_numbers<[1], [0], [0], [1], [0, 0, 1, 1], [], []>, transpose_lhs_hint = false} : vector<1x128xf32>, vector<128x64xf32>, vector<1x64xf32> -> vector<1x64xf32>
    %add3A_104 = arith.addf %add3A_89, %dot_general3A_103 : vector<1x64xf32>
    %get3A_105 = arith.constant 0 : index
    %get3A_106 = arith.constant 7 : index
    %get3A_107 = arith.constant 0 : index
    %get3A_108 = vector.load %arg1[%get3A_105, %get3A_106, %get3A_107] : memref<128x16x128xf32, #tpu.memory_space<vmem>>, vector<128x1x64xf32>
    %get3A_109 = vector.shape_cast %get3A_108 : vector<128x1x64xf32> to vector<128x64xf32>
    %sub3A_110 = arith.subf %get3A_2, %get3A_109 : vector<128x64xf32>
    %max3A_111 = arith.maximumf %max3A_96, %sub3A_110 : vector<128x64xf32>
    %min3A_112 = arith.minimumf %min3A_97, %sub3A_110 : vector<128x64xf32>
    %dot_general3A_113 = arith.constant dense<0.000000e+00> : vector<1x64xf32>
    %dot_general3A_114 = tpu.matmul %broadcast_in_dim3A_3, %sub3A_110, %dot_general3A_113 {dimension_numbers = #tpu.dot_dimension_numbers<[1], [0], [0], [1], [0, 0, 1, 1], [], []>, transpose_lhs_hint = false} : vector<1x128xf32>, vector<128x64xf32>, vector<1x64xf32> -> vector<1x64xf32>
    %add3A_115 = arith.addf %add3A_100, %dot_general3A_114 : vector<1x64xf32>
    %mul3A_116 = arith.mulf %sub3A_110, %sub3A_110 : vector<128x64xf32>
    %dot_general3A_117 = arith.constant dense<0.000000e+00> : vector<1x64xf32>
    %dot_general3A_118 = tpu.matmul %broadcast_in_dim3A_3, %mul3A_116, %dot_general3A_117 {dimension_numbers = #tpu.dot_dimension_numbers<[1], [0], [0], [1], [0, 0, 1, 1], [], []>, transpose_lhs_hint = false} : vector<1x128xf32>, vector<128x64xf32>, vector<1x64xf32> -> vector<1x64xf32>
    %add3A_119 = arith.addf %add3A_104, %dot_general3A_118 : vector<1x64xf32>
    %get3A_120 = arith.constant 0 : index
    %get3A_121 = arith.constant 8 : index
    %get3A_122 = arith.constant 0 : index
    %get3A_123 = vector.load %arg1[%get3A_120, %get3A_121, %get3A_122] : memref<128x16x128xf32, #tpu.memory_space<vmem>>, vector<128x1x64xf32>
    %get3A_124 = vector.shape_cast %get3A_123 : vector<128x1x64xf32> to vector<128x64xf32>
    %sub3A_125 = arith.subf %get3A_2, %get3A_124 : vector<128x64xf32>
    %max3A_126 = arith.maximumf %max3A_111, %sub3A_125 : vector<128x64xf32>
    %min3A_127 = arith.minimumf %min3A_112, %sub3A_125 : vector<128x64xf32>
    %dot_general3A_128 = arith.constant dense<0.000000e+00> : vector<1x64xf32>
    %dot_general3A_129 = tpu.matmul %broadcast_in_dim3A_3, %sub3A_125, %dot_general3A_128 {dimension_numbers = #tpu.dot_dimension_numbers<[1], [0], [0], [1], [0, 0, 1, 1], [], []>, transpose_lhs_hint = false} : vector<1x128xf32>, vector<128x64xf32>, vector<1x64xf32> -> vector<1x64xf32>
    %add3A_130 = arith.addf %add3A_115, %dot_general3A_129 : vector<1x64xf32>
    %mul3A_131 = arith.mulf %sub3A_125, %sub3A_125 : vector<128x64xf32>
    %dot_general3A_132 = arith.constant dense<0.000000e+00> : vector<1x64xf32>
    %dot_general3A_133 = tpu.matmul %broadcast_in_dim3A_3, %mul3A_131, %dot_general3A_132 {dimension_numbers = #tpu.dot_dimension_numbers<[1], [0], [0], [1], [0, 0, 1, 1], [], []>, transpose_lhs_hint = false} : vector<1x128xf32>, vector<128x64xf32>, vector<1x64xf32> -> vector<1x64xf32>
    %add3A_134 = arith.addf %add3A_119, %dot_general3A_133 : vector<1x64xf32>
    %get3A_135 = arith.constant 0 : index
    %get3A_136 = arith.constant 9 : index
    %get3A_137 = arith.constant 0 : index
    %get3A_138 = vector.load %arg1[%get3A_135, %get3A_136, %get3A_137] : memref<128x16x128xf32, #tpu.memory_space<vmem>>, vector<128x1x64xf32>
    %get3A_139 = vector.shape_cast %get3A_138 : vector<128x1x64xf32> to vector<128x64xf32>
    %sub3A_140 = arith.subf %get3A_2, %get3A_139 : vector<128x64xf32>
    %max3A_141 = arith.maximumf %max3A_126, %sub3A_140 : vector<128x64xf32>
    %min3A_142 = arith.minimumf %min3A_127, %sub3A_140 : vector<128x64xf32>
    %dot_general3A_143 = arith.constant dense<0.000000e+00> : vector<1x64xf32>
    %dot_general3A_144 = tpu.matmul %broadcast_in_dim3A_3, %sub3A_140, %dot_general3A_143 {dimension_numbers = #tpu.dot_dimension_numbers<[1], [0], [0], [1], [0, 0, 1, 1], [], []>, transpose_lhs_hint = false} : vector<1x128xf32>, vector<128x64xf32>, vector<1x64xf32> -> vector<1x64xf32>
    %add3A_145 = arith.addf %add3A_130, %dot_general3A_144 : vector<1x64xf32>
    %mul3A_146 = arith.mulf %sub3A_140, %sub3A_140 : vector<128x64xf32>
    %dot_general3A_147 = arith.constant dense<0.000000e+00> : vector<1x64xf32>
    %dot_general3A_148 = tpu.matmul %broadcast_in_dim3A_3, %mul3A_146, %dot_general3A_147 {dimension_numbers = #tpu.dot_dimension_numbers<[1], [0], [0], [1], [0, 0, 1, 1], [], []>, transpose_lhs_hint = false} : vector<1x128xf32>, vector<128x64xf32>, vector<1x64xf32> -> vector<1x64xf32>
    %add3A_149 = arith.addf %add3A_134, %dot_general3A_148 : vector<1x64xf32>
    %get3A_150 = arith.constant 0 : index
    %get3A_151 = arith.constant 10 : index
    %get3A_152 = arith.constant 0 : index
    %get3A_153 = vector.load %arg1[%get3A_150, %get3A_151, %get3A_152] : memref<128x16x128xf32, #tpu.memory_space<vmem>>, vector<128x1x64xf32>
    %get3A_154 = vector.shape_cast %get3A_153 : vector<128x1x64xf32> to vector<128x64xf32>
    %sub3A_155 = arith.subf %get3A_2, %get3A_154 : vector<128x64xf32>
    %max3A_156 = arith.maximumf %max3A_141, %sub3A_155 : vector<128x64xf32>
    %min3A_157 = arith.minimumf %min3A_142, %sub3A_155 : vector<128x64xf32>
    %dot_general3A_158 = arith.constant dense<0.000000e+00> : vector<1x64xf32>
    %dot_general3A_159 = tpu.matmul %broadcast_in_dim3A_3, %sub3A_155, %dot_general3A_158 {dimension_numbers = #tpu.dot_dimension_numbers<[1], [0], [0], [1], [0, 0, 1, 1], [], []>, transpose_lhs_hint = false} : vector<1x128xf32>, vector<128x64xf32>, vector<1x64xf32> -> vector<1x64xf32>
    %add3A_160 = arith.addf %add3A_145, %dot_general3A_159 : vector<1x64xf32>
    %mul3A_161 = arith.mulf %sub3A_155, %sub3A_155 : vector<128x64xf32>
    %dot_general3A_162 = arith.constant dense<0.000000e+00> : vector<1x64xf32>
    %dot_general3A_163 = tpu.matmul %broadcast_in_dim3A_3, %mul3A_161, %dot_general3A_162 {dimension_numbers = #tpu.dot_dimension_numbers<[1], [0], [0], [1], [0, 0, 1, 1], [], []>, transpose_lhs_hint = false} : vector<1x128xf32>, vector<128x64xf32>, vector<1x64xf32> -> vector<1x64xf32>
    %add3A_164 = arith.addf %add3A_149, %dot_general3A_163 : vector<1x64xf32>
    %get3A_165 = arith.constant 0 : index
    %get3A_166 = arith.constant 11 : index
    %get3A_167 = arith.constant 0 : index
    %get3A_168 = vector.load %arg1[%get3A_165, %get3A_166, %get3A_167] : memref<128x16x128xf32, #tpu.memory_space<vmem>>, vector<128x1x64xf32>
    %get3A_169 = vector.shape_cast %get3A_168 : vector<128x1x64xf32> to vector<128x64xf32>
    %sub3A_170 = arith.subf %get3A_2, %get3A_169 : vector<128x64xf32>
    %max3A_171 = arith.maximumf %max3A_156, %sub3A_170 : vector<128x64xf32>
    %min3A_172 = arith.minimumf %min3A_157, %sub3A_170 : vector<128x64xf32>
    %dot_general3A_173 = arith.constant dense<0.000000e+00> : vector<1x64xf32>
    %dot_general3A_174 = tpu.matmul %broadcast_in_dim3A_3, %sub3A_170, %dot_general3A_173 {dimension_numbers = #tpu.dot_dimension_numbers<[1], [0], [0], [1], [0, 0, 1, 1], [], []>, transpose_lhs_hint = false} : vector<1x128xf32>, vector<128x64xf32>, vector<1x64xf32> -> vector<1x64xf32>
    %add3A_175 = arith.addf %add3A_160, %dot_general3A_174 : vector<1x64xf32>
    %mul3A_176 = arith.mulf %sub3A_170, %sub3A_170 : vector<128x64xf32>
    %dot_general3A_177 = arith.constant dense<0.000000e+00> : vector<1x64xf32>
    %dot_general3A_178 = tpu.matmul %broadcast_in_dim3A_3, %mul3A_176, %dot_general3A_177 {dimension_numbers = #tpu.dot_dimension_numbers<[1], [0], [0], [1], [0, 0, 1, 1], [], []>, transpose_lhs_hint = false} : vector<1x128xf32>, vector<128x64xf32>, vector<1x64xf32> -> vector<1x64xf32>
    %add3A_179 = arith.addf %add3A_164, %dot_general3A_178 : vector<1x64xf32>
    %get3A_180 = arith.constant 0 : index
    %get3A_181 = arith.constant 12 : index
    %get3A_182 = arith.constant 0 : index
    %get3A_183 = vector.load %arg1[%get3A_180, %get3A_181, %get3A_182] : memref<128x16x128xf32, #tpu.memory_space<vmem>>, vector<128x1x64xf32>
    %get3A_184 = vector.shape_cast %get3A_183 : vector<128x1x64xf32> to vector<128x64xf32>
    %sub3A_185 = arith.subf %get3A_2, %get3A_184 : vector<128x64xf32>
    %max3A_186 = arith.maximumf %max3A_171, %sub3A_185 : vector<128x64xf32>
    %min3A_187 = arith.minimumf %min3A_172, %sub3A_185 : vector<128x64xf32>
    %dot_general3A_188 = arith.constant dense<0.000000e+00> : vector<1x64xf32>
    %dot_general3A_189 = tpu.matmul %broadcast_in_dim3A_3, %sub3A_185, %dot_general3A_188 {dimension_numbers = #tpu.dot_dimension_numbers<[1], [0], [0], [1], [0, 0, 1, 1], [], []>, transpose_lhs_hint = false} : vector<1x128xf32>, vector<128x64xf32>, vector<1x64xf32> -> vector<1x64xf32>
    %add3A_190 = arith.addf %add3A_175, %dot_general3A_189 : vector<1x64xf32>
    %mul3A_191 = arith.mulf %sub3A_185, %sub3A_185 : vector<128x64xf32>
    %dot_general3A_192 = arith.constant dense<0.000000e+00> : vector<1x64xf32>
    %dot_general3A_193 = tpu.matmul %broadcast_in_dim3A_3, %mul3A_191, %dot_general3A_192 {dimension_numbers = #tpu.dot_dimension_numbers<[1], [0], [0], [1], [0, 0, 1, 1], [], []>, transpose_lhs_hint = false} : vector<1x128xf32>, vector<128x64xf32>, vector<1x64xf32> -> vector<1x64xf32>
    %add3A_194 = arith.addf %add3A_179, %dot_general3A_193 : vector<1x64xf32>
    %get3A_195 = arith.constant 0 : index
    %get3A_196 = arith.constant 13 : index
    %get3A_197 = arith.constant 0 : index
    %get3A_198 = vector.load %arg1[%get3A_195, %get3A_196, %get3A_197] : memref<128x16x128xf32, #tpu.memory_space<vmem>>, vector<128x1x64xf32>
    %get3A_199 = vector.shape_cast %get3A_198 : vector<128x1x64xf32> to vector<128x64xf32>
    %sub3A_200 = arith.subf %get3A_2, %get3A_199 : vector<128x64xf32>
    %max3A_201 = arith.maximumf %max3A_186, %sub3A_200 : vector<128x64xf32>
    %min3A_202 = arith.minimumf %min3A_187, %sub3A_200 : vector<128x64xf32>
    %dot_general3A_203 = arith.constant dense<0.000000e+00> : vector<1x64xf32>
    %dot_general3A_204 = tpu.matmul %broadcast_in_dim3A_3, %sub3A_200, %dot_general3A_203 {dimension_numbers = #tpu.dot_dimension_numbers<[1], [0], [0], [1], [0, 0, 1, 1], [], []>, transpose_lhs_hint = false} : vector<1x128xf32>, vector<128x64xf32>, vector<1x64xf32> -> vector<1x64xf32>
    %add3A_205 = arith.addf %add3A_190, %dot_general3A_204 : vector<1x64xf32>
    %mul3A_206 = arith.mulf %sub3A_200, %sub3A_200 : vector<128x64xf32>
    %dot_general3A_207 = arith.constant dense<0.000000e+00> : vector<1x64xf32>
    %dot_general3A_208 = tpu.matmul %broadcast_in_dim3A_3, %mul3A_206, %dot_general3A_207 {dimension_numbers = #tpu.dot_dimension_numbers<[1], [0], [0], [1], [0, 0, 1, 1], [], []>, transpose_lhs_hint = false} : vector<1x128xf32>, vector<128x64xf32>, vector<1x64xf32> -> vector<1x64xf32>
    %add3A_209 = arith.addf %add3A_194, %dot_general3A_208 : vector<1x64xf32>
    %get3A_210 = arith.constant 0 : index
    %get3A_211 = arith.constant 14 : index
    %get3A_212 = arith.constant 0 : index
    %get3A_213 = vector.load %arg1[%get3A_210, %get3A_211, %get3A_212] : memref<128x16x128xf32, #tpu.memory_space<vmem>>, vector<128x1x64xf32>
    %get3A_214 = vector.shape_cast %get3A_213 : vector<128x1x64xf32> to vector<128x64xf32>
    %sub3A_215 = arith.subf %get3A_2, %get3A_214 : vector<128x64xf32>
    %max3A_216 = arith.maximumf %max3A_201, %sub3A_215 : vector<128x64xf32>
    %min3A_217 = arith.minimumf %min3A_202, %sub3A_215 : vector<128x64xf32>
    %dot_general3A_218 = arith.constant dense<0.000000e+00> : vector<1x64xf32>
    %dot_general3A_219 = tpu.matmul %broadcast_in_dim3A_3, %sub3A_215, %dot_general3A_218 {dimension_numbers = #tpu.dot_dimension_numbers<[1], [0], [0], [1], [0, 0, 1, 1], [], []>, transpose_lhs_hint = false} : vector<1x128xf32>, vector<128x64xf32>, vector<1x64xf32> -> vector<1x64xf32>
    %add3A_220 = arith.addf %add3A_205, %dot_general3A_219 : vector<1x64xf32>
    %mul3A_221 = arith.mulf %sub3A_215, %sub3A_215 : vector<128x64xf32>
    %dot_general3A_222 = arith.constant dense<0.000000e+00> : vector<1x64xf32>
    %dot_general3A_223 = tpu.matmul %broadcast_in_dim3A_3, %mul3A_221, %dot_general3A_222 {dimension_numbers = #tpu.dot_dimension_numbers<[1], [0], [0], [1], [0, 0, 1, 1], [], []>, transpose_lhs_hint = false} : vector<1x128xf32>, vector<128x64xf32>, vector<1x64xf32> -> vector<1x64xf32>
    %add3A_224 = arith.addf %add3A_209, %dot_general3A_223 : vector<1x64xf32>
    %get3A_225 = arith.constant 0 : index
    %get3A_226 = arith.constant 15 : index
    %get3A_227 = arith.constant 0 : index
    %get3A_228 = vector.load %arg1[%get3A_225, %get3A_226, %get3A_227] : memref<128x16x128xf32, #tpu.memory_space<vmem>>, vector<128x1x64xf32>
    %get3A_229 = vector.shape_cast %get3A_228 : vector<128x1x64xf32> to vector<128x64xf32>
    %sub3A_230 = arith.subf %get3A_2, %get3A_229 : vector<128x64xf32>
    %max3A_231 = arith.maximumf %max3A_216, %sub3A_230 : vector<128x64xf32>
    %min3A_232 = arith.minimumf %min3A_217, %sub3A_230 : vector<128x64xf32>
    %dot_general3A_233 = arith.constant dense<0.000000e+00> : vector<1x64xf32>
    %dot_general3A_234 = tpu.matmul %broadcast_in_dim3A_3, %sub3A_230, %dot_general3A_233 {dimension_numbers = #tpu.dot_dimension_numbers<[1], [0], [0], [1], [0, 0, 1, 1], [], []>, transpose_lhs_hint = false} : vector<1x128xf32>, vector<128x64xf32>, vector<1x64xf32> -> vector<1x64xf32>
    %add3A_235 = arith.addf %add3A_220, %dot_general3A_234 : vector<1x64xf32>
    %mul3A_236 = arith.mulf %sub3A_230, %sub3A_230 : vector<128x64xf32>
    %dot_general3A_237 = arith.constant dense<0.000000e+00> : vector<1x64xf32>
    %dot_general3A_238 = tpu.matmul %broadcast_in_dim3A_3, %mul3A_236, %dot_general3A_237 {dimension_numbers = #tpu.dot_dimension_numbers<[1], [0], [0], [1], [0, 0, 1, 1], [], []>, transpose_lhs_hint = false} : vector<1x128xf32>, vector<128x64xf32>, vector<1x64xf32> -> vector<1x64xf32>
    %add3A_239 = arith.addf %add3A_224, %dot_general3A_238 : vector<1x64xf32>
    %swap3A = arith.constant 0 : index
    %swap3A_240 = arith.constant 0 : index
    %swap3A_241 = vector.load %arg3[%swap3A, %swap3A_240] : memref<128x64xf32, #tpu.memory_space<vmem>>, vector<128x64xf32>
    tpu.vector_store %arg3[%swap3A, %swap3A_240], %max3A_231 {strides = array<i32>} : memref<128x64xf32, #tpu.memory_space<vmem>>, vector<128x64xf32>,
    %swap3A_242 = arith.constant 0 : index
    %swap3A_243 = arith.constant 0 : index
    %swap3A_244 = vector.load %arg4[%swap3A_242, %swap3A_243] : memref<128x64xf32, #tpu.memory_space<vmem>>, vector<128x64xf32>
    tpu.vector_store %arg4[%swap3A_242, %swap3A_243], %min3A_232 {strides = array<i32>} : memref<128x64xf32, #tpu.memory_space<vmem>>, vector<128x64xf32>,
    %convert_element_type3A = arith.extui %eq3A_0 : i1 to i32
    %cond3A = arith.constant 0 : i32
    %cond3A_245 = arith.cmpi ne, %convert_element_type3A, %cond3A : i32
    scf.if %cond3A_245 {
      %broadcast_in_dim3A_260 = arith.constant 0.000000e+00 : f32
      %broadcast_in_dim3A_261 = vector.broadcast %broadcast_in_dim3A_260 : f32 to vector<1x64xf32>
      %swap3A_262 = arith.constant 0 : index
      %swap3A_263 = arith.constant 0 : index
      %swap3A_264 = vector.load %arg5[%swap3A_262, %swap3A_263] : memref<1x64xf32, #tpu.memory_space<vmem>>, vector<1x64xf32>
      tpu.vector_store %arg5[%swap3A_262, %swap3A_263], %broadcast_in_dim3A_261 {strides = array<i32>} : memref<1x64xf32, #tpu.memory_space<vmem>>, vector<1x64xf32>,
      %broadcast_in_dim3A_265 = arith.constant 0.000000e+00 : f32
      %broadcast_in_dim3A_266 = vector.broadcast %broadcast_in_dim3A_265 : f32 to vector<1x64xf32>
      %swap3A_267 = arith.constant 0 : index
      %swap3A_268 = arith.constant 0 : index
      %swap3A_269 = vector.load %arg6[%swap3A_267, %swap3A_268] : memref<1x64xf32, #tpu.memory_space<vmem>>, vector<1x64xf32>
      tpu.vector_store %arg6[%swap3A_267, %swap3A_268], %broadcast_in_dim3A_266 {strides = array<i32>} : memref<1x64xf32, #tpu.memory_space<vmem>>, vector<1x64xf32>,
    } else {
    }
    %get3A_246 = arith.constant 0 : index
    %get3A_247 = arith.constant 0 : index
    %get3A_248 = vector.load %arg5[%get3A_246, %get3A_247] : memref<1x64xf32, #tpu.memory_space<vmem>>, vector<1x64xf32>
    %add3A_249 = arith.addf %get3A_248, %add3A_235 : vector<1x64xf32>
    %swap3A_250 = arith.constant 0 : index
    %swap3A_251 = arith.constant 0 : index
    %swap3A_252 = vector.load %arg5[%swap3A_250, %swap3A_251] : memref<1x64xf32, #tpu.memory_space<vmem>>, vector<1x64xf32>
    tpu.vector_store %arg5[%swap3A_250, %swap3A_251], %add3A_249 {strides = array<i32>} : memref<1x64xf32, #tpu.memory_space<vmem>>, vector<1x64xf32>,
    %get3A_253 = arith.constant 0 : index
    %get3A_254 = arith.constant 0 : index
    %get3A_255 = vector.load %arg6[%get3A_253, %get3A_254] : memref<1x64xf32, #tpu.memory_space<vmem>>, vector<1x64xf32>
    %add3A_256 = arith.addf %get3A_255, %add3A_239 : vector<1x64xf32>
    %swap3A_257 = arith.constant 0 : index
    %swap3A_258 = arith.constant 0 : index
    %swap3A_259 = vector.load %arg6[%swap3A_257, %swap3A_258] : memref<1x64xf32, #tpu.memory_space<vmem>>, vector<1x64xf32>
    tpu.vector_store %arg6[%swap3A_257, %swap3A_258], %add3A_256 {strides = array<i32>} : memref<1x64xf32, #tpu.memory_space<vmem>>, vector<1x64xf32>,
    return
  }
  func.func @transform_0(%arg0: i32) -> (i32, i32, i32) {
    %c0_i32 = arith.constant 0 : i32
    %c0_i32_0 = arith.constant 0 : i32
    %c0_i32_1 = arith.constant 0 : i32
    return %arg0, %c0_i32, %c0_i32_0 : i32, i32, i32
  }
  func.func @transform_1(%arg0: i32) -> (i32, i32) {
    %c0_i32 = arith.constant 0 : i32
    %c0_i32_0 = arith.constant 0 : i32
    return %arg0, %c0_i32 : i32, i32
  }
  func.func @transform_2(%arg0: i32) -> (i32, i32) {
    %c0_i32 = arith.constant 0 : i32
    %c0_i32_0 = arith.constant 0 : i32
    return %arg0, %c0_i32 : i32, i32
  }
  func.func @transform_3(%arg0: i32) -> (i32, i32) {
    %c0_i32 = arith.constant 0 : i32
    %c0_i32_0 = arith.constant 0 : i32
    return %arg0, %c0_i32 : i32, i32
  }
  func.func @transform_4(%arg0: i32) -> (i32, i32) {
    %c0_i32 = arith.constant 0 : i32
    %c0_i32_0 = arith.constant 0 : i32
    %c0_i32_1 = arith.constant 0 : i32
    return %c0_i32, %c0_i32_0 : i32, i32
  }
  func.func @transform_5(%arg0: i32) -> (i32, i32) {
    %c0_i32 = arith.constant 0 : i32
    %c0_i32_0 = arith.constant 0 : i32
    %c0_i32_1 = arith.constant 0 : i32
    return %c0_i32, %c0_i32_0 : i32, i32
  }
}

module attributes {stable_mosaic.version = 14 : i64} {
  func.func @_finalize_body(%arg0: i32, %arg1: i32, %arg2: memref<512x64xf32, #tpu.memory_space<vmem>>, %arg3: memref<512x64xf32, #tpu.memory_space<vmem>>, %arg4: memref<512x64xf32, #tpu.memory_space<vmem>>, %arg5: memref<512x64xf32, #tpu.memory_space<vmem>>, %arg6: memref<512x64xf32, #tpu.memory_space<vmem>>, %arg7: memref<512x64xf32, #tpu.memory_space<vmem>>, %arg8: memref<512x64xf32, #tpu.memory_space<vmem>>, %arg9: memref<512x64xf32, #tpu.memory_space<vmem>>, %arg10: memref<4x64xf32, #tpu.memory_space<vmem>>, %arg11: memref<4x64xf32, #tpu.memory_space<vmem>>, %arg12: memref<1x64xf32, #tpu.memory_space<vmem>>, %arg13: memref<1x64xf32, #tpu.memory_space<vmem>>, %arg14: memref<1x64x512xf32, #tpu.memory_space<vmem>>) attributes {dimension_semantics = [#tpu.dimension_semantics<arbitrary>, #tpu.dimension_semantics<arbitrary>], iteration_bounds = array<i64: 4, 8>, scalar_prefetch = 0 : i64, scratch_operands = 0 : i64, tpu.core_type = #tpu.core_type<tc>, window_params = [{transform_indices = @transform_0, window_bounds = array<i64: 512, 64>}, {transform_indices = @transform_1, window_bounds = array<i64: 512, 64>}, {transform_indices = @transform_2, window_bounds = array<i64: 512, 64>}, {transform_indices = @transform_3, window_bounds = array<i64: 512, 64>}, {transform_indices = @transform_4, window_bounds = array<i64: 512, 64>}, {transform_indices = @transform_5, window_bounds = array<i64: 512, 64>}, {transform_indices = @transform_6, window_bounds = array<i64: 512, 64>}, {transform_indices = @transform_7, window_bounds = array<i64: 512, 64>}, {pipeline_mode = #tpu.pipeline_mode<synchronous>, transform_indices = @transform_8, window_bounds = array<i64: 4, 64>}, {pipeline_mode = #tpu.pipeline_mode<synchronous>, transform_indices = @transform_9, window_bounds = array<i64: 4, 64>}, {pipeline_mode = #tpu.pipeline_mode<synchronous>, transform_indices = @transform_10, window_bounds = array<i64: 1, 64>}, {pipeline_mode = #tpu.pipeline_mode<synchronous>, transform_indices = @transform_11, window_bounds = array<i64: 1, 64>}, {transform_indices = @transform_12, window_bounds = array<i64: 1, 64, 512>}]} {
    %get3A = arith.constant 0 : index
    %get3A_0 = arith.constant 0 : index
    %get3A_1 = vector.load %arg10[%get3A, %get3A_0] : memref<4x64xf32, #tpu.memory_space<vmem>>, vector<4x64xf32>
    %reduce_sum3A = arith.constant dense<0.000000e+00> : vector<64xf32>
    %reduce_sum3A_2 = vector.multi_reduction <add>, %get3A_1, %reduce_sum3A [0] : vector<4x64xf32> to vector<64xf32>
    %broadcast_in_dim3A = vector.shape_cast %reduce_sum3A_2 : vector<64xf32> to vector<1x64xf32>
    %div3A = arith.constant 2.621440e+05 : f32
    %div3A_3 = vector.broadcast %div3A : f32 to vector<1x64xf32>
    %div3A_4 = arith.divf %broadcast_in_dim3A, %div3A_3 : vector<1x64xf32>
    %get3A_5 = arith.constant 0 : index
    %get3A_6 = arith.constant 0 : index
    %get3A_7 = vector.load %arg11[%get3A_5, %get3A_6] : memref<4x64xf32, #tpu.memory_space<vmem>>, vector<4x64xf32>
    %reduce_sum3A_8 = arith.constant dense<0.000000e+00> : vector<64xf32>
    %reduce_sum3A_9 = vector.multi_reduction <add>, %get3A_7, %reduce_sum3A_8 [0] : vector<4x64xf32> to vector<64xf32>
    %broadcast_in_dim3A_10 = vector.shape_cast %reduce_sum3A_9 : vector<64xf32> to vector<1x64xf32>
    %div3A_11 = arith.constant 2.621440e+05 : f32
    %div3A_12 = vector.broadcast %div3A_11 : f32 to vector<1x64xf32>
    %div3A_13 = arith.divf %broadcast_in_dim3A_10, %div3A_12 : vector<1x64xf32>
    %mul3A = arith.mulf %div3A_4, %div3A_4 : vector<1x64xf32>
    %sub3A = arith.subf %div3A_13, %mul3A : vector<1x64xf32>
    %add3A = arith.constant 9.99999974E-6 : f32
    %add3A_14 = vector.broadcast %add3A : f32 to vector<1x64xf32>
    %add3A_15 = arith.addf %sub3A, %add3A_14 : vector<1x64xf32>
    %rsqrt3A = math.rsqrt %add3A_15 : vector<1x64xf32>
    %get3A_16 = arith.constant 0 : index
    %get3A_17 = arith.constant 0 : index
    %get3A_18 = vector.load %arg12[%get3A_16, %get3A_17] : memref<1x64xf32, #tpu.memory_space<vmem>>, vector<1x64xf32>
    %mul3A_19 = arith.mulf %get3A_18, %rsqrt3A : vector<1x64xf32>
    %get3A_20 = arith.constant 0 : index
    %get3A_21 = arith.constant 0 : index
    %get3A_22 = vector.load %arg13[%get3A_20, %get3A_21] : memref<1x64xf32, #tpu.memory_space<vmem>>, vector<1x64xf32>
    %mul3A_23 = arith.mulf %div3A_4, %mul3A_19 : vector<1x64xf32>
    %sub3A_24 = arith.subf %get3A_22, %mul3A_23 : vector<1x64xf32>
    %eq3A = arith.constant 0 : i32
    %eq3A_25 = arith.cmpi eq, %arg0, %eq3A : i32
    %get3A_26 = arith.constant 0 : index
    %get3A_27 = arith.constant 0 : index
    %get3A_28 = vector.load %arg2[%get3A_26, %get3A_27] : memref<512x64xf32, #tpu.memory_space<vmem>>, vector<512x64xf32>
    %eq3A_29 = arith.constant 1 : i32
    %eq3A_30 = arith.cmpi eq, %arg0, %eq3A_29 : i32
    %get3A_31 = arith.constant 0 : index
    %get3A_32 = arith.constant 0 : index
    %get3A_33 = vector.load %arg3[%get3A_31, %get3A_32] : memref<512x64xf32, #tpu.memory_space<vmem>>, vector<512x64xf32>
    %eq3A_34 = arith.constant 2 : i32
    %eq3A_35 = arith.cmpi eq, %arg0, %eq3A_34 : i32
    %get3A_36 = arith.constant 0 : index
    %get3A_37 = arith.constant 0 : index
    %get3A_38 = vector.load %arg4[%get3A_36, %get3A_37] : memref<512x64xf32, #tpu.memory_space<vmem>>, vector<512x64xf32>
    %get3A_39 = arith.constant 0 : index
    %get3A_40 = arith.constant 0 : index
    %get3A_41 = vector.load %arg5[%get3A_39, %get3A_40] : memref<512x64xf32, #tpu.memory_space<vmem>>, vector<512x64xf32>
    %select_n3A = arith.select %eq3A_35, %get3A_38, %get3A_41 : vector<512x64xf32>
    %select_n3A_42 = arith.select %eq3A_30, %get3A_33, %select_n3A : vector<512x64xf32>
    %select_n3A_43 = arith.select %eq3A_25, %get3A_28, %select_n3A_42 : vector<512x64xf32>
    %eq3A_44 = arith.constant 0 : i32
    %eq3A_45 = arith.cmpi eq, %arg0, %eq3A_44 : i32
    %get3A_46 = arith.constant 0 : index
    %get3A_47 = arith.constant 0 : index
    %get3A_48 = vector.load %arg6[%get3A_46, %get3A_47] : memref<512x64xf32, #tpu.memory_space<vmem>>, vector<512x64xf32>
    %eq3A_49 = arith.constant 1 : i32
    %eq3A_50 = arith.cmpi eq, %arg0, %eq3A_49 : i32
    %get3A_51 = arith.constant 0 : index
    %get3A_52 = arith.constant 0 : index
    %get3A_53 = vector.load %arg7[%get3A_51, %get3A_52] : memref<512x64xf32, #tpu.memory_space<vmem>>, vector<512x64xf32>
    %eq3A_54 = arith.constant 2 : i32
    %eq3A_55 = arith.cmpi eq, %arg0, %eq3A_54 : i32
    %get3A_56 = arith.constant 0 : index
    %get3A_57 = arith.constant 0 : index
    %get3A_58 = vector.load %arg8[%get3A_56, %get3A_57] : memref<512x64xf32, #tpu.memory_space<vmem>>, vector<512x64xf32>
    %get3A_59 = arith.constant 0 : index
    %get3A_60 = arith.constant 0 : index
    %get3A_61 = vector.load %arg9[%get3A_59, %get3A_60] : memref<512x64xf32, #tpu.memory_space<vmem>>, vector<512x64xf32>
    %select_n3A_62 = arith.select %eq3A_55, %get3A_58, %get3A_61 : vector<512x64xf32>
    %select_n3A_63 = arith.select %eq3A_50, %get3A_53, %select_n3A_62 : vector<512x64xf32>
    %select_n3A_64 = arith.select %eq3A_45, %get3A_48, %select_n3A_63 : vector<512x64xf32>
    %ge3A = arith.constant 0.000000e+00 : f32
    %ge3A_65 = vector.broadcast %ge3A : f32 to vector<1x64xf32>
    %ge3A_66 = arith.cmpf oge, %mul3A_19, %ge3A_65 : vector<1x64xf32>
    %broadcast_in_dim3A_67 = vector.shape_cast %ge3A_66 : vector<1x64xi1> to vector<1x64xi1>
    %broadcast_in_dim3A_68 = vector.broadcast %broadcast_in_dim3A_67 : vector<1x64xi1> to vector<512x64xi1>
    %select_n3A_69 = arith.select %broadcast_in_dim3A_68, %select_n3A_43, %select_n3A_64 : vector<512x64xi1>, vector<512x64xf32>
    %mul3A_70 = vector.broadcast %mul3A_19 : vector<1x64xf32> to vector<512x64xf32>
    %mul3A_71 = arith.mulf %select_n3A_69, %mul3A_70 : vector<512x64xf32>
    %add3A_72 = vector.broadcast %sub3A_24 : vector<1x64xf32> to vector<512x64xf32>
    %add3A_73 = arith.addf %mul3A_71, %add3A_72 : vector<512x64xf32>
    %max3A = arith.constant 0.000000e+00 : f32
    %max3A_74 = vector.broadcast %max3A : f32 to vector<512x64xf32>
    %max3A_75 = arith.maximumf %add3A_73, %max3A_74 : vector<512x64xf32>
    %transpose3A = tpu.transpose %max3A_75, [1, 0] : vector<512x64xf32> -> vector<64x512xf32>
    %swap3A = arith.constant 0 : index
    %swap3A_76 = arith.constant 0 : index
    %swap3A_77 = arith.constant 0 : index
    %swap3A_78 = vector.load %arg14[%swap3A, %swap3A_76, %swap3A_77] : memref<1x64x512xf32, #tpu.memory_space<vmem>>, vector<1x64x512xf32>
    %swap3A_79 = vector.shape_cast %swap3A_78 : vector<1x64x512xf32> to vector<64x512xf32>
    %swap3A_80 = vector.shape_cast %transpose3A : vector<64x512xf32> to vector<1x64x512xf32>
    tpu.vector_store %arg14[%swap3A, %swap3A_76, %swap3A_77], %swap3A_80 {strides = array<i32>} : memref<1x64x512xf32, #tpu.memory_space<vmem>>, vector<1x64x512xf32>,
    return
  }
  func.func @transform_0(%arg0: i32, %arg1: i32) -> (i32, i32) {
    %c0_i32 = arith.constant 0 : i32
    %c0_i32_0 = arith.constant 0 : i32
    return %arg1, %c0_i32 : i32, i32
  }
  func.func @transform_1(%arg0: i32, %arg1: i32) -> (i32, i32) {
    %c0_i32 = arith.constant 0 : i32
    %c0_i32_0 = arith.constant 0 : i32
    return %arg1, %c0_i32 : i32, i32
  }
  func.func @transform_2(%arg0: i32, %arg1: i32) -> (i32, i32) {
    %c0_i32 = arith.constant 0 : i32
    %c0_i32_0 = arith.constant 0 : i32
    return %arg1, %c0_i32 : i32, i32
  }
  func.func @transform_3(%arg0: i32, %arg1: i32) -> (i32, i32) {
    %c0_i32 = arith.constant 0 : i32
    %c0_i32_0 = arith.constant 0 : i32
    return %arg1, %c0_i32 : i32, i32
  }
  func.func @transform_4(%arg0: i32, %arg1: i32) -> (i32, i32) {
    %c0_i32 = arith.constant 0 : i32
    %c0_i32_0 = arith.constant 0 : i32
    return %arg1, %c0_i32 : i32, i32
  }
  func.func @transform_5(%arg0: i32, %arg1: i32) -> (i32, i32) {
    %c0_i32 = arith.constant 0 : i32
    %c0_i32_0 = arith.constant 0 : i32
    return %arg1, %c0_i32 : i32, i32
  }
  func.func @transform_6(%arg0: i32, %arg1: i32) -> (i32, i32) {
    %c0_i32 = arith.constant 0 : i32
    %c0_i32_0 = arith.constant 0 : i32
    return %arg1, %c0_i32 : i32, i32
  }
  func.func @transform_7(%arg0: i32, %arg1: i32) -> (i32, i32) {
    %c0_i32 = arith.constant 0 : i32
    %c0_i32_0 = arith.constant 0 : i32
    return %arg1, %c0_i32 : i32, i32
  }
  func.func @transform_8(%arg0: i32, %arg1: i32) -> (i32, i32) {
    %c0_i32 = arith.constant 0 : i32
    %c0_i32_0 = arith.constant 0 : i32
    %c0_i32_1 = arith.constant 0 : i32
    return %c0_i32, %c0_i32_0 : i32, i32
  }
  func.func @transform_9(%arg0: i32, %arg1: i32) -> (i32, i32) {
    %c0_i32 = arith.constant 0 : i32
    %c0_i32_0 = arith.constant 0 : i32
    %c0_i32_1 = arith.constant 0 : i32
    return %c0_i32, %c0_i32_0 : i32, i32
  }
  func.func @transform_10(%arg0: i32, %arg1: i32) -> (i32, i32) {
    %c0_i32 = arith.constant 0 : i32
    %c0_i32_0 = arith.constant 0 : i32
    %c0_i32_1 = arith.constant 0 : i32
    return %c0_i32, %c0_i32_0 : i32, i32
  }
  func.func @transform_11(%arg0: i32, %arg1: i32) -> (i32, i32) {
    %c0_i32 = arith.constant 0 : i32
    %c0_i32_0 = arith.constant 0 : i32
    %c0_i32_1 = arith.constant 0 : i32
    return %c0_i32, %c0_i32_0 : i32, i32
  }
  func.func @transform_12(%arg0: i32, %arg1: i32) -> (i32, i32, i32) {
    %c0_i32 = arith.constant 0 : i32
    %c0_i32_0 = arith.constant 0 : i32
    return %arg0, %c0_i32, %arg1 : i32, i32, i32
  }
}

module attributes {stable_mosaic.version = 14 : i64} {
  func.func @_knn_conv_body(%arg0: i32, %arg1: memref<64x128xf32, #tpu.memory_space<vmem>>, %arg2: memref<64x4096xf32, #tpu.memory_space<vmem>>, %arg3: memref<64x64xf32, #tpu.memory_space<vmem>>, %arg4: memref<64x64xf32, #tpu.memory_space<vmem>>, %arg5: memref<128x16xi32, #tpu.memory_space<vmem>>, %arg6: memref<128x64xf32, #tpu.memory_space<vmem>>, %arg7: memref<128x128xf32, #tpu.memory_space<vmem>>) attributes {dimension_semantics = [#tpu.dimension_semantics<arbitrary>], iteration_bounds = array<i64: 32>, scalar_prefetch = 0 : i64, scratch_operands = 0 : i64, tpu.core_type = #tpu.core_type<tc>, window_params = [{transform_indices = @transform_0, window_bounds = array<i64: 64, 128>}, {pipeline_mode = #tpu.pipeline_mode<synchronous>, transform_indices = @transform_1, window_bounds = array<i64: 64, 4096>}, {pipeline_mode = #tpu.pipeline_mode<synchronous>, transform_indices = @transform_2, window_bounds = array<i64: 64, 64>}, {pipeline_mode = #tpu.pipeline_mode<synchronous>, transform_indices = @transform_3, window_bounds = array<i64: 64, 64>}, {transform_indices = @transform_4, window_bounds = array<i64: 128, 16>}, {transform_indices = @transform_5, window_bounds = array<i64: 128, 64>}, {transform_indices = @transform_6, window_bounds = array<i64: 128, 128>}]} {
    %get3A = arith.constant 0 : index
    %get3A_0 = arith.constant 0 : index
    %get3A_1 = vector.load %arg1[%get3A, %get3A_0] : memref<64x128xf32, #tpu.memory_space<vmem>>, vector<64x128xf32>
    %get3A_2 = arith.constant 0 : index
    %get3A_3 = arith.constant 0 : index
    %get3A_4 = vector.load %arg2[%get3A_2, %get3A_3] : memref<64x4096xf32, #tpu.memory_space<vmem>>, vector<64x4096xf32>
    %get3A_5 = arith.constant 0 : index
    %get3A_6 = arith.constant 0 : index
    %get3A_7 = vector.load %arg3[%get3A_5, %get3A_6] : memref<64x64xf32, #tpu.memory_space<vmem>>, vector<64x64xf32>
    %get3A_8 = arith.constant 0 : index
    %get3A_9 = arith.constant 0 : index
    %get3A_10 = vector.load %arg4[%get3A_8, %get3A_9] : memref<64x64xf32, #tpu.memory_space<vmem>>, vector<64x64xf32>
    %dot_general3A = arith.constant dense<0.000000e+00> : vector<128x64xf32>
    %dot_general3A_11 = tpu.matmul %get3A_1, %get3A_10, %dot_general3A {dimension_numbers = #tpu.dot_dimension_numbers<[0], [0], [1], [1], [0, 1, 1, 1], [], []>, transpose_lhs_hint = false} : vector<64x128xf32>, vector<64x64xf32>, vector<128x64xf32> -> vector<128x64xf32>
    %add3A = arith.addf %get3A_7, %get3A_10 : vector<64x64xf32>
    %dot_general3A_12 = arith.constant dense<0.000000e+00> : vector<128x64xf32>
    %dot_general3A_13 = tpu.matmul %get3A_1, %add3A, %dot_general3A_12 {dimension_numbers = #tpu.dot_dimension_numbers<[0], [0], [1], [1], [0, 1, 1, 1], [], []>, transpose_lhs_hint = false} : vector<64x128xf32>, vector<64x64xf32>, vector<128x64xf32> -> vector<128x64xf32>
    %swap3A = arith.constant 0 : index
    %swap3A_14 = arith.constant 0 : index
    %swap3A_15 = vector.load %arg7[%swap3A, %swap3A_14] : memref<128x128xf32, #tpu.memory_space<vmem>>, vector<128x64xf32>
    tpu.vector_store %arg7[%swap3A, %swap3A_14], %dot_general3A_11 {strides = array<i32>} : memref<128x128xf32, #tpu.memory_space<vmem>>, vector<128x64xf32>,
    %broadcast_in_dim3A = arith.constant 0.000000e+00 : f32
    %broadcast_in_dim3A_16 = vector.broadcast %broadcast_in_dim3A : f32 to vector<128x64xf32>
    %swap3A_17 = arith.constant 0 : index
    %swap3A_18 = arith.constant 64 : index
    %swap3A_19 = vector.load %arg7[%swap3A_17, %swap3A_18] : memref<128x128xf32, #tpu.memory_space<vmem>>, vector<128x64xf32>
    tpu.vector_store %arg7[%swap3A_17, %swap3A_18], %broadcast_in_dim3A_16 {strides = array<i32>} : memref<128x128xf32, #tpu.memory_space<vmem>>, vector<128x64xf32>,
    %swap3A_20 = arith.constant 0 : index
    %swap3A_21 = arith.constant 0 : index
    %swap3A_22 = vector.load %arg6[%swap3A_20, %swap3A_21] : memref<128x64xf32, #tpu.memory_space<vmem>>, vector<128x64xf32>
    tpu.vector_store %arg6[%swap3A_20, %swap3A_21], %dot_general3A_13 {strides = array<i32>} : memref<128x64xf32, #tpu.memory_space<vmem>>, vector<128x64xf32>,
    %mul3A = arith.mulf %get3A_4, %get3A_4 : vector<64x4096xf32>
    %reduce_sum3A = arith.constant dense<0.000000e+00> : vector<4096xf32>
    %reduce_sum3A_23 = vector.multi_reduction <add>, %mul3A, %reduce_sum3A [0] : vector<64x4096xf32> to vector<4096xf32>
    %broadcast_in_dim3A_24 = vector.shape_cast %reduce_sum3A_23 : vector<4096xf32> to vector<1x4096xf32>
    %dot_general3A_25 = arith.constant dense<0.000000e+00> : vector<128x4096xf32>
    %dot_general3A_26 = tpu.matmul %get3A_1, %get3A_4, %dot_general3A_25 {dimension_numbers = #tpu.dot_dimension_numbers<[0], [0], [1], [1], [0, 1, 1, 1], [], []>, transpose_lhs_hint = false} : vector<64x128xf32>, vector<64x4096xf32>, vector<128x4096xf32> -> vector<128x4096xf32>
    %mul3A_27 = arith.constant 2.000000e+00 : f32
    %mul3A_28 = vector.broadcast %mul3A_27 : f32 to vector<128x4096xf32>
    %mul3A_29 = arith.mulf %mul3A_28, %dot_general3A_26 : vector<128x4096xf32>
    %sub3A = vector.broadcast %broadcast_in_dim3A_24 : vector<1x4096xf32> to vector<128x4096xf32>
    %sub3A_30 = arith.subf %sub3A, %mul3A_29 : vector<128x4096xf32>
    %iota3A = tpu.iota {dimensions = array<i32: 1>} : vector<128x4096xi32>
    %slice3A = vector.extract_strided_slice %sub3A_30 {offsets = [0, 0], sizes = [128, 2048], strides = [1, 1]} : vector<128x4096xf32> to vector<128x2048xf32>
    %slice3A_31 = vector.extract_strided_slice %sub3A_30 {offsets = [0, 2048], sizes = [128, 2048], strides = [1, 1]} : vector<128x4096xf32> to vector<128x2048xf32>
    %le3A = arith.cmpf ole, %slice3A, %slice3A_31 : vector<128x2048xf32>
    %slice3A_32 = vector.extract_strided_slice %sub3A_30 {offsets = [0, 0], sizes = [128, 2048], strides = [1, 1]} : vector<128x4096xf32> to vector<128x2048xf32>
    %slice3A_33 = vector.extract_strided_slice %sub3A_30 {offsets = [0, 2048], sizes = [128, 2048], strides = [1, 1]} : vector<128x4096xf32> to vector<128x2048xf32>
    %select_n3A = arith.select %le3A, %slice3A_32, %slice3A_33 : vector<128x2048xi1>, vector<128x2048xf32>
    %slice3A_34 = vector.extract_strided_slice %iota3A {offsets = [0, 0], sizes = [128, 2048], strides = [1, 1]} : vector<128x4096xi32> to vector<128x2048xi32>
    %slice3A_35 = vector.extract_strided_slice %iota3A {offsets = [0, 2048], sizes = [128, 2048], strides = [1, 1]} : vector<128x4096xi32> to vector<128x2048xi32>
    %select_n3A_36 = arith.select %le3A, %slice3A_34, %slice3A_35 : vector<128x2048xi1>, vector<128x2048xi32>
    %slice3A_37 = vector.extract_strided_slice %select_n3A {offsets = [0, 0], sizes = [128, 1024], strides = [1, 1]} : vector<128x2048xf32> to vector<128x1024xf32>
    %slice3A_38 = vector.extract_strided_slice %select_n3A {offsets = [0, 1024], sizes = [128, 1024], strides = [1, 1]} : vector<128x2048xf32> to vector<128x1024xf32>
    %le3A_39 = arith.cmpf ole, %slice3A_37, %slice3A_38 : vector<128x1024xf32>
    %slice3A_40 = vector.extract_strided_slice %select_n3A {offsets = [0, 0], sizes = [128, 1024], strides = [1, 1]} : vector<128x2048xf32> to vector<128x1024xf32>
    %slice3A_41 = vector.extract_strided_slice %select_n3A {offsets = [0, 1024], sizes = [128, 1024], strides = [1, 1]} : vector<128x2048xf32> to vector<128x1024xf32>
    %select_n3A_42 = arith.select %le3A_39, %slice3A_40, %slice3A_41 : vector<128x1024xi1>, vector<128x1024xf32>
    %slice3A_43 = vector.extract_strided_slice %select_n3A_36 {offsets = [0, 0], sizes = [128, 1024], strides = [1, 1]} : vector<128x2048xi32> to vector<128x1024xi32>
    %slice3A_44 = vector.extract_strided_slice %select_n3A_36 {offsets = [0, 1024], sizes = [128, 1024], strides = [1, 1]} : vector<128x2048xi32> to vector<128x1024xi32>
    %select_n3A_45 = arith.select %le3A_39, %slice3A_43, %slice3A_44 : vector<128x1024xi1>, vector<128x1024xi32>
    %slice3A_46 = vector.extract_strided_slice %select_n3A_42 {offsets = [0, 0], sizes = [128, 512], strides = [1, 1]} : vector<128x1024xf32> to vector<128x512xf32>
    %slice3A_47 = vector.extract_strided_slice %select_n3A_42 {offsets = [0, 512], sizes = [128, 512], strides = [1, 1]} : vector<128x1024xf32> to vector<128x512xf32>
    %le3A_48 = arith.cmpf ole, %slice3A_46, %slice3A_47 : vector<128x512xf32>
    %slice3A_49 = vector.extract_strided_slice %select_n3A_42 {offsets = [0, 0], sizes = [128, 512], strides = [1, 1]} : vector<128x1024xf32> to vector<128x512xf32>
    %slice3A_50 = vector.extract_strided_slice %select_n3A_42 {offsets = [0, 512], sizes = [128, 512], strides = [1, 1]} : vector<128x1024xf32> to vector<128x512xf32>
    %select_n3A_51 = arith.select %le3A_48, %slice3A_49, %slice3A_50 : vector<128x512xi1>, vector<128x512xf32>
    %slice3A_52 = vector.extract_strided_slice %select_n3A_45 {offsets = [0, 0], sizes = [128, 512], strides = [1, 1]} : vector<128x1024xi32> to vector<128x512xi32>
    %slice3A_53 = vector.extract_strided_slice %select_n3A_45 {offsets = [0, 512], sizes = [128, 512], strides = [1, 1]} : vector<128x1024xi32> to vector<128x512xi32>
    %select_n3A_54 = arith.select %le3A_48, %slice3A_52, %slice3A_53 : vector<128x512xi1>, vector<128x512xi32>
    %slice3A_55 = vector.extract_strided_slice %select_n3A_51 {offsets = [0, 0], sizes = [128, 256], strides = [1, 1]} : vector<128x512xf32> to vector<128x256xf32>
    %slice3A_56 = vector.extract_strided_slice %select_n3A_51 {offsets = [0, 256], sizes = [128, 256], strides = [1, 1]} : vector<128x512xf32> to vector<128x256xf32>
    %le3A_57 = arith.cmpf ole, %slice3A_55, %slice3A_56 : vector<128x256xf32>
    %slice3A_58 = vector.extract_strided_slice %select_n3A_51 {offsets = [0, 0], sizes = [128, 256], strides = [1, 1]} : vector<128x512xf32> to vector<128x256xf32>
    %slice3A_59 = vector.extract_strided_slice %select_n3A_51 {offsets = [0, 256], sizes = [128, 256], strides = [1, 1]} : vector<128x512xf32> to vector<128x256xf32>
    %select_n3A_60 = arith.select %le3A_57, %slice3A_58, %slice3A_59 : vector<128x256xi1>, vector<128x256xf32>
    %slice3A_61 = vector.extract_strided_slice %select_n3A_54 {offsets = [0, 0], sizes = [128, 256], strides = [1, 1]} : vector<128x512xi32> to vector<128x256xi32>
    %slice3A_62 = vector.extract_strided_slice %select_n3A_54 {offsets = [0, 256], sizes = [128, 256], strides = [1, 1]} : vector<128x512xi32> to vector<128x256xi32>
    %select_n3A_63 = arith.select %le3A_57, %slice3A_61, %slice3A_62 : vector<128x256xi1>, vector<128x256xi32>
    %slice3A_64 = vector.extract_strided_slice %select_n3A_60 {offsets = [0, 0], sizes = [128, 128], strides = [1, 1]} : vector<128x256xf32> to vector<128x128xf32>
    %slice3A_65 = vector.extract_strided_slice %select_n3A_60 {offsets = [0, 128], sizes = [128, 128], strides = [1, 1]} : vector<128x256xf32> to vector<128x128xf32>
    %le3A_66 = arith.cmpf ole, %slice3A_64, %slice3A_65 : vector<128x128xf32>
    %slice3A_67 = vector.extract_strided_slice %select_n3A_60 {offsets = [0, 0], sizes = [128, 128], strides = [1, 1]} : vector<128x256xf32> to vector<128x128xf32>
    %slice3A_68 = vector.extract_strided_slice %select_n3A_60 {offsets = [0, 128], sizes = [128, 128], strides = [1, 1]} : vector<128x256xf32> to vector<128x128xf32>
    %select_n3A_69 = arith.select %le3A_66, %slice3A_67, %slice3A_68 : vector<128x128xi1>, vector<128x128xf32>
    %slice3A_70 = vector.extract_strided_slice %select_n3A_63 {offsets = [0, 0], sizes = [128, 128], strides = [1, 1]} : vector<128x256xi32> to vector<128x128xi32>
    %slice3A_71 = vector.extract_strided_slice %select_n3A_63 {offsets = [0, 128], sizes = [128, 128], strides = [1, 1]} : vector<128x256xi32> to vector<128x128xi32>
    %select_n3A_72 = arith.select %le3A_66, %slice3A_70, %slice3A_71 : vector<128x128xi1>, vector<128x128xi32>
    %reduce_min3A = arith.constant dense<0x7F800000> : vector<128xf32>
    %reduce_min3A_73 = vector.multi_reduction <minimumf>, %select_n3A_69, %reduce_min3A [1] : vector<128x128xf32> to vector<128xf32>
    %broadcast_in_dim3A_74 = vector.shape_cast %reduce_min3A_73 : vector<128xf32> to vector<128x1xf32>
    %eq3A = vector.broadcast %broadcast_in_dim3A_74 : vector<128x1xf32> to vector<128x128xf32>
    %eq3A_75 = arith.cmpf oeq, %select_n3A_69, %eq3A : vector<128x128xf32>
    %jit3A = arith.constant 4096 : i32
    %broadcast_in_dim3A_76 = vector.broadcast %jit3A : i32 to vector<128x128xi32>
    %select_n3A_77 = arith.select %eq3A_75, %select_n3A_72, %broadcast_in_dim3A_76 : vector<128x128xi1>, vector<128x128xi32>
    %reduce_min3A_78 = arith.constant dense<2147483647> : vector<128xi32>
    %reduce_min3A_79 = vector.multi_reduction <minsi>, %select_n3A_77, %reduce_min3A_78 [1] : vector<128x128xi32> to vector<128xi32>
    %broadcast_in_dim3A_80 = vector.shape_cast %reduce_min3A_79 : vector<128xi32> to vector<128x1xi32>
    %swap3A_81 = arith.constant 0 : index
    %swap3A_82 = arith.constant 0 : index
    %swap3A_83 = vector.load %arg5[%swap3A_81, %swap3A_82] : memref<128x16xi32, #tpu.memory_space<vmem>>, vector<128x1xi32>
    tpu.vector_store %arg5[%swap3A_81, %swap3A_82], %broadcast_in_dim3A_80 {strides = array<i32>} : memref<128x16xi32, #tpu.memory_space<vmem>>, vector<128x1xi32>,
    %gt3A = vector.broadcast %broadcast_in_dim3A_74 : vector<128x1xf32> to vector<128x4096xf32>
    %gt3A_84 = arith.cmpf ogt, %sub3A_30, %gt3A : vector<128x4096xf32>
    %jit3A_85 = arith.constant 0x7F800000 : f32
    %broadcast_in_dim3A_86 = vector.broadcast %jit3A_85 : f32 to vector<128x4096xf32>
    %select_n3A_87 = arith.select %gt3A_84, %sub3A_30, %broadcast_in_dim3A_86 : vector<128x4096xi1>, vector<128x4096xf32>
    %slice3A_88 = vector.extract_strided_slice %select_n3A_87 {offsets = [0, 0], sizes = [128, 2048], strides = [1, 1]} : vector<128x4096xf32> to vector<128x2048xf32>
    %slice3A_89 = vector.extract_strided_slice %select_n3A_87 {offsets = [0, 2048], sizes = [128, 2048], strides = [1, 1]} : vector<128x4096xf32> to vector<128x2048xf32>
    %le3A_90 = arith.cmpf ole, %slice3A_88, %slice3A_89 : vector<128x2048xf32>
    %slice3A_91 = vector.extract_strided_slice %select_n3A_87 {offsets = [0, 0], sizes = [128, 2048], strides = [1, 1]} : vector<128x4096xf32> to vector<128x2048xf32>
    %slice3A_92 = vector.extract_strided_slice %select_n3A_87 {offsets = [0, 2048], sizes = [128, 2048], strides = [1, 1]} : vector<128x4096xf32> to vector<128x2048xf32>
    %select_n3A_93 = arith.select %le3A_90, %slice3A_91, %slice3A_92 : vector<128x2048xi1>, vector<128x2048xf32>
    %slice3A_94 = vector.extract_strided_slice %iota3A {offsets = [0, 0], sizes = [128, 2048], strides = [1, 1]} : vector<128x4096xi32> to vector<128x2048xi32>
    %slice3A_95 = vector.extract_strided_slice %iota3A {offsets = [0, 2048], sizes = [128, 2048], strides = [1, 1]} : vector<128x4096xi32> to vector<128x2048xi32>
    %select_n3A_96 = arith.select %le3A_90, %slice3A_94, %slice3A_95 : vector<128x2048xi1>, vector<128x2048xi32>
    %slice3A_97 = vector.extract_strided_slice %select_n3A_93 {offsets = [0, 0], sizes = [128, 1024], strides = [1, 1]} : vector<128x2048xf32> to vector<128x1024xf32>
    %slice3A_98 = vector.extract_strided_slice %select_n3A_93 {offsets = [0, 1024], sizes = [128, 1024], strides = [1, 1]} : vector<128x2048xf32> to vector<128x1024xf32>
    %le3A_99 = arith.cmpf ole, %slice3A_97, %slice3A_98 : vector<128x1024xf32>
    %slice3A_100 = vector.extract_strided_slice %select_n3A_93 {offsets = [0, 0], sizes = [128, 1024], strides = [1, 1]} : vector<128x2048xf32> to vector<128x1024xf32>
    %slice3A_101 = vector.extract_strided_slice %select_n3A_93 {offsets = [0, 1024], sizes = [128, 1024], strides = [1, 1]} : vector<128x2048xf32> to vector<128x1024xf32>
    %select_n3A_102 = arith.select %le3A_99, %slice3A_100, %slice3A_101 : vector<128x1024xi1>, vector<128x1024xf32>
    %slice3A_103 = vector.extract_strided_slice %select_n3A_96 {offsets = [0, 0], sizes = [128, 1024], strides = [1, 1]} : vector<128x2048xi32> to vector<128x1024xi32>
    %slice3A_104 = vector.extract_strided_slice %select_n3A_96 {offsets = [0, 1024], sizes = [128, 1024], strides = [1, 1]} : vector<128x2048xi32> to vector<128x1024xi32>
    %select_n3A_105 = arith.select %le3A_99, %slice3A_103, %slice3A_104 : vector<128x1024xi1>, vector<128x1024xi32>
    %slice3A_106 = vector.extract_strided_slice %select_n3A_102 {offsets = [0, 0], sizes = [128, 512], strides = [1, 1]} : vector<128x1024xf32> to vector<128x512xf32>
    %slice3A_107 = vector.extract_strided_slice %select_n3A_102 {offsets = [0, 512], sizes = [128, 512], strides = [1, 1]} : vector<128x1024xf32> to vector<128x512xf32>
    %le3A_108 = arith.cmpf ole, %slice3A_106, %slice3A_107 : vector<128x512xf32>
    %slice3A_109 = vector.extract_strided_slice %select_n3A_102 {offsets = [0, 0], sizes = [128, 512], strides = [1, 1]} : vector<128x1024xf32> to vector<128x512xf32>
    %slice3A_110 = vector.extract_strided_slice %select_n3A_102 {offsets = [0, 512], sizes = [128, 512], strides = [1, 1]} : vector<128x1024xf32> to vector<128x512xf32>
    %select_n3A_111 = arith.select %le3A_108, %slice3A_109, %slice3A_110 : vector<128x512xi1>, vector<128x512xf32>
    %slice3A_112 = vector.extract_strided_slice %select_n3A_105 {offsets = [0, 0], sizes = [128, 512], strides = [1, 1]} : vector<128x1024xi32> to vector<128x512xi32>
    %slice3A_113 = vector.extract_strided_slice %select_n3A_105 {offsets = [0, 512], sizes = [128, 512], strides = [1, 1]} : vector<128x1024xi32> to vector<128x512xi32>
    %select_n3A_114 = arith.select %le3A_108, %slice3A_112, %slice3A_113 : vector<128x512xi1>, vector<128x512xi32>
    %slice3A_115 = vector.extract_strided_slice %select_n3A_111 {offsets = [0, 0], sizes = [128, 256], strides = [1, 1]} : vector<128x512xf32> to vector<128x256xf32>
    %slice3A_116 = vector.extract_strided_slice %select_n3A_111 {offsets = [0, 256], sizes = [128, 256], strides = [1, 1]} : vector<128x512xf32> to vector<128x256xf32>
    %le3A_117 = arith.cmpf ole, %slice3A_115, %slice3A_116 : vector<128x256xf32>
    %slice3A_118 = vector.extract_strided_slice %select_n3A_111 {offsets = [0, 0], sizes = [128, 256], strides = [1, 1]} : vector<128x512xf32> to vector<128x256xf32>
    %slice3A_119 = vector.extract_strided_slice %select_n3A_111 {offsets = [0, 256], sizes = [128, 256], strides = [1, 1]} : vector<128x512xf32> to vector<128x256xf32>
    %select_n3A_120 = arith.select %le3A_117, %slice3A_118, %slice3A_119 : vector<128x256xi1>, vector<128x256xf32>
    %slice3A_121 = vector.extract_strided_slice %select_n3A_114 {offsets = [0, 0], sizes = [128, 256], strides = [1, 1]} : vector<128x512xi32> to vector<128x256xi32>
    %slice3A_122 = vector.extract_strided_slice %select_n3A_114 {offsets = [0, 256], sizes = [128, 256], strides = [1, 1]} : vector<128x512xi32> to vector<128x256xi32>
    %select_n3A_123 = arith.select %le3A_117, %slice3A_121, %slice3A_122 : vector<128x256xi1>, vector<128x256xi32>
    %slice3A_124 = vector.extract_strided_slice %select_n3A_120 {offsets = [0, 0], sizes = [128, 128], strides = [1, 1]} : vector<128x256xf32> to vector<128x128xf32>
    %slice3A_125 = vector.extract_strided_slice %select_n3A_120 {offsets = [0, 128], sizes = [128, 128], strides = [1, 1]} : vector<128x256xf32> to vector<128x128xf32>
    %le3A_126 = arith.cmpf ole, %slice3A_124, %slice3A_125 : vector<128x128xf32>
    %slice3A_127 = vector.extract_strided_slice %select_n3A_120 {offsets = [0, 0], sizes = [128, 128], strides = [1, 1]} : vector<128x256xf32> to vector<128x128xf32>
    %slice3A_128 = vector.extract_strided_slice %select_n3A_120 {offsets = [0, 128], sizes = [128, 128], strides = [1, 1]} : vector<128x256xf32> to vector<128x128xf32>
    %select_n3A_129 = arith.select %le3A_126, %slice3A_127, %slice3A_128 : vector<128x128xi1>, vector<128x128xf32>
    %slice3A_130 = vector.extract_strided_slice %select_n3A_123 {offsets = [0, 0], sizes = [128, 128], strides = [1, 1]} : vector<128x256xi32> to vector<128x128xi32>
    %slice3A_131 = vector.extract_strided_slice %select_n3A_123 {offsets = [0, 128], sizes = [128, 128], strides = [1, 1]} : vector<128x256xi32> to vector<128x128xi32>
    %select_n3A_132 = arith.select %le3A_126, %slice3A_130, %slice3A_131 : vector<128x128xi1>, vector<128x128xi32>
    %reduce_min3A_133 = arith.constant dense<0x7F800000> : vector<128xf32>
    %reduce_min3A_134 = vector.multi_reduction <minimumf>, %select_n3A_129, %reduce_min3A_133 [1] : vector<128x128xf32> to vector<128xf32>
    %broadcast_in_dim3A_135 = vector.shape_cast %reduce_min3A_134 : vector<128xf32> to vector<128x1xf32>
    %eq3A_136 = vector.broadcast %broadcast_in_dim3A_135 : vector<128x1xf32> to vector<128x128xf32>
    %eq3A_137 = arith.cmpf oeq, %select_n3A_129, %eq3A_136 : vector<128x128xf32>
    %jit3A_138 = arith.constant 4096 : i32
    %broadcast_in_dim3A_139 = vector.broadcast %jit3A_138 : i32 to vector<128x128xi32>
    %select_n3A_140 = arith.select %eq3A_137, %select_n3A_132, %broadcast_in_dim3A_139 : vector<128x128xi1>, vector<128x128xi32>
    %reduce_min3A_141 = arith.constant dense<2147483647> : vector<128xi32>
    %reduce_min3A_142 = vector.multi_reduction <minsi>, %select_n3A_140, %reduce_min3A_141 [1] : vector<128x128xi32> to vector<128xi32>
    %broadcast_in_dim3A_143 = vector.shape_cast %reduce_min3A_142 : vector<128xi32> to vector<128x1xi32>
    %swap3A_144 = arith.constant 0 : index
    %swap3A_145 = arith.constant 1 : index
    %swap3A_146 = vector.load %arg5[%swap3A_144, %swap3A_145] : memref<128x16xi32, #tpu.memory_space<vmem>>, vector<128x1xi32>
    tpu.vector_store %arg5[%swap3A_144, %swap3A_145], %broadcast_in_dim3A_143 {strides = array<i32>} : memref<128x16xi32, #tpu.memory_space<vmem>>, vector<128x1xi32>,
    %gt3A_147 = vector.broadcast %broadcast_in_dim3A_135 : vector<128x1xf32> to vector<128x4096xf32>
    %gt3A_148 = arith.cmpf ogt, %sub3A_30, %gt3A_147 : vector<128x4096xf32>
    %jit3A_149 = arith.constant 0x7F800000 : f32
    %broadcast_in_dim3A_150 = vector.broadcast %jit3A_149 : f32 to vector<128x4096xf32>
    %select_n3A_151 = arith.select %gt3A_148, %sub3A_30, %broadcast_in_dim3A_150 : vector<128x4096xi1>, vector<128x4096xf32>
    %slice3A_152 = vector.extract_strided_slice %select_n3A_151 {offsets = [0, 0], sizes = [128, 2048], strides = [1, 1]} : vector<128x4096xf32> to vector<128x2048xf32>
    %slice3A_153 = vector.extract_strided_slice %select_n3A_151 {offsets = [0, 2048], sizes = [128, 2048], strides = [1, 1]} : vector<128x4096xf32> to vector<128x2048xf32>
    %le3A_154 = arith.cmpf ole, %slice3A_152, %slice3A_153 : vector<128x2048xf32>
    %slice3A_155 = vector.extract_strided_slice %select_n3A_151 {offsets = [0, 0], sizes = [128, 2048], strides = [1, 1]} : vector<128x4096xf32> to vector<128x2048xf32>
    %slice3A_156 = vector.extract_strided_slice %select_n3A_151 {offsets = [0, 2048], sizes = [128, 2048], strides = [1, 1]} : vector<128x4096xf32> to vector<128x2048xf32>
    %select_n3A_157 = arith.select %le3A_154, %slice3A_155, %slice3A_156 : vector<128x2048xi1>, vector<128x2048xf32>
    %slice3A_158 = vector.extract_strided_slice %iota3A {offsets = [0, 0], sizes = [128, 2048], strides = [1, 1]} : vector<128x4096xi32> to vector<128x2048xi32>
    %slice3A_159 = vector.extract_strided_slice %iota3A {offsets = [0, 2048], sizes = [128, 2048], strides = [1, 1]} : vector<128x4096xi32> to vector<128x2048xi32>
    %select_n3A_160 = arith.select %le3A_154, %slice3A_158, %slice3A_159 : vector<128x2048xi1>, vector<128x2048xi32>
    %slice3A_161 = vector.extract_strided_slice %select_n3A_157 {offsets = [0, 0], sizes = [128, 1024], strides = [1, 1]} : vector<128x2048xf32> to vector<128x1024xf32>
    %slice3A_162 = vector.extract_strided_slice %select_n3A_157 {offsets = [0, 1024], sizes = [128, 1024], strides = [1, 1]} : vector<128x2048xf32> to vector<128x1024xf32>
    %le3A_163 = arith.cmpf ole, %slice3A_161, %slice3A_162 : vector<128x1024xf32>
    %slice3A_164 = vector.extract_strided_slice %select_n3A_157 {offsets = [0, 0], sizes = [128, 1024], strides = [1, 1]} : vector<128x2048xf32> to vector<128x1024xf32>
    %slice3A_165 = vector.extract_strided_slice %select_n3A_157 {offsets = [0, 1024], sizes = [128, 1024], strides = [1, 1]} : vector<128x2048xf32> to vector<128x1024xf32>
    %select_n3A_166 = arith.select %le3A_163, %slice3A_164, %slice3A_165 : vector<128x1024xi1>, vector<128x1024xf32>
    %slice3A_167 = vector.extract_strided_slice %select_n3A_160 {offsets = [0, 0], sizes = [128, 1024], strides = [1, 1]} : vector<128x2048xi32> to vector<128x1024xi32>
    %slice3A_168 = vector.extract_strided_slice %select_n3A_160 {offsets = [0, 1024], sizes = [128, 1024], strides = [1, 1]} : vector<128x2048xi32> to vector<128x1024xi32>
    %select_n3A_169 = arith.select %le3A_163, %slice3A_167, %slice3A_168 : vector<128x1024xi1>, vector<128x1024xi32>
    %slice3A_170 = vector.extract_strided_slice %select_n3A_166 {offsets = [0, 0], sizes = [128, 512], strides = [1, 1]} : vector<128x1024xf32> to vector<128x512xf32>
    %slice3A_171 = vector.extract_strided_slice %select_n3A_166 {offsets = [0, 512], sizes = [128, 512], strides = [1, 1]} : vector<128x1024xf32> to vector<128x512xf32>
    %le3A_172 = arith.cmpf ole, %slice3A_170, %slice3A_171 : vector<128x512xf32>
    %slice3A_173 = vector.extract_strided_slice %select_n3A_166 {offsets = [0, 0], sizes = [128, 512], strides = [1, 1]} : vector<128x1024xf32> to vector<128x512xf32>
    %slice3A_174 = vector.extract_strided_slice %select_n3A_166 {offsets = [0, 512], sizes = [128, 512], strides = [1, 1]} : vector<128x1024xf32> to vector<128x512xf32>
    %select_n3A_175 = arith.select %le3A_172, %slice3A_173, %slice3A_174 : vector<128x512xi1>, vector<128x512xf32>
    %slice3A_176 = vector.extract_strided_slice %select_n3A_169 {offsets = [0, 0], sizes = [128, 512], strides = [1, 1]} : vector<128x1024xi32> to vector<128x512xi32>
    %slice3A_177 = vector.extract_strided_slice %select_n3A_169 {offsets = [0, 512], sizes = [128, 512], strides = [1, 1]} : vector<128x1024xi32> to vector<128x512xi32>
    %select_n3A_178 = arith.select %le3A_172, %slice3A_176, %slice3A_177 : vector<128x512xi1>, vector<128x512xi32>
    %slice3A_179 = vector.extract_strided_slice %select_n3A_175 {offsets = [0, 0], sizes = [128, 256], strides = [1, 1]} : vector<128x512xf32> to vector<128x256xf32>
    %slice3A_180 = vector.extract_strided_slice %select_n3A_175 {offsets = [0, 256], sizes = [128, 256], strides = [1, 1]} : vector<128x512xf32> to vector<128x256xf32>
    %le3A_181 = arith.cmpf ole, %slice3A_179, %slice3A_180 : vector<128x256xf32>
    %slice3A_182 = vector.extract_strided_slice %select_n3A_175 {offsets = [0, 0], sizes = [128, 256], strides = [1, 1]} : vector<128x512xf32> to vector<128x256xf32>
    %slice3A_183 = vector.extract_strided_slice %select_n3A_175 {offsets = [0, 256], sizes = [128, 256], strides = [1, 1]} : vector<128x512xf32> to vector<128x256xf32>
    %select_n3A_184 = arith.select %le3A_181, %slice3A_182, %slice3A_183 : vector<128x256xi1>, vector<128x256xf32>
    %slice3A_185 = vector.extract_strided_slice %select_n3A_178 {offsets = [0, 0], sizes = [128, 256], strides = [1, 1]} : vector<128x512xi32> to vector<128x256xi32>
    %slice3A_186 = vector.extract_strided_slice %select_n3A_178 {offsets = [0, 256], sizes = [128, 256], strides = [1, 1]} : vector<128x512xi32> to vector<128x256xi32>
    %select_n3A_187 = arith.select %le3A_181, %slice3A_185, %slice3A_186 : vector<128x256xi1>, vector<128x256xi32>
    %slice3A_188 = vector.extract_strided_slice %select_n3A_184 {offsets = [0, 0], sizes = [128, 128], strides = [1, 1]} : vector<128x256xf32> to vector<128x128xf32>
    %slice3A_189 = vector.extract_strided_slice %select_n3A_184 {offsets = [0, 128], sizes = [128, 128], strides = [1, 1]} : vector<128x256xf32> to vector<128x128xf32>
    %le3A_190 = arith.cmpf ole, %slice3A_188, %slice3A_189 : vector<128x128xf32>
    %slice3A_191 = vector.extract_strided_slice %select_n3A_184 {offsets = [0, 0], sizes = [128, 128], strides = [1, 1]} : vector<128x256xf32> to vector<128x128xf32>
    %slice3A_192 = vector.extract_strided_slice %select_n3A_184 {offsets = [0, 128], sizes = [128, 128], strides = [1, 1]} : vector<128x256xf32> to vector<128x128xf32>
    %select_n3A_193 = arith.select %le3A_190, %slice3A_191, %slice3A_192 : vector<128x128xi1>, vector<128x128xf32>
    %slice3A_194 = vector.extract_strided_slice %select_n3A_187 {offsets = [0, 0], sizes = [128, 128], strides = [1, 1]} : vector<128x256xi32> to vector<128x128xi32>
    %slice3A_195 = vector.extract_strided_slice %select_n3A_187 {offsets = [0, 128], sizes = [128, 128], strides = [1, 1]} : vector<128x256xi32> to vector<128x128xi32>
    %select_n3A_196 = arith.select %le3A_190, %slice3A_194, %slice3A_195 : vector<128x128xi1>, vector<128x128xi32>
    %reduce_min3A_197 = arith.constant dense<0x7F800000> : vector<128xf32>
    %reduce_min3A_198 = vector.multi_reduction <minimumf>, %select_n3A_193, %reduce_min3A_197 [1] : vector<128x128xf32> to vector<128xf32>
    %broadcast_in_dim3A_199 = vector.shape_cast %reduce_min3A_198 : vector<128xf32> to vector<128x1xf32>
    %eq3A_200 = vector.broadcast %broadcast_in_dim3A_199 : vector<128x1xf32> to vector<128x128xf32>
    %eq3A_201 = arith.cmpf oeq, %select_n3A_193, %eq3A_200 : vector<128x128xf32>
    %jit3A_202 = arith.constant 4096 : i32
    %broadcast_in_dim3A_203 = vector.broadcast %jit3A_202 : i32 to vector<128x128xi32>
    %select_n3A_204 = arith.select %eq3A_201, %select_n3A_196, %broadcast_in_dim3A_203 : vector<128x128xi1>, vector<128x128xi32>
    %reduce_min3A_205 = arith.constant dense<2147483647> : vector<128xi32>
    %reduce_min3A_206 = vector.multi_reduction <minsi>, %select_n3A_204, %reduce_min3A_205 [1] : vector<128x128xi32> to vector<128xi32>
    %broadcast_in_dim3A_207 = vector.shape_cast %reduce_min3A_206 : vector<128xi32> to vector<128x1xi32>
    %swap3A_208 = arith.constant 0 : index
    %swap3A_209 = arith.constant 2 : index
    %swap3A_210 = vector.load %arg5[%swap3A_208, %swap3A_209] : memref<128x16xi32, #tpu.memory_space<vmem>>, vector<128x1xi32>
    tpu.vector_store %arg5[%swap3A_208, %swap3A_209], %broadcast_in_dim3A_207 {strides = array<i32>} : memref<128x16xi32, #tpu.memory_space<vmem>>, vector<128x1xi32>,
    %gt3A_211 = vector.broadcast %broadcast_in_dim3A_199 : vector<128x1xf32> to vector<128x4096xf32>
    %gt3A_212 = arith.cmpf ogt, %sub3A_30, %gt3A_211 : vector<128x4096xf32>
    %jit3A_213 = arith.constant 0x7F800000 : f32
    %broadcast_in_dim3A_214 = vector.broadcast %jit3A_213 : f32 to vector<128x4096xf32>
    %select_n3A_215 = arith.select %gt3A_212, %sub3A_30, %broadcast_in_dim3A_214 : vector<128x4096xi1>, vector<128x4096xf32>
    %slice3A_216 = vector.extract_strided_slice %select_n3A_215 {offsets = [0, 0], sizes = [128, 2048], strides = [1, 1]} : vector<128x4096xf32> to vector<128x2048xf32>
    %slice3A_217 = vector.extract_strided_slice %select_n3A_215 {offsets = [0, 2048], sizes = [128, 2048], strides = [1, 1]} : vector<128x4096xf32> to vector<128x2048xf32>
    %le3A_218 = arith.cmpf ole, %slice3A_216, %slice3A_217 : vector<128x2048xf32>
    %slice3A_219 = vector.extract_strided_slice %select_n3A_215 {offsets = [0, 0], sizes = [128, 2048], strides = [1, 1]} : vector<128x4096xf32> to vector<128x2048xf32>
    %slice3A_220 = vector.extract_strided_slice %select_n3A_215 {offsets = [0, 2048], sizes = [128, 2048], strides = [1, 1]} : vector<128x4096xf32> to vector<128x2048xf32>
    %select_n3A_221 = arith.select %le3A_218, %slice3A_219, %slice3A_220 : vector<128x2048xi1>, vector<128x2048xf32>
    %slice3A_222 = vector.extract_strided_slice %iota3A {offsets = [0, 0], sizes = [128, 2048], strides = [1, 1]} : vector<128x4096xi32> to vector<128x2048xi32>
    %slice3A_223 = vector.extract_strided_slice %iota3A {offsets = [0, 2048], sizes = [128, 2048], strides = [1, 1]} : vector<128x4096xi32> to vector<128x2048xi32>
    %select_n3A_224 = arith.select %le3A_218, %slice3A_222, %slice3A_223 : vector<128x2048xi1>, vector<128x2048xi32>
    %slice3A_225 = vector.extract_strided_slice %select_n3A_221 {offsets = [0, 0], sizes = [128, 1024], strides = [1, 1]} : vector<128x2048xf32> to vector<128x1024xf32>
    %slice3A_226 = vector.extract_strided_slice %select_n3A_221 {offsets = [0, 1024], sizes = [128, 1024], strides = [1, 1]} : vector<128x2048xf32> to vector<128x1024xf32>
    %le3A_227 = arith.cmpf ole, %slice3A_225, %slice3A_226 : vector<128x1024xf32>
    %slice3A_228 = vector.extract_strided_slice %select_n3A_221 {offsets = [0, 0], sizes = [128, 1024], strides = [1, 1]} : vector<128x2048xf32> to vector<128x1024xf32>
    %slice3A_229 = vector.extract_strided_slice %select_n3A_221 {offsets = [0, 1024], sizes = [128, 1024], strides = [1, 1]} : vector<128x2048xf32> to vector<128x1024xf32>
    %select_n3A_230 = arith.select %le3A_227, %slice3A_228, %slice3A_229 : vector<128x1024xi1>, vector<128x1024xf32>
    %slice3A_231 = vector.extract_strided_slice %select_n3A_224 {offsets = [0, 0], sizes = [128, 1024], strides = [1, 1]} : vector<128x2048xi32> to vector<128x1024xi32>
    %slice3A_232 = vector.extract_strided_slice %select_n3A_224 {offsets = [0, 1024], sizes = [128, 1024], strides = [1, 1]} : vector<128x2048xi32> to vector<128x1024xi32>
    %select_n3A_233 = arith.select %le3A_227, %slice3A_231, %slice3A_232 : vector<128x1024xi1>, vector<128x1024xi32>
    %slice3A_234 = vector.extract_strided_slice %select_n3A_230 {offsets = [0, 0], sizes = [128, 512], strides = [1, 1]} : vector<128x1024xf32> to vector<128x512xf32>
    %slice3A_235 = vector.extract_strided_slice %select_n3A_230 {offsets = [0, 512], sizes = [128, 512], strides = [1, 1]} : vector<128x1024xf32> to vector<128x512xf32>
    %le3A_236 = arith.cmpf ole, %slice3A_234, %slice3A_235 : vector<128x512xf32>
    %slice3A_237 = vector.extract_strided_slice %select_n3A_230 {offsets = [0, 0], sizes = [128, 512], strides = [1, 1]} : vector<128x1024xf32> to vector<128x512xf32>
    %slice3A_238 = vector.extract_strided_slice %select_n3A_230 {offsets = [0, 512], sizes = [128, 512], strides = [1, 1]} : vector<128x1024xf32> to vector<128x512xf32>
    %select_n3A_239 = arith.select %le3A_236, %slice3A_237, %slice3A_238 : vector<128x512xi1>, vector<128x512xf32>
    %slice3A_240 = vector.extract_strided_slice %select_n3A_233 {offsets = [0, 0], sizes = [128, 512], strides = [1, 1]} : vector<128x1024xi32> to vector<128x512xi32>
    %slice3A_241 = vector.extract_strided_slice %select_n3A_233 {offsets = [0, 512], sizes = [128, 512], strides = [1, 1]} : vector<128x1024xi32> to vector<128x512xi32>
    %select_n3A_242 = arith.select %le3A_236, %slice3A_240, %slice3A_241 : vector<128x512xi1>, vector<128x512xi32>
    %slice3A_243 = vector.extract_strided_slice %select_n3A_239 {offsets = [0, 0], sizes = [128, 256], strides = [1, 1]} : vector<128x512xf32> to vector<128x256xf32>
    %slice3A_244 = vector.extract_strided_slice %select_n3A_239 {offsets = [0, 256], sizes = [128, 256], strides = [1, 1]} : vector<128x512xf32> to vector<128x256xf32>
    %le3A_245 = arith.cmpf ole, %slice3A_243, %slice3A_244 : vector<128x256xf32>
    %slice3A_246 = vector.extract_strided_slice %select_n3A_239 {offsets = [0, 0], sizes = [128, 256], strides = [1, 1]} : vector<128x512xf32> to vector<128x256xf32>
    %slice3A_247 = vector.extract_strided_slice %select_n3A_239 {offsets = [0, 256], sizes = [128, 256], strides = [1, 1]} : vector<128x512xf32> to vector<128x256xf32>
    %select_n3A_248 = arith.select %le3A_245, %slice3A_246, %slice3A_247 : vector<128x256xi1>, vector<128x256xf32>
    %slice3A_249 = vector.extract_strided_slice %select_n3A_242 {offsets = [0, 0], sizes = [128, 256], strides = [1, 1]} : vector<128x512xi32> to vector<128x256xi32>
    %slice3A_250 = vector.extract_strided_slice %select_n3A_242 {offsets = [0, 256], sizes = [128, 256], strides = [1, 1]} : vector<128x512xi32> to vector<128x256xi32>
    %select_n3A_251 = arith.select %le3A_245, %slice3A_249, %slice3A_250 : vector<128x256xi1>, vector<128x256xi32>
    %slice3A_252 = vector.extract_strided_slice %select_n3A_248 {offsets = [0, 0], sizes = [128, 128], strides = [1, 1]} : vector<128x256xf32> to vector<128x128xf32>
    %slice3A_253 = vector.extract_strided_slice %select_n3A_248 {offsets = [0, 128], sizes = [128, 128], strides = [1, 1]} : vector<128x256xf32> to vector<128x128xf32>
    %le3A_254 = arith.cmpf ole, %slice3A_252, %slice3A_253 : vector<128x128xf32>
    %slice3A_255 = vector.extract_strided_slice %select_n3A_248 {offsets = [0, 0], sizes = [128, 128], strides = [1, 1]} : vector<128x256xf32> to vector<128x128xf32>
    %slice3A_256 = vector.extract_strided_slice %select_n3A_248 {offsets = [0, 128], sizes = [128, 128], strides = [1, 1]} : vector<128x256xf32> to vector<128x128xf32>
    %select_n3A_257 = arith.select %le3A_254, %slice3A_255, %slice3A_256 : vector<128x128xi1>, vector<128x128xf32>
    %slice3A_258 = vector.extract_strided_slice %select_n3A_251 {offsets = [0, 0], sizes = [128, 128], strides = [1, 1]} : vector<128x256xi32> to vector<128x128xi32>
    %slice3A_259 = vector.extract_strided_slice %select_n3A_251 {offsets = [0, 128], sizes = [128, 128], strides = [1, 1]} : vector<128x256xi32> to vector<128x128xi32>
    %select_n3A_260 = arith.select %le3A_254, %slice3A_258, %slice3A_259 : vector<128x128xi1>, vector<128x128xi32>
    %reduce_min3A_261 = arith.constant dense<0x7F800000> : vector<128xf32>
    %reduce_min3A_262 = vector.multi_reduction <minimumf>, %select_n3A_257, %reduce_min3A_261 [1] : vector<128x128xf32> to vector<128xf32>
    %broadcast_in_dim3A_263 = vector.shape_cast %reduce_min3A_262 : vector<128xf32> to vector<128x1xf32>
    %eq3A_264 = vector.broadcast %broadcast_in_dim3A_263 : vector<128x1xf32> to vector<128x128xf32>
    %eq3A_265 = arith.cmpf oeq, %select_n3A_257, %eq3A_264 : vector<128x128xf32>
    %jit3A_266 = arith.constant 4096 : i32
    %broadcast_in_dim3A_267 = vector.broadcast %jit3A_266 : i32 to vector<128x128xi32>
    %select_n3A_268 = arith.select %eq3A_265, %select_n3A_260, %broadcast_in_dim3A_267 : vector<128x128xi1>, vector<128x128xi32>
    %reduce_min3A_269 = arith.constant dense<2147483647> : vector<128xi32>
    %reduce_min3A_270 = vector.multi_reduction <minsi>, %select_n3A_268, %reduce_min3A_269 [1] : vector<128x128xi32> to vector<128xi32>
    %broadcast_in_dim3A_271 = vector.shape_cast %reduce_min3A_270 : vector<128xi32> to vector<128x1xi32>
    %swap3A_272 = arith.constant 0 : index
    %swap3A_273 = arith.constant 3 : index
    %swap3A_274 = vector.load %arg5[%swap3A_272, %swap3A_273] : memref<128x16xi32, #tpu.memory_space<vmem>>, vector<128x1xi32>
    tpu.vector_store %arg5[%swap3A_272, %swap3A_273], %broadcast_in_dim3A_271 {strides = array<i32>} : memref<128x16xi32, #tpu.memory_space<vmem>>, vector<128x1xi32>,
    %gt3A_275 = vector.broadcast %broadcast_in_dim3A_263 : vector<128x1xf32> to vector<128x4096xf32>
    %gt3A_276 = arith.cmpf ogt, %sub3A_30, %gt3A_275 : vector<128x4096xf32>
    %jit3A_277 = arith.constant 0x7F800000 : f32
    %broadcast_in_dim3A_278 = vector.broadcast %jit3A_277 : f32 to vector<128x4096xf32>
    %select_n3A_279 = arith.select %gt3A_276, %sub3A_30, %broadcast_in_dim3A_278 : vector<128x4096xi1>, vector<128x4096xf32>
    %slice3A_280 = vector.extract_strided_slice %select_n3A_279 {offsets = [0, 0], sizes = [128, 2048], strides = [1, 1]} : vector<128x4096xf32> to vector<128x2048xf32>
    %slice3A_281 = vector.extract_strided_slice %select_n3A_279 {offsets = [0, 2048], sizes = [128, 2048], strides = [1, 1]} : vector<128x4096xf32> to vector<128x2048xf32>
    %le3A_282 = arith.cmpf ole, %slice3A_280, %slice3A_281 : vector<128x2048xf32>
    %slice3A_283 = vector.extract_strided_slice %select_n3A_279 {offsets = [0, 0], sizes = [128, 2048], strides = [1, 1]} : vector<128x4096xf32> to vector<128x2048xf32>
    %slice3A_284 = vector.extract_strided_slice %select_n3A_279 {offsets = [0, 2048], sizes = [128, 2048], strides = [1, 1]} : vector<128x4096xf32> to vector<128x2048xf32>
    %select_n3A_285 = arith.select %le3A_282, %slice3A_283, %slice3A_284 : vector<128x2048xi1>, vector<128x2048xf32>
    %slice3A_286 = vector.extract_strided_slice %iota3A {offsets = [0, 0], sizes = [128, 2048], strides = [1, 1]} : vector<128x4096xi32> to vector<128x2048xi32>
    %slice3A_287 = vector.extract_strided_slice %iota3A {offsets = [0, 2048], sizes = [128, 2048], strides = [1, 1]} : vector<128x4096xi32> to vector<128x2048xi32>
    %select_n3A_288 = arith.select %le3A_282, %slice3A_286, %slice3A_287 : vector<128x2048xi1>, vector<128x2048xi32>
    %slice3A_289 = vector.extract_strided_slice %select_n3A_285 {offsets = [0, 0], sizes = [128, 1024], strides = [1, 1]} : vector<128x2048xf32> to vector<128x1024xf32>
    %slice3A_290 = vector.extract_strided_slice %select_n3A_285 {offsets = [0, 1024], sizes = [128, 1024], strides = [1, 1]} : vector<128x2048xf32> to vector<128x1024xf32>
    %le3A_291 = arith.cmpf ole, %slice3A_289, %slice3A_290 : vector<128x1024xf32>
    %slice3A_292 = vector.extract_strided_slice %select_n3A_285 {offsets = [0, 0], sizes = [128, 1024], strides = [1, 1]} : vector<128x2048xf32> to vector<128x1024xf32>
    %slice3A_293 = vector.extract_strided_slice %select_n3A_285 {offsets = [0, 1024], sizes = [128, 1024], strides = [1, 1]} : vector<128x2048xf32> to vector<128x1024xf32>
    %select_n3A_294 = arith.select %le3A_291, %slice3A_292, %slice3A_293 : vector<128x1024xi1>, vector<128x1024xf32>
    %slice3A_295 = vector.extract_strided_slice %select_n3A_288 {offsets = [0, 0], sizes = [128, 1024], strides = [1, 1]} : vector<128x2048xi32> to vector<128x1024xi32>
    %slice3A_296 = vector.extract_strided_slice %select_n3A_288 {offsets = [0, 1024], sizes = [128, 1024], strides = [1, 1]} : vector<128x2048xi32> to vector<128x1024xi32>
    %select_n3A_297 = arith.select %le3A_291, %slice3A_295, %slice3A_296 : vector<128x1024xi1>, vector<128x1024xi32>
    %slice3A_298 = vector.extract_strided_slice %select_n3A_294 {offsets = [0, 0], sizes = [128, 512], strides = [1, 1]} : vector<128x1024xf32> to vector<128x512xf32>
    %slice3A_299 = vector.extract_strided_slice %select_n3A_294 {offsets = [0, 512], sizes = [128, 512], strides = [1, 1]} : vector<128x1024xf32> to vector<128x512xf32>
    %le3A_300 = arith.cmpf ole, %slice3A_298, %slice3A_299 : vector<128x512xf32>
    %slice3A_301 = vector.extract_strided_slice %select_n3A_294 {offsets = [0, 0], sizes = [128, 512], strides = [1, 1]} : vector<128x1024xf32> to vector<128x512xf32>
    %slice3A_302 = vector.extract_strided_slice %select_n3A_294 {offsets = [0, 512], sizes = [128, 512], strides = [1, 1]} : vector<128x1024xf32> to vector<128x512xf32>
    %select_n3A_303 = arith.select %le3A_300, %slice3A_301, %slice3A_302 : vector<128x512xi1>, vector<128x512xf32>
    %slice3A_304 = vector.extract_strided_slice %select_n3A_297 {offsets = [0, 0], sizes = [128, 512], strides = [1, 1]} : vector<128x1024xi32> to vector<128x512xi32>
    %slice3A_305 = vector.extract_strided_slice %select_n3A_297 {offsets = [0, 512], sizes = [128, 512], strides = [1, 1]} : vector<128x1024xi32> to vector<128x512xi32>
    %select_n3A_306 = arith.select %le3A_300, %slice3A_304, %slice3A_305 : vector<128x512xi1>, vector<128x512xi32>
    %slice3A_307 = vector.extract_strided_slice %select_n3A_303 {offsets = [0, 0], sizes = [128, 256], strides = [1, 1]} : vector<128x512xf32> to vector<128x256xf32>
    %slice3A_308 = vector.extract_strided_slice %select_n3A_303 {offsets = [0, 256], sizes = [128, 256], strides = [1, 1]} : vector<128x512xf32> to vector<128x256xf32>
    %le3A_309 = arith.cmpf ole, %slice3A_307, %slice3A_308 : vector<128x256xf32>
    %slice3A_310 = vector.extract_strided_slice %select_n3A_303 {offsets = [0, 0], sizes = [128, 256], strides = [1, 1]} : vector<128x512xf32> to vector<128x256xf32>
    %slice3A_311 = vector.extract_strided_slice %select_n3A_303 {offsets = [0, 256], sizes = [128, 256], strides = [1, 1]} : vector<128x512xf32> to vector<128x256xf32>
    %select_n3A_312 = arith.select %le3A_309, %slice3A_310, %slice3A_311 : vector<128x256xi1>, vector<128x256xf32>
    %slice3A_313 = vector.extract_strided_slice %select_n3A_306 {offsets = [0, 0], sizes = [128, 256], strides = [1, 1]} : vector<128x512xi32> to vector<128x256xi32>
    %slice3A_314 = vector.extract_strided_slice %select_n3A_306 {offsets = [0, 256], sizes = [128, 256], strides = [1, 1]} : vector<128x512xi32> to vector<128x256xi32>
    %select_n3A_315 = arith.select %le3A_309, %slice3A_313, %slice3A_314 : vector<128x256xi1>, vector<128x256xi32>
    %slice3A_316 = vector.extract_strided_slice %select_n3A_312 {offsets = [0, 0], sizes = [128, 128], strides = [1, 1]} : vector<128x256xf32> to vector<128x128xf32>
    %slice3A_317 = vector.extract_strided_slice %select_n3A_312 {offsets = [0, 128], sizes = [128, 128], strides = [1, 1]} : vector<128x256xf32> to vector<128x128xf32>
    %le3A_318 = arith.cmpf ole, %slice3A_316, %slice3A_317 : vector<128x128xf32>
    %slice3A_319 = vector.extract_strided_slice %select_n3A_312 {offsets = [0, 0], sizes = [128, 128], strides = [1, 1]} : vector<128x256xf32> to vector<128x128xf32>
    %slice3A_320 = vector.extract_strided_slice %select_n3A_312 {offsets = [0, 128], sizes = [128, 128], strides = [1, 1]} : vector<128x256xf32> to vector<128x128xf32>
    %select_n3A_321 = arith.select %le3A_318, %slice3A_319, %slice3A_320 : vector<128x128xi1>, vector<128x128xf32>
    %slice3A_322 = vector.extract_strided_slice %select_n3A_315 {offsets = [0, 0], sizes = [128, 128], strides = [1, 1]} : vector<128x256xi32> to vector<128x128xi32>
    %slice3A_323 = vector.extract_strided_slice %select_n3A_315 {offsets = [0, 128], sizes = [128, 128], strides = [1, 1]} : vector<128x256xi32> to vector<128x128xi32>
    %select_n3A_324 = arith.select %le3A_318, %slice3A_322, %slice3A_323 : vector<128x128xi1>, vector<128x128xi32>
    %reduce_min3A_325 = arith.constant dense<0x7F800000> : vector<128xf32>
    %reduce_min3A_326 = vector.multi_reduction <minimumf>, %select_n3A_321, %reduce_min3A_325 [1] : vector<128x128xf32> to vector<128xf32>
    %broadcast_in_dim3A_327 = vector.shape_cast %reduce_min3A_326 : vector<128xf32> to vector<128x1xf32>
    %eq3A_328 = vector.broadcast %broadcast_in_dim3A_327 : vector<128x1xf32> to vector<128x128xf32>
    %eq3A_329 = arith.cmpf oeq, %select_n3A_321, %eq3A_328 : vector<128x128xf32>
    %jit3A_330 = arith.constant 4096 : i32
    %broadcast_in_dim3A_331 = vector.broadcast %jit3A_330 : i32 to vector<128x128xi32>
    %select_n3A_332 = arith.select %eq3A_329, %select_n3A_324, %broadcast_in_dim3A_331 : vector<128x128xi1>, vector<128x128xi32>
    %reduce_min3A_333 = arith.constant dense<2147483647> : vector<128xi32>
    %reduce_min3A_334 = vector.multi_reduction <minsi>, %select_n3A_332, %reduce_min3A_333 [1] : vector<128x128xi32> to vector<128xi32>
    %broadcast_in_dim3A_335 = vector.shape_cast %reduce_min3A_334 : vector<128xi32> to vector<128x1xi32>
    %swap3A_336 = arith.constant 0 : index
    %swap3A_337 = arith.constant 4 : index
    %swap3A_338 = vector.load %arg5[%swap3A_336, %swap3A_337] : memref<128x16xi32, #tpu.memory_space<vmem>>, vector<128x1xi32>
    tpu.vector_store %arg5[%swap3A_336, %swap3A_337], %broadcast_in_dim3A_335 {strides = array<i32>} : memref<128x16xi32, #tpu.memory_space<vmem>>, vector<128x1xi32>,
    %gt3A_339 = vector.broadcast %broadcast_in_dim3A_327 : vector<128x1xf32> to vector<128x4096xf32>
    %gt3A_340 = arith.cmpf ogt, %sub3A_30, %gt3A_339 : vector<128x4096xf32>
    %jit3A_341 = arith.constant 0x7F800000 : f32
    %broadcast_in_dim3A_342 = vector.broadcast %jit3A_341 : f32 to vector<128x4096xf32>
    %select_n3A_343 = arith.select %gt3A_340, %sub3A_30, %broadcast_in_dim3A_342 : vector<128x4096xi1>, vector<128x4096xf32>
    %slice3A_344 = vector.extract_strided_slice %select_n3A_343 {offsets = [0, 0], sizes = [128, 2048], strides = [1, 1]} : vector<128x4096xf32> to vector<128x2048xf32>
    %slice3A_345 = vector.extract_strided_slice %select_n3A_343 {offsets = [0, 2048], sizes = [128, 2048], strides = [1, 1]} : vector<128x4096xf32> to vector<128x2048xf32>
    %le3A_346 = arith.cmpf ole, %slice3A_344, %slice3A_345 : vector<128x2048xf32>
    %slice3A_347 = vector.extract_strided_slice %select_n3A_343 {offsets = [0, 0], sizes = [128, 2048], strides = [1, 1]} : vector<128x4096xf32> to vector<128x2048xf32>
    %slice3A_348 = vector.extract_strided_slice %select_n3A_343 {offsets = [0, 2048], sizes = [128, 2048], strides = [1, 1]} : vector<128x4096xf32> to vector<128x2048xf32>
    %select_n3A_349 = arith.select %le3A_346, %slice3A_347, %slice3A_348 : vector<128x2048xi1>, vector<128x2048xf32>
    %slice3A_350 = vector.extract_strided_slice %iota3A {offsets = [0, 0], sizes = [128, 2048], strides = [1, 1]} : vector<128x4096xi32> to vector<128x2048xi32>
    %slice3A_351 = vector.extract_strided_slice %iota3A {offsets = [0, 2048], sizes = [128, 2048], strides = [1, 1]} : vector<128x4096xi32> to vector<128x2048xi32>
    %select_n3A_352 = arith.select %le3A_346, %slice3A_350, %slice3A_351 : vector<128x2048xi1>, vector<128x2048xi32>
    %slice3A_353 = vector.extract_strided_slice %select_n3A_349 {offsets = [0, 0], sizes = [128, 1024], strides = [1, 1]} : vector<128x2048xf32> to vector<128x1024xf32>
    %slice3A_354 = vector.extract_strided_slice %select_n3A_349 {offsets = [0, 1024], sizes = [128, 1024], strides = [1, 1]} : vector<128x2048xf32> to vector<128x1024xf32>
    %le3A_355 = arith.cmpf ole, %slice3A_353, %slice3A_354 : vector<128x1024xf32>
    %slice3A_356 = vector.extract_strided_slice %select_n3A_349 {offsets = [0, 0], sizes = [128, 1024], strides = [1, 1]} : vector<128x2048xf32> to vector<128x1024xf32>
    %slice3A_357 = vector.extract_strided_slice %select_n3A_349 {offsets = [0, 1024], sizes = [128, 1024], strides = [1, 1]} : vector<128x2048xf32> to vector<128x1024xf32>
    %select_n3A_358 = arith.select %le3A_355, %slice3A_356, %slice3A_357 : vector<128x1024xi1>, vector<128x1024xf32>
    %slice3A_359 = vector.extract_strided_slice %select_n3A_352 {offsets = [0, 0], sizes = [128, 1024], strides = [1, 1]} : vector<128x2048xi32> to vector<128x1024xi32>
    %slice3A_360 = vector.extract_strided_slice %select_n3A_352 {offsets = [0, 1024], sizes = [128, 1024], strides = [1, 1]} : vector<128x2048xi32> to vector<128x1024xi32>
    %select_n3A_361 = arith.select %le3A_355, %slice3A_359, %slice3A_360 : vector<128x1024xi1>, vector<128x1024xi32>
    %slice3A_362 = vector.extract_strided_slice %select_n3A_358 {offsets = [0, 0], sizes = [128, 512], strides = [1, 1]} : vector<128x1024xf32> to vector<128x512xf32>
    %slice3A_363 = vector.extract_strided_slice %select_n3A_358 {offsets = [0, 512], sizes = [128, 512], strides = [1, 1]} : vector<128x1024xf32> to vector<128x512xf32>
    %le3A_364 = arith.cmpf ole, %slice3A_362, %slice3A_363 : vector<128x512xf32>
    %slice3A_365 = vector.extract_strided_slice %select_n3A_358 {offsets = [0, 0], sizes = [128, 512], strides = [1, 1]} : vector<128x1024xf32> to vector<128x512xf32>
    %slice3A_366 = vector.extract_strided_slice %select_n3A_358 {offsets = [0, 512], sizes = [128, 512], strides = [1, 1]} : vector<128x1024xf32> to vector<128x512xf32>
    %select_n3A_367 = arith.select %le3A_364, %slice3A_365, %slice3A_366 : vector<128x512xi1>, vector<128x512xf32>
    %slice3A_368 = vector.extract_strided_slice %select_n3A_361 {offsets = [0, 0], sizes = [128, 512], strides = [1, 1]} : vector<128x1024xi32> to vector<128x512xi32>
    %slice3A_369 = vector.extract_strided_slice %select_n3A_361 {offsets = [0, 512], sizes = [128, 512], strides = [1, 1]} : vector<128x1024xi32> to vector<128x512xi32>
    %select_n3A_370 = arith.select %le3A_364, %slice3A_368, %slice3A_369 : vector<128x512xi1>, vector<128x512xi32>
    %slice3A_371 = vector.extract_strided_slice %select_n3A_367 {offsets = [0, 0], sizes = [128, 256], strides = [1, 1]} : vector<128x512xf32> to vector<128x256xf32>
    %slice3A_372 = vector.extract_strided_slice %select_n3A_367 {offsets = [0, 256], sizes = [128, 256], strides = [1, 1]} : vector<128x512xf32> to vector<128x256xf32>
    %le3A_373 = arith.cmpf ole, %slice3A_371, %slice3A_372 : vector<128x256xf32>
    %slice3A_374 = vector.extract_strided_slice %select_n3A_367 {offsets = [0, 0], sizes = [128, 256], strides = [1, 1]} : vector<128x512xf32> to vector<128x256xf32>
    %slice3A_375 = vector.extract_strided_slice %select_n3A_367 {offsets = [0, 256], sizes = [128, 256], strides = [1, 1]} : vector<128x512xf32> to vector<128x256xf32>
    %select_n3A_376 = arith.select %le3A_373, %slice3A_374, %slice3A_375 : vector<128x256xi1>, vector<128x256xf32>
    %slice3A_377 = vector.extract_strided_slice %select_n3A_370 {offsets = [0, 0], sizes = [128, 256], strides = [1, 1]} : vector<128x512xi32> to vector<128x256xi32>
    %slice3A_378 = vector.extract_strided_slice %select_n3A_370 {offsets = [0, 256], sizes = [128, 256], strides = [1, 1]} : vector<128x512xi32> to vector<128x256xi32>
    %select_n3A_379 = arith.select %le3A_373, %slice3A_377, %slice3A_378 : vector<128x256xi1>, vector<128x256xi32>
    %slice3A_380 = vector.extract_strided_slice %select_n3A_376 {offsets = [0, 0], sizes = [128, 128], strides = [1, 1]} : vector<128x256xf32> to vector<128x128xf32>
    %slice3A_381 = vector.extract_strided_slice %select_n3A_376 {offsets = [0, 128], sizes = [128, 128], strides = [1, 1]} : vector<128x256xf32> to vector<128x128xf32>
    %le3A_382 = arith.cmpf ole, %slice3A_380, %slice3A_381 : vector<128x128xf32>
    %slice3A_383 = vector.extract_strided_slice %select_n3A_376 {offsets = [0, 0], sizes = [128, 128], strides = [1, 1]} : vector<128x256xf32> to vector<128x128xf32>
    %slice3A_384 = vector.extract_strided_slice %select_n3A_376 {offsets = [0, 128], sizes = [128, 128], strides = [1, 1]} : vector<128x256xf32> to vector<128x128xf32>
    %select_n3A_385 = arith.select %le3A_382, %slice3A_383, %slice3A_384 : vector<128x128xi1>, vector<128x128xf32>
    %slice3A_386 = vector.extract_strided_slice %select_n3A_379 {offsets = [0, 0], sizes = [128, 128], strides = [1, 1]} : vector<128x256xi32> to vector<128x128xi32>
    %slice3A_387 = vector.extract_strided_slice %select_n3A_379 {offsets = [0, 128], sizes = [128, 128], strides = [1, 1]} : vector<128x256xi32> to vector<128x128xi32>
    %select_n3A_388 = arith.select %le3A_382, %slice3A_386, %slice3A_387 : vector<128x128xi1>, vector<128x128xi32>
    %reduce_min3A_389 = arith.constant dense<0x7F800000> : vector<128xf32>
    %reduce_min3A_390 = vector.multi_reduction <minimumf>, %select_n3A_385, %reduce_min3A_389 [1] : vector<128x128xf32> to vector<128xf32>
    %broadcast_in_dim3A_391 = vector.shape_cast %reduce_min3A_390 : vector<128xf32> to vector<128x1xf32>
    %eq3A_392 = vector.broadcast %broadcast_in_dim3A_391 : vector<128x1xf32> to vector<128x128xf32>
    %eq3A_393 = arith.cmpf oeq, %select_n3A_385, %eq3A_392 : vector<128x128xf32>
    %jit3A_394 = arith.constant 4096 : i32
    %broadcast_in_dim3A_395 = vector.broadcast %jit3A_394 : i32 to vector<128x128xi32>
    %select_n3A_396 = arith.select %eq3A_393, %select_n3A_388, %broadcast_in_dim3A_395 : vector<128x128xi1>, vector<128x128xi32>
    %reduce_min3A_397 = arith.constant dense<2147483647> : vector<128xi32>
    %reduce_min3A_398 = vector.multi_reduction <minsi>, %select_n3A_396, %reduce_min3A_397 [1] : vector<128x128xi32> to vector<128xi32>
    %broadcast_in_dim3A_399 = vector.shape_cast %reduce_min3A_398 : vector<128xi32> to vector<128x1xi32>
    %swap3A_400 = arith.constant 0 : index
    %swap3A_401 = arith.constant 5 : index
    %swap3A_402 = vector.load %arg5[%swap3A_400, %swap3A_401] : memref<128x16xi32, #tpu.memory_space<vmem>>, vector<128x1xi32>
    tpu.vector_store %arg5[%swap3A_400, %swap3A_401], %broadcast_in_dim3A_399 {strides = array<i32>} : memref<128x16xi32, #tpu.memory_space<vmem>>, vector<128x1xi32>,
    %gt3A_403 = vector.broadcast %broadcast_in_dim3A_391 : vector<128x1xf32> to vector<128x4096xf32>
    %gt3A_404 = arith.cmpf ogt, %sub3A_30, %gt3A_403 : vector<128x4096xf32>
    %jit3A_405 = arith.constant 0x7F800000 : f32
    %broadcast_in_dim3A_406 = vector.broadcast %jit3A_405 : f32 to vector<128x4096xf32>
    %select_n3A_407 = arith.select %gt3A_404, %sub3A_30, %broadcast_in_dim3A_406 : vector<128x4096xi1>, vector<128x4096xf32>
    %slice3A_408 = vector.extract_strided_slice %select_n3A_407 {offsets = [0, 0], sizes = [128, 2048], strides = [1, 1]} : vector<128x4096xf32> to vector<128x2048xf32>
    %slice3A_409 = vector.extract_strided_slice %select_n3A_407 {offsets = [0, 2048], sizes = [128, 2048], strides = [1, 1]} : vector<128x4096xf32> to vector<128x2048xf32>
    %le3A_410 = arith.cmpf ole, %slice3A_408, %slice3A_409 : vector<128x2048xf32>
    %slice3A_411 = vector.extract_strided_slice %select_n3A_407 {offsets = [0, 0], sizes = [128, 2048], strides = [1, 1]} : vector<128x4096xf32> to vector<128x2048xf32>
    %slice3A_412 = vector.extract_strided_slice %select_n3A_407 {offsets = [0, 2048], sizes = [128, 2048], strides = [1, 1]} : vector<128x4096xf32> to vector<128x2048xf32>
    %select_n3A_413 = arith.select %le3A_410, %slice3A_411, %slice3A_412 : vector<128x2048xi1>, vector<128x2048xf32>
    %slice3A_414 = vector.extract_strided_slice %iota3A {offsets = [0, 0], sizes = [128, 2048], strides = [1, 1]} : vector<128x4096xi32> to vector<128x2048xi32>
    %slice3A_415 = vector.extract_strided_slice %iota3A {offsets = [0, 2048], sizes = [128, 2048], strides = [1, 1]} : vector<128x4096xi32> to vector<128x2048xi32>
    %select_n3A_416 = arith.select %le3A_410, %slice3A_414, %slice3A_415 : vector<128x2048xi1>, vector<128x2048xi32>
    %slice3A_417 = vector.extract_strided_slice %select_n3A_413 {offsets = [0, 0], sizes = [128, 1024], strides = [1, 1]} : vector<128x2048xf32> to vector<128x1024xf32>
    %slice3A_418 = vector.extract_strided_slice %select_n3A_413 {offsets = [0, 1024], sizes = [128, 1024], strides = [1, 1]} : vector<128x2048xf32> to vector<128x1024xf32>
    %le3A_419 = arith.cmpf ole, %slice3A_417, %slice3A_418 : vector<128x1024xf32>
    %slice3A_420 = vector.extract_strided_slice %select_n3A_413 {offsets = [0, 0], sizes = [128, 1024], strides = [1, 1]} : vector<128x2048xf32> to vector<128x1024xf32>
    %slice3A_421 = vector.extract_strided_slice %select_n3A_413 {offsets = [0, 1024], sizes = [128, 1024], strides = [1, 1]} : vector<128x2048xf32> to vector<128x1024xf32>
    %select_n3A_422 = arith.select %le3A_419, %slice3A_420, %slice3A_421 : vector<128x1024xi1>, vector<128x1024xf32>
    %slice3A_423 = vector.extract_strided_slice %select_n3A_416 {offsets = [0, 0], sizes = [128, 1024], strides = [1, 1]} : vector<128x2048xi32> to vector<128x1024xi32>
    %slice3A_424 = vector.extract_strided_slice %select_n3A_416 {offsets = [0, 1024], sizes = [128, 1024], strides = [1, 1]} : vector<128x2048xi32> to vector<128x1024xi32>
    %select_n3A_425 = arith.select %le3A_419, %slice3A_423, %slice3A_424 : vector<128x1024xi1>, vector<128x1024xi32>
    %slice3A_426 = vector.extract_strided_slice %select_n3A_422 {offsets = [0, 0], sizes = [128, 512], strides = [1, 1]} : vector<128x1024xf32> to vector<128x512xf32>
    %slice3A_427 = vector.extract_strided_slice %select_n3A_422 {offsets = [0, 512], sizes = [128, 512], strides = [1, 1]} : vector<128x1024xf32> to vector<128x512xf32>
    %le3A_428 = arith.cmpf ole, %slice3A_426, %slice3A_427 : vector<128x512xf32>
    %slice3A_429 = vector.extract_strided_slice %select_n3A_422 {offsets = [0, 0], sizes = [128, 512], strides = [1, 1]} : vector<128x1024xf32> to vector<128x512xf32>
    %slice3A_430 = vector.extract_strided_slice %select_n3A_422 {offsets = [0, 512], sizes = [128, 512], strides = [1, 1]} : vector<128x1024xf32> to vector<128x512xf32>
    %select_n3A_431 = arith.select %le3A_428, %slice3A_429, %slice3A_430 : vector<128x512xi1>, vector<128x512xf32>
    %slice3A_432 = vector.extract_strided_slice %select_n3A_425 {offsets = [0, 0], sizes = [128, 512], strides = [1, 1]} : vector<128x1024xi32> to vector<128x512xi32>
    %slice3A_433 = vector.extract_strided_slice %select_n3A_425 {offsets = [0, 512], sizes = [128, 512], strides = [1, 1]} : vector<128x1024xi32> to vector<128x512xi32>
    %select_n3A_434 = arith.select %le3A_428, %slice3A_432, %slice3A_433 : vector<128x512xi1>, vector<128x512xi32>
    %slice3A_435 = vector.extract_strided_slice %select_n3A_431 {offsets = [0, 0], sizes = [128, 256], strides = [1, 1]} : vector<128x512xf32> to vector<128x256xf32>
    %slice3A_436 = vector.extract_strided_slice %select_n3A_431 {offsets = [0, 256], sizes = [128, 256], strides = [1, 1]} : vector<128x512xf32> to vector<128x256xf32>
    %le3A_437 = arith.cmpf ole, %slice3A_435, %slice3A_436 : vector<128x256xf32>
    %slice3A_438 = vector.extract_strided_slice %select_n3A_431 {offsets = [0, 0], sizes = [128, 256], strides = [1, 1]} : vector<128x512xf32> to vector<128x256xf32>
    %slice3A_439 = vector.extract_strided_slice %select_n3A_431 {offsets = [0, 256], sizes = [128, 256], strides = [1, 1]} : vector<128x512xf32> to vector<128x256xf32>
    %select_n3A_440 = arith.select %le3A_437, %slice3A_438, %slice3A_439 : vector<128x256xi1>, vector<128x256xf32>
    %slice3A_441 = vector.extract_strided_slice %select_n3A_434 {offsets = [0, 0], sizes = [128, 256], strides = [1, 1]} : vector<128x512xi32> to vector<128x256xi32>
    %slice3A_442 = vector.extract_strided_slice %select_n3A_434 {offsets = [0, 256], sizes = [128, 256], strides = [1, 1]} : vector<128x512xi32> to vector<128x256xi32>
    %select_n3A_443 = arith.select %le3A_437, %slice3A_441, %slice3A_442 : vector<128x256xi1>, vector<128x256xi32>
    %slice3A_444 = vector.extract_strided_slice %select_n3A_440 {offsets = [0, 0], sizes = [128, 128], strides = [1, 1]} : vector<128x256xf32> to vector<128x128xf32>
    %slice3A_445 = vector.extract_strided_slice %select_n3A_440 {offsets = [0, 128], sizes = [128, 128], strides = [1, 1]} : vector<128x256xf32> to vector<128x128xf32>
    %le3A_446 = arith.cmpf ole, %slice3A_444, %slice3A_445 : vector<128x128xf32>
    %slice3A_447 = vector.extract_strided_slice %select_n3A_440 {offsets = [0, 0], sizes = [128, 128], strides = [1, 1]} : vector<128x256xf32> to vector<128x128xf32>
    %slice3A_448 = vector.extract_strided_slice %select_n3A_440 {offsets = [0, 128], sizes = [128, 128], strides = [1, 1]} : vector<128x256xf32> to vector<128x128xf32>
    %select_n3A_449 = arith.select %le3A_446, %slice3A_447, %slice3A_448 : vector<128x128xi1>, vector<128x128xf32>
    %slice3A_450 = vector.extract_strided_slice %select_n3A_443 {offsets = [0, 0], sizes = [128, 128], strides = [1, 1]} : vector<128x256xi32> to vector<128x128xi32>
    %slice3A_451 = vector.extract_strided_slice %select_n3A_443 {offsets = [0, 128], sizes = [128, 128], strides = [1, 1]} : vector<128x256xi32> to vector<128x128xi32>
    %select_n3A_452 = arith.select %le3A_446, %slice3A_450, %slice3A_451 : vector<128x128xi1>, vector<128x128xi32>
    %reduce_min3A_453 = arith.constant dense<0x7F800000> : vector<128xf32>
    %reduce_min3A_454 = vector.multi_reduction <minimumf>, %select_n3A_449, %reduce_min3A_453 [1] : vector<128x128xf32> to vector<128xf32>
    %broadcast_in_dim3A_455 = vector.shape_cast %reduce_min3A_454 : vector<128xf32> to vector<128x1xf32>
    %eq3A_456 = vector.broadcast %broadcast_in_dim3A_455 : vector<128x1xf32> to vector<128x128xf32>
    %eq3A_457 = arith.cmpf oeq, %select_n3A_449, %eq3A_456 : vector<128x128xf32>
    %jit3A_458 = arith.constant 4096 : i32
    %broadcast_in_dim3A_459 = vector.broadcast %jit3A_458 : i32 to vector<128x128xi32>
    %select_n3A_460 = arith.select %eq3A_457, %select_n3A_452, %broadcast_in_dim3A_459 : vector<128x128xi1>, vector<128x128xi32>
    %reduce_min3A_461 = arith.constant dense<2147483647> : vector<128xi32>
    %reduce_min3A_462 = vector.multi_reduction <minsi>, %select_n3A_460, %reduce_min3A_461 [1] : vector<128x128xi32> to vector<128xi32>
    %broadcast_in_dim3A_463 = vector.shape_cast %reduce_min3A_462 : vector<128xi32> to vector<128x1xi32>
    %swap3A_464 = arith.constant 0 : index
    %swap3A_465 = arith.constant 6 : index
    %swap3A_466 = vector.load %arg5[%swap3A_464, %swap3A_465] : memref<128x16xi32, #tpu.memory_space<vmem>>, vector<128x1xi32>
    tpu.vector_store %arg5[%swap3A_464, %swap3A_465], %broadcast_in_dim3A_463 {strides = array<i32>} : memref<128x16xi32, #tpu.memory_space<vmem>>, vector<128x1xi32>,
    %gt3A_467 = vector.broadcast %broadcast_in_dim3A_455 : vector<128x1xf32> to vector<128x4096xf32>
    %gt3A_468 = arith.cmpf ogt, %sub3A_30, %gt3A_467 : vector<128x4096xf32>
    %jit3A_469 = arith.constant 0x7F800000 : f32
    %broadcast_in_dim3A_470 = vector.broadcast %jit3A_469 : f32 to vector<128x4096xf32>
    %select_n3A_471 = arith.select %gt3A_468, %sub3A_30, %broadcast_in_dim3A_470 : vector<128x4096xi1>, vector<128x4096xf32>
    %slice3A_472 = vector.extract_strided_slice %select_n3A_471 {offsets = [0, 0], sizes = [128, 2048], strides = [1, 1]} : vector<128x4096xf32> to vector<128x2048xf32>
    %slice3A_473 = vector.extract_strided_slice %select_n3A_471 {offsets = [0, 2048], sizes = [128, 2048], strides = [1, 1]} : vector<128x4096xf32> to vector<128x2048xf32>
    %le3A_474 = arith.cmpf ole, %slice3A_472, %slice3A_473 : vector<128x2048xf32>
    %slice3A_475 = vector.extract_strided_slice %select_n3A_471 {offsets = [0, 0], sizes = [128, 2048], strides = [1, 1]} : vector<128x4096xf32> to vector<128x2048xf32>
    %slice3A_476 = vector.extract_strided_slice %select_n3A_471 {offsets = [0, 2048], sizes = [128, 2048], strides = [1, 1]} : vector<128x4096xf32> to vector<128x2048xf32>
    %select_n3A_477 = arith.select %le3A_474, %slice3A_475, %slice3A_476 : vector<128x2048xi1>, vector<128x2048xf32>
    %slice3A_478 = vector.extract_strided_slice %iota3A {offsets = [0, 0], sizes = [128, 2048], strides = [1, 1]} : vector<128x4096xi32> to vector<128x2048xi32>
    %slice3A_479 = vector.extract_strided_slice %iota3A {offsets = [0, 2048], sizes = [128, 2048], strides = [1, 1]} : vector<128x4096xi32> to vector<128x2048xi32>
    %select_n3A_480 = arith.select %le3A_474, %slice3A_478, %slice3A_479 : vector<128x2048xi1>, vector<128x2048xi32>
    %slice3A_481 = vector.extract_strided_slice %select_n3A_477 {offsets = [0, 0], sizes = [128, 1024], strides = [1, 1]} : vector<128x2048xf32> to vector<128x1024xf32>
    %slice3A_482 = vector.extract_strided_slice %select_n3A_477 {offsets = [0, 1024], sizes = [128, 1024], strides = [1, 1]} : vector<128x2048xf32> to vector<128x1024xf32>
    %le3A_483 = arith.cmpf ole, %slice3A_481, %slice3A_482 : vector<128x1024xf32>
    %slice3A_484 = vector.extract_strided_slice %select_n3A_477 {offsets = [0, 0], sizes = [128, 1024], strides = [1, 1]} : vector<128x2048xf32> to vector<128x1024xf32>
    %slice3A_485 = vector.extract_strided_slice %select_n3A_477 {offsets = [0, 1024], sizes = [128, 1024], strides = [1, 1]} : vector<128x2048xf32> to vector<128x1024xf32>
    %select_n3A_486 = arith.select %le3A_483, %slice3A_484, %slice3A_485 : vector<128x1024xi1>, vector<128x1024xf32>
    %slice3A_487 = vector.extract_strided_slice %select_n3A_480 {offsets = [0, 0], sizes = [128, 1024], strides = [1, 1]} : vector<128x2048xi32> to vector<128x1024xi32>
    %slice3A_488 = vector.extract_strided_slice %select_n3A_480 {offsets = [0, 1024], sizes = [128, 1024], strides = [1, 1]} : vector<128x2048xi32> to vector<128x1024xi32>
    %select_n3A_489 = arith.select %le3A_483, %slice3A_487, %slice3A_488 : vector<128x1024xi1>, vector<128x1024xi32>
    %slice3A_490 = vector.extract_strided_slice %select_n3A_486 {offsets = [0, 0], sizes = [128, 512], strides = [1, 1]} : vector<128x1024xf32> to vector<128x512xf32>
    %slice3A_491 = vector.extract_strided_slice %select_n3A_486 {offsets = [0, 512], sizes = [128, 512], strides = [1, 1]} : vector<128x1024xf32> to vector<128x512xf32>
    %le3A_492 = arith.cmpf ole, %slice3A_490, %slice3A_491 : vector<128x512xf32>
    %slice3A_493 = vector.extract_strided_slice %select_n3A_486 {offsets = [0, 0], sizes = [128, 512], strides = [1, 1]} : vector<128x1024xf32> to vector<128x512xf32>
    %slice3A_494 = vector.extract_strided_slice %select_n3A_486 {offsets = [0, 512], sizes = [128, 512], strides = [1, 1]} : vector<128x1024xf32> to vector<128x512xf32>
    %select_n3A_495 = arith.select %le3A_492, %slice3A_493, %slice3A_494 : vector<128x512xi1>, vector<128x512xf32>
    %slice3A_496 = vector.extract_strided_slice %select_n3A_489 {offsets = [0, 0], sizes = [128, 512], strides = [1, 1]} : vector<128x1024xi32> to vector<128x512xi32>
    %slice3A_497 = vector.extract_strided_slice %select_n3A_489 {offsets = [0, 512], sizes = [128, 512], strides = [1, 1]} : vector<128x1024xi32> to vector<128x512xi32>
    %select_n3A_498 = arith.select %le3A_492, %slice3A_496, %slice3A_497 : vector<128x512xi1>, vector<128x512xi32>
    %slice3A_499 = vector.extract_strided_slice %select_n3A_495 {offsets = [0, 0], sizes = [128, 256], strides = [1, 1]} : vector<128x512xf32> to vector<128x256xf32>
    %slice3A_500 = vector.extract_strided_slice %select_n3A_495 {offsets = [0, 256], sizes = [128, 256], strides = [1, 1]} : vector<128x512xf32> to vector<128x256xf32>
    %le3A_501 = arith.cmpf ole, %slice3A_499, %slice3A_500 : vector<128x256xf32>
    %slice3A_502 = vector.extract_strided_slice %select_n3A_495 {offsets = [0, 0], sizes = [128, 256], strides = [1, 1]} : vector<128x512xf32> to vector<128x256xf32>
    %slice3A_503 = vector.extract_strided_slice %select_n3A_495 {offsets = [0, 256], sizes = [128, 256], strides = [1, 1]} : vector<128x512xf32> to vector<128x256xf32>
    %select_n3A_504 = arith.select %le3A_501, %slice3A_502, %slice3A_503 : vector<128x256xi1>, vector<128x256xf32>
    %slice3A_505 = vector.extract_strided_slice %select_n3A_498 {offsets = [0, 0], sizes = [128, 256], strides = [1, 1]} : vector<128x512xi32> to vector<128x256xi32>
    %slice3A_506 = vector.extract_strided_slice %select_n3A_498 {offsets = [0, 256], sizes = [128, 256], strides = [1, 1]} : vector<128x512xi32> to vector<128x256xi32>
    %select_n3A_507 = arith.select %le3A_501, %slice3A_505, %slice3A_506 : vector<128x256xi1>, vector<128x256xi32>
    %slice3A_508 = vector.extract_strided_slice %select_n3A_504 {offsets = [0, 0], sizes = [128, 128], strides = [1, 1]} : vector<128x256xf32> to vector<128x128xf32>
    %slice3A_509 = vector.extract_strided_slice %select_n3A_504 {offsets = [0, 128], sizes = [128, 128], strides = [1, 1]} : vector<128x256xf32> to vector<128x128xf32>
    %le3A_510 = arith.cmpf ole, %slice3A_508, %slice3A_509 : vector<128x128xf32>
    %slice3A_511 = vector.extract_strided_slice %select_n3A_504 {offsets = [0, 0], sizes = [128, 128], strides = [1, 1]} : vector<128x256xf32> to vector<128x128xf32>
    %slice3A_512 = vector.extract_strided_slice %select_n3A_504 {offsets = [0, 128], sizes = [128, 128], strides = [1, 1]} : vector<128x256xf32> to vector<128x128xf32>
    %select_n3A_513 = arith.select %le3A_510, %slice3A_511, %slice3A_512 : vector<128x128xi1>, vector<128x128xf32>
    %slice3A_514 = vector.extract_strided_slice %select_n3A_507 {offsets = [0, 0], sizes = [128, 128], strides = [1, 1]} : vector<128x256xi32> to vector<128x128xi32>
    %slice3A_515 = vector.extract_strided_slice %select_n3A_507 {offsets = [0, 128], sizes = [128, 128], strides = [1, 1]} : vector<128x256xi32> to vector<128x128xi32>
    %select_n3A_516 = arith.select %le3A_510, %slice3A_514, %slice3A_515 : vector<128x128xi1>, vector<128x128xi32>
    %reduce_min3A_517 = arith.constant dense<0x7F800000> : vector<128xf32>
    %reduce_min3A_518 = vector.multi_reduction <minimumf>, %select_n3A_513, %reduce_min3A_517 [1] : vector<128x128xf32> to vector<128xf32>
    %broadcast_in_dim3A_519 = vector.shape_cast %reduce_min3A_518 : vector<128xf32> to vector<128x1xf32>
    %eq3A_520 = vector.broadcast %broadcast_in_dim3A_519 : vector<128x1xf32> to vector<128x128xf32>
    %eq3A_521 = arith.cmpf oeq, %select_n3A_513, %eq3A_520 : vector<128x128xf32>
    %jit3A_522 = arith.constant 4096 : i32
    %broadcast_in_dim3A_523 = vector.broadcast %jit3A_522 : i32 to vector<128x128xi32>
    %select_n3A_524 = arith.select %eq3A_521, %select_n3A_516, %broadcast_in_dim3A_523 : vector<128x128xi1>, vector<128x128xi32>
    %reduce_min3A_525 = arith.constant dense<2147483647> : vector<128xi32>
    %reduce_min3A_526 = vector.multi_reduction <minsi>, %select_n3A_524, %reduce_min3A_525 [1] : vector<128x128xi32> to vector<128xi32>
    %broadcast_in_dim3A_527 = vector.shape_cast %reduce_min3A_526 : vector<128xi32> to vector<128x1xi32>
    %swap3A_528 = arith.constant 0 : index
    %swap3A_529 = arith.constant 7 : index
    %swap3A_530 = vector.load %arg5[%swap3A_528, %swap3A_529] : memref<128x16xi32, #tpu.memory_space<vmem>>, vector<128x1xi32>
    tpu.vector_store %arg5[%swap3A_528, %swap3A_529], %broadcast_in_dim3A_527 {strides = array<i32>} : memref<128x16xi32, #tpu.memory_space<vmem>>, vector<128x1xi32>,
    %gt3A_531 = vector.broadcast %broadcast_in_dim3A_519 : vector<128x1xf32> to vector<128x4096xf32>
    %gt3A_532 = arith.cmpf ogt, %sub3A_30, %gt3A_531 : vector<128x4096xf32>
    %jit3A_533 = arith.constant 0x7F800000 : f32
    %broadcast_in_dim3A_534 = vector.broadcast %jit3A_533 : f32 to vector<128x4096xf32>
    %select_n3A_535 = arith.select %gt3A_532, %sub3A_30, %broadcast_in_dim3A_534 : vector<128x4096xi1>, vector<128x4096xf32>
    %slice3A_536 = vector.extract_strided_slice %select_n3A_535 {offsets = [0, 0], sizes = [128, 2048], strides = [1, 1]} : vector<128x4096xf32> to vector<128x2048xf32>
    %slice3A_537 = vector.extract_strided_slice %select_n3A_535 {offsets = [0, 2048], sizes = [128, 2048], strides = [1, 1]} : vector<128x4096xf32> to vector<128x2048xf32>
    %le3A_538 = arith.cmpf ole, %slice3A_536, %slice3A_537 : vector<128x2048xf32>
    %slice3A_539 = vector.extract_strided_slice %select_n3A_535 {offsets = [0, 0], sizes = [128, 2048], strides = [1, 1]} : vector<128x4096xf32> to vector<128x2048xf32>
    %slice3A_540 = vector.extract_strided_slice %select_n3A_535 {offsets = [0, 2048], sizes = [128, 2048], strides = [1, 1]} : vector<128x4096xf32> to vector<128x2048xf32>
    %select_n3A_541 = arith.select %le3A_538, %slice3A_539, %slice3A_540 : vector<128x2048xi1>, vector<128x2048xf32>
    %slice3A_542 = vector.extract_strided_slice %iota3A {offsets = [0, 0], sizes = [128, 2048], strides = [1, 1]} : vector<128x4096xi32> to vector<128x2048xi32>
    %slice3A_543 = vector.extract_strided_slice %iota3A {offsets = [0, 2048], sizes = [128, 2048], strides = [1, 1]} : vector<128x4096xi32> to vector<128x2048xi32>
    %select_n3A_544 = arith.select %le3A_538, %slice3A_542, %slice3A_543 : vector<128x2048xi1>, vector<128x2048xi32>
    %slice3A_545 = vector.extract_strided_slice %select_n3A_541 {offsets = [0, 0], sizes = [128, 1024], strides = [1, 1]} : vector<128x2048xf32> to vector<128x1024xf32>
    %slice3A_546 = vector.extract_strided_slice %select_n3A_541 {offsets = [0, 1024], sizes = [128, 1024], strides = [1, 1]} : vector<128x2048xf32> to vector<128x1024xf32>
    %le3A_547 = arith.cmpf ole, %slice3A_545, %slice3A_546 : vector<128x1024xf32>
    %slice3A_548 = vector.extract_strided_slice %select_n3A_541 {offsets = [0, 0], sizes = [128, 1024], strides = [1, 1]} : vector<128x2048xf32> to vector<128x1024xf32>
    %slice3A_549 = vector.extract_strided_slice %select_n3A_541 {offsets = [0, 1024], sizes = [128, 1024], strides = [1, 1]} : vector<128x2048xf32> to vector<128x1024xf32>
    %select_n3A_550 = arith.select %le3A_547, %slice3A_548, %slice3A_549 : vector<128x1024xi1>, vector<128x1024xf32>
    %slice3A_551 = vector.extract_strided_slice %select_n3A_544 {offsets = [0, 0], sizes = [128, 1024], strides = [1, 1]} : vector<128x2048xi32> to vector<128x1024xi32>
    %slice3A_552 = vector.extract_strided_slice %select_n3A_544 {offsets = [0, 1024], sizes = [128, 1024], strides = [1, 1]} : vector<128x2048xi32> to vector<128x1024xi32>
    %select_n3A_553 = arith.select %le3A_547, %slice3A_551, %slice3A_552 : vector<128x1024xi1>, vector<128x1024xi32>
    %slice3A_554 = vector.extract_strided_slice %select_n3A_550 {offsets = [0, 0], sizes = [128, 512], strides = [1, 1]} : vector<128x1024xf32> to vector<128x512xf32>
    %slice3A_555 = vector.extract_strided_slice %select_n3A_550 {offsets = [0, 512], sizes = [128, 512], strides = [1, 1]} : vector<128x1024xf32> to vector<128x512xf32>
    %le3A_556 = arith.cmpf ole, %slice3A_554, %slice3A_555 : vector<128x512xf32>
    %slice3A_557 = vector.extract_strided_slice %select_n3A_550 {offsets = [0, 0], sizes = [128, 512], strides = [1, 1]} : vector<128x1024xf32> to vector<128x512xf32>
    %slice3A_558 = vector.extract_strided_slice %select_n3A_550 {offsets = [0, 512], sizes = [128, 512], strides = [1, 1]} : vector<128x1024xf32> to vector<128x512xf32>
    %select_n3A_559 = arith.select %le3A_556, %slice3A_557, %slice3A_558 : vector<128x512xi1>, vector<128x512xf32>
    %slice3A_560 = vector.extract_strided_slice %select_n3A_553 {offsets = [0, 0], sizes = [128, 512], strides = [1, 1]} : vector<128x1024xi32> to vector<128x512xi32>
    %slice3A_561 = vector.extract_strided_slice %select_n3A_553 {offsets = [0, 512], sizes = [128, 512], strides = [1, 1]} : vector<128x1024xi32> to vector<128x512xi32>
    %select_n3A_562 = arith.select %le3A_556, %slice3A_560, %slice3A_561 : vector<128x512xi1>, vector<128x512xi32>
    %slice3A_563 = vector.extract_strided_slice %select_n3A_559 {offsets = [0, 0], sizes = [128, 256], strides = [1, 1]} : vector<128x512xf32> to vector<128x256xf32>
    %slice3A_564 = vector.extract_strided_slice %select_n3A_559 {offsets = [0, 256], sizes = [128, 256], strides = [1, 1]} : vector<128x512xf32> to vector<128x256xf32>
    %le3A_565 = arith.cmpf ole, %slice3A_563, %slice3A_564 : vector<128x256xf32>
    %slice3A_566 = vector.extract_strided_slice %select_n3A_559 {offsets = [0, 0], sizes = [128, 256], strides = [1, 1]} : vector<128x512xf32> to vector<128x256xf32>
    %slice3A_567 = vector.extract_strided_slice %select_n3A_559 {offsets = [0, 256], sizes = [128, 256], strides = [1, 1]} : vector<128x512xf32> to vector<128x256xf32>
    %select_n3A_568 = arith.select %le3A_565, %slice3A_566, %slice3A_567 : vector<128x256xi1>, vector<128x256xf32>
    %slice3A_569 = vector.extract_strided_slice %select_n3A_562 {offsets = [0, 0], sizes = [128, 256], strides = [1, 1]} : vector<128x512xi32> to vector<128x256xi32>
    %slice3A_570 = vector.extract_strided_slice %select_n3A_562 {offsets = [0, 256], sizes = [128, 256], strides = [1, 1]} : vector<128x512xi32> to vector<128x256xi32>
    %select_n3A_571 = arith.select %le3A_565, %slice3A_569, %slice3A_570 : vector<128x256xi1>, vector<128x256xi32>
    %slice3A_572 = vector.extract_strided_slice %select_n3A_568 {offsets = [0, 0], sizes = [128, 128], strides = [1, 1]} : vector<128x256xf32> to vector<128x128xf32>
    %slice3A_573 = vector.extract_strided_slice %select_n3A_568 {offsets = [0, 128], sizes = [128, 128], strides = [1, 1]} : vector<128x256xf32> to vector<128x128xf32>
    %le3A_574 = arith.cmpf ole, %slice3A_572, %slice3A_573 : vector<128x128xf32>
    %slice3A_575 = vector.extract_strided_slice %select_n3A_568 {offsets = [0, 0], sizes = [128, 128], strides = [1, 1]} : vector<128x256xf32> to vector<128x128xf32>
    %slice3A_576 = vector.extract_strided_slice %select_n3A_568 {offsets = [0, 128], sizes = [128, 128], strides = [1, 1]} : vector<128x256xf32> to vector<128x128xf32>
    %select_n3A_577 = arith.select %le3A_574, %slice3A_575, %slice3A_576 : vector<128x128xi1>, vector<128x128xf32>
    %slice3A_578 = vector.extract_strided_slice %select_n3A_571 {offsets = [0, 0], sizes = [128, 128], strides = [1, 1]} : vector<128x256xi32> to vector<128x128xi32>
    %slice3A_579 = vector.extract_strided_slice %select_n3A_571 {offsets = [0, 128], sizes = [128, 128], strides = [1, 1]} : vector<128x256xi32> to vector<128x128xi32>
    %select_n3A_580 = arith.select %le3A_574, %slice3A_578, %slice3A_579 : vector<128x128xi1>, vector<128x128xi32>
    %reduce_min3A_581 = arith.constant dense<0x7F800000> : vector<128xf32>
    %reduce_min3A_582 = vector.multi_reduction <minimumf>, %select_n3A_577, %reduce_min3A_581 [1] : vector<128x128xf32> to vector<128xf32>
    %broadcast_in_dim3A_583 = vector.shape_cast %reduce_min3A_582 : vector<128xf32> to vector<128x1xf32>
    %eq3A_584 = vector.broadcast %broadcast_in_dim3A_583 : vector<128x1xf32> to vector<128x128xf32>
    %eq3A_585 = arith.cmpf oeq, %select_n3A_577, %eq3A_584 : vector<128x128xf32>
    %jit3A_586 = arith.constant 4096 : i32
    %broadcast_in_dim3A_587 = vector.broadcast %jit3A_586 : i32 to vector<128x128xi32>
    %select_n3A_588 = arith.select %eq3A_585, %select_n3A_580, %broadcast_in_dim3A_587 : vector<128x128xi1>, vector<128x128xi32>
    %reduce_min3A_589 = arith.constant dense<2147483647> : vector<128xi32>
    %reduce_min3A_590 = vector.multi_reduction <minsi>, %select_n3A_588, %reduce_min3A_589 [1] : vector<128x128xi32> to vector<128xi32>
    %broadcast_in_dim3A_591 = vector.shape_cast %reduce_min3A_590 : vector<128xi32> to vector<128x1xi32>
    %swap3A_592 = arith.constant 0 : index
    %swap3A_593 = arith.constant 8 : index
    %swap3A_594 = vector.load %arg5[%swap3A_592, %swap3A_593] : memref<128x16xi32, #tpu.memory_space<vmem>>, vector<128x1xi32>
    tpu.vector_store %arg5[%swap3A_592, %swap3A_593], %broadcast_in_dim3A_591 {strides = array<i32>} : memref<128x16xi32, #tpu.memory_space<vmem>>, vector<128x1xi32>,
    %gt3A_595 = vector.broadcast %broadcast_in_dim3A_583 : vector<128x1xf32> to vector<128x4096xf32>
    %gt3A_596 = arith.cmpf ogt, %sub3A_30, %gt3A_595 : vector<128x4096xf32>
    %jit3A_597 = arith.constant 0x7F800000 : f32
    %broadcast_in_dim3A_598 = vector.broadcast %jit3A_597 : f32 to vector<128x4096xf32>
    %select_n3A_599 = arith.select %gt3A_596, %sub3A_30, %broadcast_in_dim3A_598 : vector<128x4096xi1>, vector<128x4096xf32>
    %slice3A_600 = vector.extract_strided_slice %select_n3A_599 {offsets = [0, 0], sizes = [128, 2048], strides = [1, 1]} : vector<128x4096xf32> to vector<128x2048xf32>
    %slice3A_601 = vector.extract_strided_slice %select_n3A_599 {offsets = [0, 2048], sizes = [128, 2048], strides = [1, 1]} : vector<128x4096xf32> to vector<128x2048xf32>
    %le3A_602 = arith.cmpf ole, %slice3A_600, %slice3A_601 : vector<128x2048xf32>
    %slice3A_603 = vector.extract_strided_slice %select_n3A_599 {offsets = [0, 0], sizes = [128, 2048], strides = [1, 1]} : vector<128x4096xf32> to vector<128x2048xf32>
    %slice3A_604 = vector.extract_strided_slice %select_n3A_599 {offsets = [0, 2048], sizes = [128, 2048], strides = [1, 1]} : vector<128x4096xf32> to vector<128x2048xf32>
    %select_n3A_605 = arith.select %le3A_602, %slice3A_603, %slice3A_604 : vector<128x2048xi1>, vector<128x2048xf32>
    %slice3A_606 = vector.extract_strided_slice %iota3A {offsets = [0, 0], sizes = [128, 2048], strides = [1, 1]} : vector<128x4096xi32> to vector<128x2048xi32>
    %slice3A_607 = vector.extract_strided_slice %iota3A {offsets = [0, 2048], sizes = [128, 2048], strides = [1, 1]} : vector<128x4096xi32> to vector<128x2048xi32>
    %select_n3A_608 = arith.select %le3A_602, %slice3A_606, %slice3A_607 : vector<128x2048xi1>, vector<128x2048xi32>
    %slice3A_609 = vector.extract_strided_slice %select_n3A_605 {offsets = [0, 0], sizes = [128, 1024], strides = [1, 1]} : vector<128x2048xf32> to vector<128x1024xf32>
    %slice3A_610 = vector.extract_strided_slice %select_n3A_605 {offsets = [0, 1024], sizes = [128, 1024], strides = [1, 1]} : vector<128x2048xf32> to vector<128x1024xf32>
    %le3A_611 = arith.cmpf ole, %slice3A_609, %slice3A_610 : vector<128x1024xf32>
    %slice3A_612 = vector.extract_strided_slice %select_n3A_605 {offsets = [0, 0], sizes = [128, 1024], strides = [1, 1]} : vector<128x2048xf32> to vector<128x1024xf32>
    %slice3A_613 = vector.extract_strided_slice %select_n3A_605 {offsets = [0, 1024], sizes = [128, 1024], strides = [1, 1]} : vector<128x2048xf32> to vector<128x1024xf32>
    %select_n3A_614 = arith.select %le3A_611, %slice3A_612, %slice3A_613 : vector<128x1024xi1>, vector<128x1024xf32>
    %slice3A_615 = vector.extract_strided_slice %select_n3A_608 {offsets = [0, 0], sizes = [128, 1024], strides = [1, 1]} : vector<128x2048xi32> to vector<128x1024xi32>
    %slice3A_616 = vector.extract_strided_slice %select_n3A_608 {offsets = [0, 1024], sizes = [128, 1024], strides = [1, 1]} : vector<128x2048xi32> to vector<128x1024xi32>
    %select_n3A_617 = arith.select %le3A_611, %slice3A_615, %slice3A_616 : vector<128x1024xi1>, vector<128x1024xi32>
    %slice3A_618 = vector.extract_strided_slice %select_n3A_614 {offsets = [0, 0], sizes = [128, 512], strides = [1, 1]} : vector<128x1024xf32> to vector<128x512xf32>
    %slice3A_619 = vector.extract_strided_slice %select_n3A_614 {offsets = [0, 512], sizes = [128, 512], strides = [1, 1]} : vector<128x1024xf32> to vector<128x512xf32>
    %le3A_620 = arith.cmpf ole, %slice3A_618, %slice3A_619 : vector<128x512xf32>
    %slice3A_621 = vector.extract_strided_slice %select_n3A_614 {offsets = [0, 0], sizes = [128, 512], strides = [1, 1]} : vector<128x1024xf32> to vector<128x512xf32>
    %slice3A_622 = vector.extract_strided_slice %select_n3A_614 {offsets = [0, 512], sizes = [128, 512], strides = [1, 1]} : vector<128x1024xf32> to vector<128x512xf32>
    %select_n3A_623 = arith.select %le3A_620, %slice3A_621, %slice3A_622 : vector<128x512xi1>, vector<128x512xf32>
    %slice3A_624 = vector.extract_strided_slice %select_n3A_617 {offsets = [0, 0], sizes = [128, 512], strides = [1, 1]} : vector<128x1024xi32> to vector<128x512xi32>
    %slice3A_625 = vector.extract_strided_slice %select_n3A_617 {offsets = [0, 512], sizes = [128, 512], strides = [1, 1]} : vector<128x1024xi32> to vector<128x512xi32>
    %select_n3A_626 = arith.select %le3A_620, %slice3A_624, %slice3A_625 : vector<128x512xi1>, vector<128x512xi32>
    %slice3A_627 = vector.extract_strided_slice %select_n3A_623 {offsets = [0, 0], sizes = [128, 256], strides = [1, 1]} : vector<128x512xf32> to vector<128x256xf32>
    %slice3A_628 = vector.extract_strided_slice %select_n3A_623 {offsets = [0, 256], sizes = [128, 256], strides = [1, 1]} : vector<128x512xf32> to vector<128x256xf32>
    %le3A_629 = arith.cmpf ole, %slice3A_627, %slice3A_628 : vector<128x256xf32>
    %slice3A_630 = vector.extract_strided_slice %select_n3A_623 {offsets = [0, 0], sizes = [128, 256], strides = [1, 1]} : vector<128x512xf32> to vector<128x256xf32>
    %slice3A_631 = vector.extract_strided_slice %select_n3A_623 {offsets = [0, 256], sizes = [128, 256], strides = [1, 1]} : vector<128x512xf32> to vector<128x256xf32>
    %select_n3A_632 = arith.select %le3A_629, %slice3A_630, %slice3A_631 : vector<128x256xi1>, vector<128x256xf32>
    %slice3A_633 = vector.extract_strided_slice %select_n3A_626 {offsets = [0, 0], sizes = [128, 256], strides = [1, 1]} : vector<128x512xi32> to vector<128x256xi32>
    %slice3A_634 = vector.extract_strided_slice %select_n3A_626 {offsets = [0, 256], sizes = [128, 256], strides = [1, 1]} : vector<128x512xi32> to vector<128x256xi32>
    %select_n3A_635 = arith.select %le3A_629, %slice3A_633, %slice3A_634 : vector<128x256xi1>, vector<128x256xi32>
    %slice3A_636 = vector.extract_strided_slice %select_n3A_632 {offsets = [0, 0], sizes = [128, 128], strides = [1, 1]} : vector<128x256xf32> to vector<128x128xf32>
    %slice3A_637 = vector.extract_strided_slice %select_n3A_632 {offsets = [0, 128], sizes = [128, 128], strides = [1, 1]} : vector<128x256xf32> to vector<128x128xf32>
    %le3A_638 = arith.cmpf ole, %slice3A_636, %slice3A_637 : vector<128x128xf32>
    %slice3A_639 = vector.extract_strided_slice %select_n3A_632 {offsets = [0, 0], sizes = [128, 128], strides = [1, 1]} : vector<128x256xf32> to vector<128x128xf32>
    %slice3A_640 = vector.extract_strided_slice %select_n3A_632 {offsets = [0, 128], sizes = [128, 128], strides = [1, 1]} : vector<128x256xf32> to vector<128x128xf32>
    %select_n3A_641 = arith.select %le3A_638, %slice3A_639, %slice3A_640 : vector<128x128xi1>, vector<128x128xf32>
    %slice3A_642 = vector.extract_strided_slice %select_n3A_635 {offsets = [0, 0], sizes = [128, 128], strides = [1, 1]} : vector<128x256xi32> to vector<128x128xi32>
    %slice3A_643 = vector.extract_strided_slice %select_n3A_635 {offsets = [0, 128], sizes = [128, 128], strides = [1, 1]} : vector<128x256xi32> to vector<128x128xi32>
    %select_n3A_644 = arith.select %le3A_638, %slice3A_642, %slice3A_643 : vector<128x128xi1>, vector<128x128xi32>
    %reduce_min3A_645 = arith.constant dense<0x7F800000> : vector<128xf32>
    %reduce_min3A_646 = vector.multi_reduction <minimumf>, %select_n3A_641, %reduce_min3A_645 [1] : vector<128x128xf32> to vector<128xf32>
    %broadcast_in_dim3A_647 = vector.shape_cast %reduce_min3A_646 : vector<128xf32> to vector<128x1xf32>
    %eq3A_648 = vector.broadcast %broadcast_in_dim3A_647 : vector<128x1xf32> to vector<128x128xf32>
    %eq3A_649 = arith.cmpf oeq, %select_n3A_641, %eq3A_648 : vector<128x128xf32>
    %jit3A_650 = arith.constant 4096 : i32
    %broadcast_in_dim3A_651 = vector.broadcast %jit3A_650 : i32 to vector<128x128xi32>
    %select_n3A_652 = arith.select %eq3A_649, %select_n3A_644, %broadcast_in_dim3A_651 : vector<128x128xi1>, vector<128x128xi32>
    %reduce_min3A_653 = arith.constant dense<2147483647> : vector<128xi32>
    %reduce_min3A_654 = vector.multi_reduction <minsi>, %select_n3A_652, %reduce_min3A_653 [1] : vector<128x128xi32> to vector<128xi32>
    %broadcast_in_dim3A_655 = vector.shape_cast %reduce_min3A_654 : vector<128xi32> to vector<128x1xi32>
    %swap3A_656 = arith.constant 0 : index
    %swap3A_657 = arith.constant 9 : index
    %swap3A_658 = vector.load %arg5[%swap3A_656, %swap3A_657] : memref<128x16xi32, #tpu.memory_space<vmem>>, vector<128x1xi32>
    tpu.vector_store %arg5[%swap3A_656, %swap3A_657], %broadcast_in_dim3A_655 {strides = array<i32>} : memref<128x16xi32, #tpu.memory_space<vmem>>, vector<128x1xi32>,
    %gt3A_659 = vector.broadcast %broadcast_in_dim3A_647 : vector<128x1xf32> to vector<128x4096xf32>
    %gt3A_660 = arith.cmpf ogt, %sub3A_30, %gt3A_659 : vector<128x4096xf32>
    %jit3A_661 = arith.constant 0x7F800000 : f32
    %broadcast_in_dim3A_662 = vector.broadcast %jit3A_661 : f32 to vector<128x4096xf32>
    %select_n3A_663 = arith.select %gt3A_660, %sub3A_30, %broadcast_in_dim3A_662 : vector<128x4096xi1>, vector<128x4096xf32>
    %slice3A_664 = vector.extract_strided_slice %select_n3A_663 {offsets = [0, 0], sizes = [128, 2048], strides = [1, 1]} : vector<128x4096xf32> to vector<128x2048xf32>
    %slice3A_665 = vector.extract_strided_slice %select_n3A_663 {offsets = [0, 2048], sizes = [128, 2048], strides = [1, 1]} : vector<128x4096xf32> to vector<128x2048xf32>
    %le3A_666 = arith.cmpf ole, %slice3A_664, %slice3A_665 : vector<128x2048xf32>
    %slice3A_667 = vector.extract_strided_slice %select_n3A_663 {offsets = [0, 0], sizes = [128, 2048], strides = [1, 1]} : vector<128x4096xf32> to vector<128x2048xf32>
    %slice3A_668 = vector.extract_strided_slice %select_n3A_663 {offsets = [0, 2048], sizes = [128, 2048], strides = [1, 1]} : vector<128x4096xf32> to vector<128x2048xf32>
    %select_n3A_669 = arith.select %le3A_666, %slice3A_667, %slice3A_668 : vector<128x2048xi1>, vector<128x2048xf32>
    %slice3A_670 = vector.extract_strided_slice %iota3A {offsets = [0, 0], sizes = [128, 2048], strides = [1, 1]} : vector<128x4096xi32> to vector<128x2048xi32>
    %slice3A_671 = vector.extract_strided_slice %iota3A {offsets = [0, 2048], sizes = [128, 2048], strides = [1, 1]} : vector<128x4096xi32> to vector<128x2048xi32>
    %select_n3A_672 = arith.select %le3A_666, %slice3A_670, %slice3A_671 : vector<128x2048xi1>, vector<128x2048xi32>
    %slice3A_673 = vector.extract_strided_slice %select_n3A_669 {offsets = [0, 0], sizes = [128, 1024], strides = [1, 1]} : vector<128x2048xf32> to vector<128x1024xf32>
    %slice3A_674 = vector.extract_strided_slice %select_n3A_669 {offsets = [0, 1024], sizes = [128, 1024], strides = [1, 1]} : vector<128x2048xf32> to vector<128x1024xf32>
    %le3A_675 = arith.cmpf ole, %slice3A_673, %slice3A_674 : vector<128x1024xf32>
    %slice3A_676 = vector.extract_strided_slice %select_n3A_669 {offsets = [0, 0], sizes = [128, 1024], strides = [1, 1]} : vector<128x2048xf32> to vector<128x1024xf32>
    %slice3A_677 = vector.extract_strided_slice %select_n3A_669 {offsets = [0, 1024], sizes = [128, 1024], strides = [1, 1]} : vector<128x2048xf32> to vector<128x1024xf32>
    %select_n3A_678 = arith.select %le3A_675, %slice3A_676, %slice3A_677 : vector<128x1024xi1>, vector<128x1024xf32>
    %slice3A_679 = vector.extract_strided_slice %select_n3A_672 {offsets = [0, 0], sizes = [128, 1024], strides = [1, 1]} : vector<128x2048xi32> to vector<128x1024xi32>
    %slice3A_680 = vector.extract_strided_slice %select_n3A_672 {offsets = [0, 1024], sizes = [128, 1024], strides = [1, 1]} : vector<128x2048xi32> to vector<128x1024xi32>
    %select_n3A_681 = arith.select %le3A_675, %slice3A_679, %slice3A_680 : vector<128x1024xi1>, vector<128x1024xi32>
    %slice3A_682 = vector.extract_strided_slice %select_n3A_678 {offsets = [0, 0], sizes = [128, 512], strides = [1, 1]} : vector<128x1024xf32> to vector<128x512xf32>
    %slice3A_683 = vector.extract_strided_slice %select_n3A_678 {offsets = [0, 512], sizes = [128, 512], strides = [1, 1]} : vector<128x1024xf32> to vector<128x512xf32>
    %le3A_684 = arith.cmpf ole, %slice3A_682, %slice3A_683 : vector<128x512xf32>
    %slice3A_685 = vector.extract_strided_slice %select_n3A_678 {offsets = [0, 0], sizes = [128, 512], strides = [1, 1]} : vector<128x1024xf32> to vector<128x512xf32>
    %slice3A_686 = vector.extract_strided_slice %select_n3A_678 {offsets = [0, 512], sizes = [128, 512], strides = [1, 1]} : vector<128x1024xf32> to vector<128x512xf32>
    %select_n3A_687 = arith.select %le3A_684, %slice3A_685, %slice3A_686 : vector<128x512xi1>, vector<128x512xf32>
    %slice3A_688 = vector.extract_strided_slice %select_n3A_681 {offsets = [0, 0], sizes = [128, 512], strides = [1, 1]} : vector<128x1024xi32> to vector<128x512xi32>
    %slice3A_689 = vector.extract_strided_slice %select_n3A_681 {offsets = [0, 512], sizes = [128, 512], strides = [1, 1]} : vector<128x1024xi32> to vector<128x512xi32>
    %select_n3A_690 = arith.select %le3A_684, %slice3A_688, %slice3A_689 : vector<128x512xi1>, vector<128x512xi32>
    %slice3A_691 = vector.extract_strided_slice %select_n3A_687 {offsets = [0, 0], sizes = [128, 256], strides = [1, 1]} : vector<128x512xf32> to vector<128x256xf32>
    %slice3A_692 = vector.extract_strided_slice %select_n3A_687 {offsets = [0, 256], sizes = [128, 256], strides = [1, 1]} : vector<128x512xf32> to vector<128x256xf32>
    %le3A_693 = arith.cmpf ole, %slice3A_691, %slice3A_692 : vector<128x256xf32>
    %slice3A_694 = vector.extract_strided_slice %select_n3A_687 {offsets = [0, 0], sizes = [128, 256], strides = [1, 1]} : vector<128x512xf32> to vector<128x256xf32>
    %slice3A_695 = vector.extract_strided_slice %select_n3A_687 {offsets = [0, 256], sizes = [128, 256], strides = [1, 1]} : vector<128x512xf32> to vector<128x256xf32>
    %select_n3A_696 = arith.select %le3A_693, %slice3A_694, %slice3A_695 : vector<128x256xi1>, vector<128x256xf32>
    %slice3A_697 = vector.extract_strided_slice %select_n3A_690 {offsets = [0, 0], sizes = [128, 256], strides = [1, 1]} : vector<128x512xi32> to vector<128x256xi32>
    %slice3A_698 = vector.extract_strided_slice %select_n3A_690 {offsets = [0, 256], sizes = [128, 256], strides = [1, 1]} : vector<128x512xi32> to vector<128x256xi32>
    %select_n3A_699 = arith.select %le3A_693, %slice3A_697, %slice3A_698 : vector<128x256xi1>, vector<128x256xi32>
    %slice3A_700 = vector.extract_strided_slice %select_n3A_696 {offsets = [0, 0], sizes = [128, 128], strides = [1, 1]} : vector<128x256xf32> to vector<128x128xf32>
    %slice3A_701 = vector.extract_strided_slice %select_n3A_696 {offsets = [0, 128], sizes = [128, 128], strides = [1, 1]} : vector<128x256xf32> to vector<128x128xf32>
    %le3A_702 = arith.cmpf ole, %slice3A_700, %slice3A_701 : vector<128x128xf32>
    %slice3A_703 = vector.extract_strided_slice %select_n3A_696 {offsets = [0, 0], sizes = [128, 128], strides = [1, 1]} : vector<128x256xf32> to vector<128x128xf32>
    %slice3A_704 = vector.extract_strided_slice %select_n3A_696 {offsets = [0, 128], sizes = [128, 128], strides = [1, 1]} : vector<128x256xf32> to vector<128x128xf32>
    %select_n3A_705 = arith.select %le3A_702, %slice3A_703, %slice3A_704 : vector<128x128xi1>, vector<128x128xf32>
    %slice3A_706 = vector.extract_strided_slice %select_n3A_699 {offsets = [0, 0], sizes = [128, 128], strides = [1, 1]} : vector<128x256xi32> to vector<128x128xi32>
    %slice3A_707 = vector.extract_strided_slice %select_n3A_699 {offsets = [0, 128], sizes = [128, 128], strides = [1, 1]} : vector<128x256xi32> to vector<128x128xi32>
    %select_n3A_708 = arith.select %le3A_702, %slice3A_706, %slice3A_707 : vector<128x128xi1>, vector<128x128xi32>
    %reduce_min3A_709 = arith.constant dense<0x7F800000> : vector<128xf32>
    %reduce_min3A_710 = vector.multi_reduction <minimumf>, %select_n3A_705, %reduce_min3A_709 [1] : vector<128x128xf32> to vector<128xf32>
    %broadcast_in_dim3A_711 = vector.shape_cast %reduce_min3A_710 : vector<128xf32> to vector<128x1xf32>
    %eq3A_712 = vector.broadcast %broadcast_in_dim3A_711 : vector<128x1xf32> to vector<128x128xf32>
    %eq3A_713 = arith.cmpf oeq, %select_n3A_705, %eq3A_712 : vector<128x128xf32>
    %jit3A_714 = arith.constant 4096 : i32
    %broadcast_in_dim3A_715 = vector.broadcast %jit3A_714 : i32 to vector<128x128xi32>
    %select_n3A_716 = arith.select %eq3A_713, %select_n3A_708, %broadcast_in_dim3A_715 : vector<128x128xi1>, vector<128x128xi32>
    %reduce_min3A_717 = arith.constant dense<2147483647> : vector<128xi32>
    %reduce_min3A_718 = vector.multi_reduction <minsi>, %select_n3A_716, %reduce_min3A_717 [1] : vector<128x128xi32> to vector<128xi32>
    %broadcast_in_dim3A_719 = vector.shape_cast %reduce_min3A_718 : vector<128xi32> to vector<128x1xi32>
    %swap3A_720 = arith.constant 0 : index
    %swap3A_721 = arith.constant 10 : index
    %swap3A_722 = vector.load %arg5[%swap3A_720, %swap3A_721] : memref<128x16xi32, #tpu.memory_space<vmem>>, vector<128x1xi32>
    tpu.vector_store %arg5[%swap3A_720, %swap3A_721], %broadcast_in_dim3A_719 {strides = array<i32>} : memref<128x16xi32, #tpu.memory_space<vmem>>, vector<128x1xi32>,
    %gt3A_723 = vector.broadcast %broadcast_in_dim3A_711 : vector<128x1xf32> to vector<128x4096xf32>
    %gt3A_724 = arith.cmpf ogt, %sub3A_30, %gt3A_723 : vector<128x4096xf32>
    %jit3A_725 = arith.constant 0x7F800000 : f32
    %broadcast_in_dim3A_726 = vector.broadcast %jit3A_725 : f32 to vector<128x4096xf32>
    %select_n3A_727 = arith.select %gt3A_724, %sub3A_30, %broadcast_in_dim3A_726 : vector<128x4096xi1>, vector<128x4096xf32>
    %slice3A_728 = vector.extract_strided_slice %select_n3A_727 {offsets = [0, 0], sizes = [128, 2048], strides = [1, 1]} : vector<128x4096xf32> to vector<128x2048xf32>
    %slice3A_729 = vector.extract_strided_slice %select_n3A_727 {offsets = [0, 2048], sizes = [128, 2048], strides = [1, 1]} : vector<128x4096xf32> to vector<128x2048xf32>
    %le3A_730 = arith.cmpf ole, %slice3A_728, %slice3A_729 : vector<128x2048xf32>
    %slice3A_731 = vector.extract_strided_slice %select_n3A_727 {offsets = [0, 0], sizes = [128, 2048], strides = [1, 1]} : vector<128x4096xf32> to vector<128x2048xf32>
    %slice3A_732 = vector.extract_strided_slice %select_n3A_727 {offsets = [0, 2048], sizes = [128, 2048], strides = [1, 1]} : vector<128x4096xf32> to vector<128x2048xf32>
    %select_n3A_733 = arith.select %le3A_730, %slice3A_731, %slice3A_732 : vector<128x2048xi1>, vector<128x2048xf32>
    %slice3A_734 = vector.extract_strided_slice %iota3A {offsets = [0, 0], sizes = [128, 2048], strides = [1, 1]} : vector<128x4096xi32> to vector<128x2048xi32>
    %slice3A_735 = vector.extract_strided_slice %iota3A {offsets = [0, 2048], sizes = [128, 2048], strides = [1, 1]} : vector<128x4096xi32> to vector<128x2048xi32>
    %select_n3A_736 = arith.select %le3A_730, %slice3A_734, %slice3A_735 : vector<128x2048xi1>, vector<128x2048xi32>
    %slice3A_737 = vector.extract_strided_slice %select_n3A_733 {offsets = [0, 0], sizes = [128, 1024], strides = [1, 1]} : vector<128x2048xf32> to vector<128x1024xf32>
    %slice3A_738 = vector.extract_strided_slice %select_n3A_733 {offsets = [0, 1024], sizes = [128, 1024], strides = [1, 1]} : vector<128x2048xf32> to vector<128x1024xf32>
    %le3A_739 = arith.cmpf ole, %slice3A_737, %slice3A_738 : vector<128x1024xf32>
    %slice3A_740 = vector.extract_strided_slice %select_n3A_733 {offsets = [0, 0], sizes = [128, 1024], strides = [1, 1]} : vector<128x2048xf32> to vector<128x1024xf32>
    %slice3A_741 = vector.extract_strided_slice %select_n3A_733 {offsets = [0, 1024], sizes = [128, 1024], strides = [1, 1]} : vector<128x2048xf32> to vector<128x1024xf32>
    %select_n3A_742 = arith.select %le3A_739, %slice3A_740, %slice3A_741 : vector<128x1024xi1>, vector<128x1024xf32>
    %slice3A_743 = vector.extract_strided_slice %select_n3A_736 {offsets = [0, 0], sizes = [128, 1024], strides = [1, 1]} : vector<128x2048xi32> to vector<128x1024xi32>
    %slice3A_744 = vector.extract_strided_slice %select_n3A_736 {offsets = [0, 1024], sizes = [128, 1024], strides = [1, 1]} : vector<128x2048xi32> to vector<128x1024xi32>
    %select_n3A_745 = arith.select %le3A_739, %slice3A_743, %slice3A_744 : vector<128x1024xi1>, vector<128x1024xi32>
    %slice3A_746 = vector.extract_strided_slice %select_n3A_742 {offsets = [0, 0], sizes = [128, 512], strides = [1, 1]} : vector<128x1024xf32> to vector<128x512xf32>
    %slice3A_747 = vector.extract_strided_slice %select_n3A_742 {offsets = [0, 512], sizes = [128, 512], strides = [1, 1]} : vector<128x1024xf32> to vector<128x512xf32>
    %le3A_748 = arith.cmpf ole, %slice3A_746, %slice3A_747 : vector<128x512xf32>
    %slice3A_749 = vector.extract_strided_slice %select_n3A_742 {offsets = [0, 0], sizes = [128, 512], strides = [1, 1]} : vector<128x1024xf32> to vector<128x512xf32>
    %slice3A_750 = vector.extract_strided_slice %select_n3A_742 {offsets = [0, 512], sizes = [128, 512], strides = [1, 1]} : vector<128x1024xf32> to vector<128x512xf32>
    %select_n3A_751 = arith.select %le3A_748, %slice3A_749, %slice3A_750 : vector<128x512xi1>, vector<128x512xf32>
    %slice3A_752 = vector.extract_strided_slice %select_n3A_745 {offsets = [0, 0], sizes = [128, 512], strides = [1, 1]} : vector<128x1024xi32> to vector<128x512xi32>
    %slice3A_753 = vector.extract_strided_slice %select_n3A_745 {offsets = [0, 512], sizes = [128, 512], strides = [1, 1]} : vector<128x1024xi32> to vector<128x512xi32>
    %select_n3A_754 = arith.select %le3A_748, %slice3A_752, %slice3A_753 : vector<128x512xi1>, vector<128x512xi32>
    %slice3A_755 = vector.extract_strided_slice %select_n3A_751 {offsets = [0, 0], sizes = [128, 256], strides = [1, 1]} : vector<128x512xf32> to vector<128x256xf32>
    %slice3A_756 = vector.extract_strided_slice %select_n3A_751 {offsets = [0, 256], sizes = [128, 256], strides = [1, 1]} : vector<128x512xf32> to vector<128x256xf32>
    %le3A_757 = arith.cmpf ole, %slice3A_755, %slice3A_756 : vector<128x256xf32>
    %slice3A_758 = vector.extract_strided_slice %select_n3A_751 {offsets = [0, 0], sizes = [128, 256], strides = [1, 1]} : vector<128x512xf32> to vector<128x256xf32>
    %slice3A_759 = vector.extract_strided_slice %select_n3A_751 {offsets = [0, 256], sizes = [128, 256], strides = [1, 1]} : vector<128x512xf32> to vector<128x256xf32>
    %select_n3A_760 = arith.select %le3A_757, %slice3A_758, %slice3A_759 : vector<128x256xi1>, vector<128x256xf32>
    %slice3A_761 = vector.extract_strided_slice %select_n3A_754 {offsets = [0, 0], sizes = [128, 256], strides = [1, 1]} : vector<128x512xi32> to vector<128x256xi32>
    %slice3A_762 = vector.extract_strided_slice %select_n3A_754 {offsets = [0, 256], sizes = [128, 256], strides = [1, 1]} : vector<128x512xi32> to vector<128x256xi32>
    %select_n3A_763 = arith.select %le3A_757, %slice3A_761, %slice3A_762 : vector<128x256xi1>, vector<128x256xi32>
    %slice3A_764 = vector.extract_strided_slice %select_n3A_760 {offsets = [0, 0], sizes = [128, 128], strides = [1, 1]} : vector<128x256xf32> to vector<128x128xf32>
    %slice3A_765 = vector.extract_strided_slice %select_n3A_760 {offsets = [0, 128], sizes = [128, 128], strides = [1, 1]} : vector<128x256xf32> to vector<128x128xf32>
    %le3A_766 = arith.cmpf ole, %slice3A_764, %slice3A_765 : vector<128x128xf32>
    %slice3A_767 = vector.extract_strided_slice %select_n3A_760 {offsets = [0, 0], sizes = [128, 128], strides = [1, 1]} : vector<128x256xf32> to vector<128x128xf32>
    %slice3A_768 = vector.extract_strided_slice %select_n3A_760 {offsets = [0, 128], sizes = [128, 128], strides = [1, 1]} : vector<128x256xf32> to vector<128x128xf32>
    %select_n3A_769 = arith.select %le3A_766, %slice3A_767, %slice3A_768 : vector<128x128xi1>, vector<128x128xf32>
    %slice3A_770 = vector.extract_strided_slice %select_n3A_763 {offsets = [0, 0], sizes = [128, 128], strides = [1, 1]} : vector<128x256xi32> to vector<128x128xi32>
    %slice3A_771 = vector.extract_strided_slice %select_n3A_763 {offsets = [0, 128], sizes = [128, 128], strides = [1, 1]} : vector<128x256xi32> to vector<128x128xi32>
    %select_n3A_772 = arith.select %le3A_766, %slice3A_770, %slice3A_771 : vector<128x128xi1>, vector<128x128xi32>
    %reduce_min3A_773 = arith.constant dense<0x7F800000> : vector<128xf32>
    %reduce_min3A_774 = vector.multi_reduction <minimumf>, %select_n3A_769, %reduce_min3A_773 [1] : vector<128x128xf32> to vector<128xf32>
    %broadcast_in_dim3A_775 = vector.shape_cast %reduce_min3A_774 : vector<128xf32> to vector<128x1xf32>
    %eq3A_776 = vector.broadcast %broadcast_in_dim3A_775 : vector<128x1xf32> to vector<128x128xf32>
    %eq3A_777 = arith.cmpf oeq, %select_n3A_769, %eq3A_776 : vector<128x128xf32>
    %jit3A_778 = arith.constant 4096 : i32
    %broadcast_in_dim3A_779 = vector.broadcast %jit3A_778 : i32 to vector<128x128xi32>
    %select_n3A_780 = arith.select %eq3A_777, %select_n3A_772, %broadcast_in_dim3A_779 : vector<128x128xi1>, vector<128x128xi32>
    %reduce_min3A_781 = arith.constant dense<2147483647> : vector<128xi32>
    %reduce_min3A_782 = vector.multi_reduction <minsi>, %select_n3A_780, %reduce_min3A_781 [1] : vector<128x128xi32> to vector<128xi32>
    %broadcast_in_dim3A_783 = vector.shape_cast %reduce_min3A_782 : vector<128xi32> to vector<128x1xi32>
    %swap3A_784 = arith.constant 0 : index
    %swap3A_785 = arith.constant 11 : index
    %swap3A_786 = vector.load %arg5[%swap3A_784, %swap3A_785] : memref<128x16xi32, #tpu.memory_space<vmem>>, vector<128x1xi32>
    tpu.vector_store %arg5[%swap3A_784, %swap3A_785], %broadcast_in_dim3A_783 {strides = array<i32>} : memref<128x16xi32, #tpu.memory_space<vmem>>, vector<128x1xi32>,
    %gt3A_787 = vector.broadcast %broadcast_in_dim3A_775 : vector<128x1xf32> to vector<128x4096xf32>
    %gt3A_788 = arith.cmpf ogt, %sub3A_30, %gt3A_787 : vector<128x4096xf32>
    %jit3A_789 = arith.constant 0x7F800000 : f32
    %broadcast_in_dim3A_790 = vector.broadcast %jit3A_789 : f32 to vector<128x4096xf32>
    %select_n3A_791 = arith.select %gt3A_788, %sub3A_30, %broadcast_in_dim3A_790 : vector<128x4096xi1>, vector<128x4096xf32>
    %slice3A_792 = vector.extract_strided_slice %select_n3A_791 {offsets = [0, 0], sizes = [128, 2048], strides = [1, 1]} : vector<128x4096xf32> to vector<128x2048xf32>
    %slice3A_793 = vector.extract_strided_slice %select_n3A_791 {offsets = [0, 2048], sizes = [128, 2048], strides = [1, 1]} : vector<128x4096xf32> to vector<128x2048xf32>
    %le3A_794 = arith.cmpf ole, %slice3A_792, %slice3A_793 : vector<128x2048xf32>
    %slice3A_795 = vector.extract_strided_slice %select_n3A_791 {offsets = [0, 0], sizes = [128, 2048], strides = [1, 1]} : vector<128x4096xf32> to vector<128x2048xf32>
    %slice3A_796 = vector.extract_strided_slice %select_n3A_791 {offsets = [0, 2048], sizes = [128, 2048], strides = [1, 1]} : vector<128x4096xf32> to vector<128x2048xf32>
    %select_n3A_797 = arith.select %le3A_794, %slice3A_795, %slice3A_796 : vector<128x2048xi1>, vector<128x2048xf32>
    %slice3A_798 = vector.extract_strided_slice %iota3A {offsets = [0, 0], sizes = [128, 2048], strides = [1, 1]} : vector<128x4096xi32> to vector<128x2048xi32>
    %slice3A_799 = vector.extract_strided_slice %iota3A {offsets = [0, 2048], sizes = [128, 2048], strides = [1, 1]} : vector<128x4096xi32> to vector<128x2048xi32>
    %select_n3A_800 = arith.select %le3A_794, %slice3A_798, %slice3A_799 : vector<128x2048xi1>, vector<128x2048xi32>
    %slice3A_801 = vector.extract_strided_slice %select_n3A_797 {offsets = [0, 0], sizes = [128, 1024], strides = [1, 1]} : vector<128x2048xf32> to vector<128x1024xf32>
    %slice3A_802 = vector.extract_strided_slice %select_n3A_797 {offsets = [0, 1024], sizes = [128, 1024], strides = [1, 1]} : vector<128x2048xf32> to vector<128x1024xf32>
    %le3A_803 = arith.cmpf ole, %slice3A_801, %slice3A_802 : vector<128x1024xf32>
    %slice3A_804 = vector.extract_strided_slice %select_n3A_797 {offsets = [0, 0], sizes = [128, 1024], strides = [1, 1]} : vector<128x2048xf32> to vector<128x1024xf32>
    %slice3A_805 = vector.extract_strided_slice %select_n3A_797 {offsets = [0, 1024], sizes = [128, 1024], strides = [1, 1]} : vector<128x2048xf32> to vector<128x1024xf32>
    %select_n3A_806 = arith.select %le3A_803, %slice3A_804, %slice3A_805 : vector<128x1024xi1>, vector<128x1024xf32>
    %slice3A_807 = vector.extract_strided_slice %select_n3A_800 {offsets = [0, 0], sizes = [128, 1024], strides = [1, 1]} : vector<128x2048xi32> to vector<128x1024xi32>
    %slice3A_808 = vector.extract_strided_slice %select_n3A_800 {offsets = [0, 1024], sizes = [128, 1024], strides = [1, 1]} : vector<128x2048xi32> to vector<128x1024xi32>
    %select_n3A_809 = arith.select %le3A_803, %slice3A_807, %slice3A_808 : vector<128x1024xi1>, vector<128x1024xi32>
    %slice3A_810 = vector.extract_strided_slice %select_n3A_806 {offsets = [0, 0], sizes = [128, 512], strides = [1, 1]} : vector<128x1024xf32> to vector<128x512xf32>
    %slice3A_811 = vector.extract_strided_slice %select_n3A_806 {offsets = [0, 512], sizes = [128, 512], strides = [1, 1]} : vector<128x1024xf32> to vector<128x512xf32>
    %le3A_812 = arith.cmpf ole, %slice3A_810, %slice3A_811 : vector<128x512xf32>
    %slice3A_813 = vector.extract_strided_slice %select_n3A_806 {offsets = [0, 0], sizes = [128, 512], strides = [1, 1]} : vector<128x1024xf32> to vector<128x512xf32>
    %slice3A_814 = vector.extract_strided_slice %select_n3A_806 {offsets = [0, 512], sizes = [128, 512], strides = [1, 1]} : vector<128x1024xf32> to vector<128x512xf32>
    %select_n3A_815 = arith.select %le3A_812, %slice3A_813, %slice3A_814 : vector<128x512xi1>, vector<128x512xf32>
    %slice3A_816 = vector.extract_strided_slice %select_n3A_809 {offsets = [0, 0], sizes = [128, 512], strides = [1, 1]} : vector<128x1024xi32> to vector<128x512xi32>
    %slice3A_817 = vector.extract_strided_slice %select_n3A_809 {offsets = [0, 512], sizes = [128, 512], strides = [1, 1]} : vector<128x1024xi32> to vector<128x512xi32>
    %select_n3A_818 = arith.select %le3A_812, %slice3A_816, %slice3A_817 : vector<128x512xi1>, vector<128x512xi32>
    %slice3A_819 = vector.extract_strided_slice %select_n3A_815 {offsets = [0, 0], sizes = [128, 256], strides = [1, 1]} : vector<128x512xf32> to vector<128x256xf32>
    %slice3A_820 = vector.extract_strided_slice %select_n3A_815 {offsets = [0, 256], sizes = [128, 256], strides = [1, 1]} : vector<128x512xf32> to vector<128x256xf32>
    %le3A_821 = arith.cmpf ole, %slice3A_819, %slice3A_820 : vector<128x256xf32>
    %slice3A_822 = vector.extract_strided_slice %select_n3A_815 {offsets = [0, 0], sizes = [128, 256], strides = [1, 1]} : vector<128x512xf32> to vector<128x256xf32>
    %slice3A_823 = vector.extract_strided_slice %select_n3A_815 {offsets = [0, 256], sizes = [128, 256], strides = [1, 1]} : vector<128x512xf32> to vector<128x256xf32>
    %select_n3A_824 = arith.select %le3A_821, %slice3A_822, %slice3A_823 : vector<128x256xi1>, vector<128x256xf32>
    %slice3A_825 = vector.extract_strided_slice %select_n3A_818 {offsets = [0, 0], sizes = [128, 256], strides = [1, 1]} : vector<128x512xi32> to vector<128x256xi32>
    %slice3A_826 = vector.extract_strided_slice %select_n3A_818 {offsets = [0, 256], sizes = [128, 256], strides = [1, 1]} : vector<128x512xi32> to vector<128x256xi32>
    %select_n3A_827 = arith.select %le3A_821, %slice3A_825, %slice3A_826 : vector<128x256xi1>, vector<128x256xi32>
    %slice3A_828 = vector.extract_strided_slice %select_n3A_824 {offsets = [0, 0], sizes = [128, 128], strides = [1, 1]} : vector<128x256xf32> to vector<128x128xf32>
    %slice3A_829 = vector.extract_strided_slice %select_n3A_824 {offsets = [0, 128], sizes = [128, 128], strides = [1, 1]} : vector<128x256xf32> to vector<128x128xf32>
    %le3A_830 = arith.cmpf ole, %slice3A_828, %slice3A_829 : vector<128x128xf32>
    %slice3A_831 = vector.extract_strided_slice %select_n3A_824 {offsets = [0, 0], sizes = [128, 128], strides = [1, 1]} : vector<128x256xf32> to vector<128x128xf32>
    %slice3A_832 = vector.extract_strided_slice %select_n3A_824 {offsets = [0, 128], sizes = [128, 128], strides = [1, 1]} : vector<128x256xf32> to vector<128x128xf32>
    %select_n3A_833 = arith.select %le3A_830, %slice3A_831, %slice3A_832 : vector<128x128xi1>, vector<128x128xf32>
    %slice3A_834 = vector.extract_strided_slice %select_n3A_827 {offsets = [0, 0], sizes = [128, 128], strides = [1, 1]} : vector<128x256xi32> to vector<128x128xi32>
    %slice3A_835 = vector.extract_strided_slice %select_n3A_827 {offsets = [0, 128], sizes = [128, 128], strides = [1, 1]} : vector<128x256xi32> to vector<128x128xi32>
    %select_n3A_836 = arith.select %le3A_830, %slice3A_834, %slice3A_835 : vector<128x128xi1>, vector<128x128xi32>
    %reduce_min3A_837 = arith.constant dense<0x7F800000> : vector<128xf32>
    %reduce_min3A_838 = vector.multi_reduction <minimumf>, %select_n3A_833, %reduce_min3A_837 [1] : vector<128x128xf32> to vector<128xf32>
    %broadcast_in_dim3A_839 = vector.shape_cast %reduce_min3A_838 : vector<128xf32> to vector<128x1xf32>
    %eq3A_840 = vector.broadcast %broadcast_in_dim3A_839 : vector<128x1xf32> to vector<128x128xf32>
    %eq3A_841 = arith.cmpf oeq, %select_n3A_833, %eq3A_840 : vector<128x128xf32>
    %jit3A_842 = arith.constant 4096 : i32
    %broadcast_in_dim3A_843 = vector.broadcast %jit3A_842 : i32 to vector<128x128xi32>
    %select_n3A_844 = arith.select %eq3A_841, %select_n3A_836, %broadcast_in_dim3A_843 : vector<128x128xi1>, vector<128x128xi32>
    %reduce_min3A_845 = arith.constant dense<2147483647> : vector<128xi32>
    %reduce_min3A_846 = vector.multi_reduction <minsi>, %select_n3A_844, %reduce_min3A_845 [1] : vector<128x128xi32> to vector<128xi32>
    %broadcast_in_dim3A_847 = vector.shape_cast %reduce_min3A_846 : vector<128xi32> to vector<128x1xi32>
    %swap3A_848 = arith.constant 0 : index
    %swap3A_849 = arith.constant 12 : index
    %swap3A_850 = vector.load %arg5[%swap3A_848, %swap3A_849] : memref<128x16xi32, #tpu.memory_space<vmem>>, vector<128x1xi32>
    tpu.vector_store %arg5[%swap3A_848, %swap3A_849], %broadcast_in_dim3A_847 {strides = array<i32>} : memref<128x16xi32, #tpu.memory_space<vmem>>, vector<128x1xi32>,
    %gt3A_851 = vector.broadcast %broadcast_in_dim3A_839 : vector<128x1xf32> to vector<128x4096xf32>
    %gt3A_852 = arith.cmpf ogt, %sub3A_30, %gt3A_851 : vector<128x4096xf32>
    %jit3A_853 = arith.constant 0x7F800000 : f32
    %broadcast_in_dim3A_854 = vector.broadcast %jit3A_853 : f32 to vector<128x4096xf32>
    %select_n3A_855 = arith.select %gt3A_852, %sub3A_30, %broadcast_in_dim3A_854 : vector<128x4096xi1>, vector<128x4096xf32>
    %slice3A_856 = vector.extract_strided_slice %select_n3A_855 {offsets = [0, 0], sizes = [128, 2048], strides = [1, 1]} : vector<128x4096xf32> to vector<128x2048xf32>
    %slice3A_857 = vector.extract_strided_slice %select_n3A_855 {offsets = [0, 2048], sizes = [128, 2048], strides = [1, 1]} : vector<128x4096xf32> to vector<128x2048xf32>
    %le3A_858 = arith.cmpf ole, %slice3A_856, %slice3A_857 : vector<128x2048xf32>
    %slice3A_859 = vector.extract_strided_slice %select_n3A_855 {offsets = [0, 0], sizes = [128, 2048], strides = [1, 1]} : vector<128x4096xf32> to vector<128x2048xf32>
    %slice3A_860 = vector.extract_strided_slice %select_n3A_855 {offsets = [0, 2048], sizes = [128, 2048], strides = [1, 1]} : vector<128x4096xf32> to vector<128x2048xf32>
    %select_n3A_861 = arith.select %le3A_858, %slice3A_859, %slice3A_860 : vector<128x2048xi1>, vector<128x2048xf32>
    %slice3A_862 = vector.extract_strided_slice %iota3A {offsets = [0, 0], sizes = [128, 2048], strides = [1, 1]} : vector<128x4096xi32> to vector<128x2048xi32>
    %slice3A_863 = vector.extract_strided_slice %iota3A {offsets = [0, 2048], sizes = [128, 2048], strides = [1, 1]} : vector<128x4096xi32> to vector<128x2048xi32>
    %select_n3A_864 = arith.select %le3A_858, %slice3A_862, %slice3A_863 : vector<128x2048xi1>, vector<128x2048xi32>
    %slice3A_865 = vector.extract_strided_slice %select_n3A_861 {offsets = [0, 0], sizes = [128, 1024], strides = [1, 1]} : vector<128x2048xf32> to vector<128x1024xf32>
    %slice3A_866 = vector.extract_strided_slice %select_n3A_861 {offsets = [0, 1024], sizes = [128, 1024], strides = [1, 1]} : vector<128x2048xf32> to vector<128x1024xf32>
    %le3A_867 = arith.cmpf ole, %slice3A_865, %slice3A_866 : vector<128x1024xf32>
    %slice3A_868 = vector.extract_strided_slice %select_n3A_861 {offsets = [0, 0], sizes = [128, 1024], strides = [1, 1]} : vector<128x2048xf32> to vector<128x1024xf32>
    %slice3A_869 = vector.extract_strided_slice %select_n3A_861 {offsets = [0, 1024], sizes = [128, 1024], strides = [1, 1]} : vector<128x2048xf32> to vector<128x1024xf32>
    %select_n3A_870 = arith.select %le3A_867, %slice3A_868, %slice3A_869 : vector<128x1024xi1>, vector<128x1024xf32>
    %slice3A_871 = vector.extract_strided_slice %select_n3A_864 {offsets = [0, 0], sizes = [128, 1024], strides = [1, 1]} : vector<128x2048xi32> to vector<128x1024xi32>
    %slice3A_872 = vector.extract_strided_slice %select_n3A_864 {offsets = [0, 1024], sizes = [128, 1024], strides = [1, 1]} : vector<128x2048xi32> to vector<128x1024xi32>
    %select_n3A_873 = arith.select %le3A_867, %slice3A_871, %slice3A_872 : vector<128x1024xi1>, vector<128x1024xi32>
    %slice3A_874 = vector.extract_strided_slice %select_n3A_870 {offsets = [0, 0], sizes = [128, 512], strides = [1, 1]} : vector<128x1024xf32> to vector<128x512xf32>
    %slice3A_875 = vector.extract_strided_slice %select_n3A_870 {offsets = [0, 512], sizes = [128, 512], strides = [1, 1]} : vector<128x1024xf32> to vector<128x512xf32>
    %le3A_876 = arith.cmpf ole, %slice3A_874, %slice3A_875 : vector<128x512xf32>
    %slice3A_877 = vector.extract_strided_slice %select_n3A_870 {offsets = [0, 0], sizes = [128, 512], strides = [1, 1]} : vector<128x1024xf32> to vector<128x512xf32>
    %slice3A_878 = vector.extract_strided_slice %select_n3A_870 {offsets = [0, 512], sizes = [128, 512], strides = [1, 1]} : vector<128x1024xf32> to vector<128x512xf32>
    %select_n3A_879 = arith.select %le3A_876, %slice3A_877, %slice3A_878 : vector<128x512xi1>, vector<128x512xf32>
    %slice3A_880 = vector.extract_strided_slice %select_n3A_873 {offsets = [0, 0], sizes = [128, 512], strides = [1, 1]} : vector<128x1024xi32> to vector<128x512xi32>
    %slice3A_881 = vector.extract_strided_slice %select_n3A_873 {offsets = [0, 512], sizes = [128, 512], strides = [1, 1]} : vector<128x1024xi32> to vector<128x512xi32>
    %select_n3A_882 = arith.select %le3A_876, %slice3A_880, %slice3A_881 : vector<128x512xi1>, vector<128x512xi32>
    %slice3A_883 = vector.extract_strided_slice %select_n3A_879 {offsets = [0, 0], sizes = [128, 256], strides = [1, 1]} : vector<128x512xf32> to vector<128x256xf32>
    %slice3A_884 = vector.extract_strided_slice %select_n3A_879 {offsets = [0, 256], sizes = [128, 256], strides = [1, 1]} : vector<128x512xf32> to vector<128x256xf32>
    %le3A_885 = arith.cmpf ole, %slice3A_883, %slice3A_884 : vector<128x256xf32>
    %slice3A_886 = vector.extract_strided_slice %select_n3A_879 {offsets = [0, 0], sizes = [128, 256], strides = [1, 1]} : vector<128x512xf32> to vector<128x256xf32>
    %slice3A_887 = vector.extract_strided_slice %select_n3A_879 {offsets = [0, 256], sizes = [128, 256], strides = [1, 1]} : vector<128x512xf32> to vector<128x256xf32>
    %select_n3A_888 = arith.select %le3A_885, %slice3A_886, %slice3A_887 : vector<128x256xi1>, vector<128x256xf32>
    %slice3A_889 = vector.extract_strided_slice %select_n3A_882 {offsets = [0, 0], sizes = [128, 256], strides = [1, 1]} : vector<128x512xi32> to vector<128x256xi32>
    %slice3A_890 = vector.extract_strided_slice %select_n3A_882 {offsets = [0, 256], sizes = [128, 256], strides = [1, 1]} : vector<128x512xi32> to vector<128x256xi32>
    %select_n3A_891 = arith.select %le3A_885, %slice3A_889, %slice3A_890 : vector<128x256xi1>, vector<128x256xi32>
    %slice3A_892 = vector.extract_strided_slice %select_n3A_888 {offsets = [0, 0], sizes = [128, 128], strides = [1, 1]} : vector<128x256xf32> to vector<128x128xf32>
    %slice3A_893 = vector.extract_strided_slice %select_n3A_888 {offsets = [0, 128], sizes = [128, 128], strides = [1, 1]} : vector<128x256xf32> to vector<128x128xf32>
    %le3A_894 = arith.cmpf ole, %slice3A_892, %slice3A_893 : vector<128x128xf32>
    %slice3A_895 = vector.extract_strided_slice %select_n3A_888 {offsets = [0, 0], sizes = [128, 128], strides = [1, 1]} : vector<128x256xf32> to vector<128x128xf32>
    %slice3A_896 = vector.extract_strided_slice %select_n3A_888 {offsets = [0, 128], sizes = [128, 128], strides = [1, 1]} : vector<128x256xf32> to vector<128x128xf32>
    %select_n3A_897 = arith.select %le3A_894, %slice3A_895, %slice3A_896 : vector<128x128xi1>, vector<128x128xf32>
    %slice3A_898 = vector.extract_strided_slice %select_n3A_891 {offsets = [0, 0], sizes = [128, 128], strides = [1, 1]} : vector<128x256xi32> to vector<128x128xi32>
    %slice3A_899 = vector.extract_strided_slice %select_n3A_891 {offsets = [0, 128], sizes = [128, 128], strides = [1, 1]} : vector<128x256xi32> to vector<128x128xi32>
    %select_n3A_900 = arith.select %le3A_894, %slice3A_898, %slice3A_899 : vector<128x128xi1>, vector<128x128xi32>
    %reduce_min3A_901 = arith.constant dense<0x7F800000> : vector<128xf32>
    %reduce_min3A_902 = vector.multi_reduction <minimumf>, %select_n3A_897, %reduce_min3A_901 [1] : vector<128x128xf32> to vector<128xf32>
    %broadcast_in_dim3A_903 = vector.shape_cast %reduce_min3A_902 : vector<128xf32> to vector<128x1xf32>
    %eq3A_904 = vector.broadcast %broadcast_in_dim3A_903 : vector<128x1xf32> to vector<128x128xf32>
    %eq3A_905 = arith.cmpf oeq, %select_n3A_897, %eq3A_904 : vector<128x128xf32>
    %jit3A_906 = arith.constant 4096 : i32
    %broadcast_in_dim3A_907 = vector.broadcast %jit3A_906 : i32 to vector<128x128xi32>
    %select_n3A_908 = arith.select %eq3A_905, %select_n3A_900, %broadcast_in_dim3A_907 : vector<128x128xi1>, vector<128x128xi32>
    %reduce_min3A_909 = arith.constant dense<2147483647> : vector<128xi32>
    %reduce_min3A_910 = vector.multi_reduction <minsi>, %select_n3A_908, %reduce_min3A_909 [1] : vector<128x128xi32> to vector<128xi32>
    %broadcast_in_dim3A_911 = vector.shape_cast %reduce_min3A_910 : vector<128xi32> to vector<128x1xi32>
    %swap3A_912 = arith.constant 0 : index
    %swap3A_913 = arith.constant 13 : index
    %swap3A_914 = vector.load %arg5[%swap3A_912, %swap3A_913] : memref<128x16xi32, #tpu.memory_space<vmem>>, vector<128x1xi32>
    tpu.vector_store %arg5[%swap3A_912, %swap3A_913], %broadcast_in_dim3A_911 {strides = array<i32>} : memref<128x16xi32, #tpu.memory_space<vmem>>, vector<128x1xi32>,
    %gt3A_915 = vector.broadcast %broadcast_in_dim3A_903 : vector<128x1xf32> to vector<128x4096xf32>
    %gt3A_916 = arith.cmpf ogt, %sub3A_30, %gt3A_915 : vector<128x4096xf32>
    %jit3A_917 = arith.constant 0x7F800000 : f32
    %broadcast_in_dim3A_918 = vector.broadcast %jit3A_917 : f32 to vector<128x4096xf32>
    %select_n3A_919 = arith.select %gt3A_916, %sub3A_30, %broadcast_in_dim3A_918 : vector<128x4096xi1>, vector<128x4096xf32>
    %slice3A_920 = vector.extract_strided_slice %select_n3A_919 {offsets = [0, 0], sizes = [128, 2048], strides = [1, 1]} : vector<128x4096xf32> to vector<128x2048xf32>
    %slice3A_921 = vector.extract_strided_slice %select_n3A_919 {offsets = [0, 2048], sizes = [128, 2048], strides = [1, 1]} : vector<128x4096xf32> to vector<128x2048xf32>
    %le3A_922 = arith.cmpf ole, %slice3A_920, %slice3A_921 : vector<128x2048xf32>
    %slice3A_923 = vector.extract_strided_slice %select_n3A_919 {offsets = [0, 0], sizes = [128, 2048], strides = [1, 1]} : vector<128x4096xf32> to vector<128x2048xf32>
    %slice3A_924 = vector.extract_strided_slice %select_n3A_919 {offsets = [0, 2048], sizes = [128, 2048], strides = [1, 1]} : vector<128x4096xf32> to vector<128x2048xf32>
    %select_n3A_925 = arith.select %le3A_922, %slice3A_923, %slice3A_924 : vector<128x2048xi1>, vector<128x2048xf32>
    %slice3A_926 = vector.extract_strided_slice %iota3A {offsets = [0, 0], sizes = [128, 2048], strides = [1, 1]} : vector<128x4096xi32> to vector<128x2048xi32>
    %slice3A_927 = vector.extract_strided_slice %iota3A {offsets = [0, 2048], sizes = [128, 2048], strides = [1, 1]} : vector<128x4096xi32> to vector<128x2048xi32>
    %select_n3A_928 = arith.select %le3A_922, %slice3A_926, %slice3A_927 : vector<128x2048xi1>, vector<128x2048xi32>
    %slice3A_929 = vector.extract_strided_slice %select_n3A_925 {offsets = [0, 0], sizes = [128, 1024], strides = [1, 1]} : vector<128x2048xf32> to vector<128x1024xf32>
    %slice3A_930 = vector.extract_strided_slice %select_n3A_925 {offsets = [0, 1024], sizes = [128, 1024], strides = [1, 1]} : vector<128x2048xf32> to vector<128x1024xf32>
    %le3A_931 = arith.cmpf ole, %slice3A_929, %slice3A_930 : vector<128x1024xf32>
    %slice3A_932 = vector.extract_strided_slice %select_n3A_925 {offsets = [0, 0], sizes = [128, 1024], strides = [1, 1]} : vector<128x2048xf32> to vector<128x1024xf32>
    %slice3A_933 = vector.extract_strided_slice %select_n3A_925 {offsets = [0, 1024], sizes = [128, 1024], strides = [1, 1]} : vector<128x2048xf32> to vector<128x1024xf32>
    %select_n3A_934 = arith.select %le3A_931, %slice3A_932, %slice3A_933 : vector<128x1024xi1>, vector<128x1024xf32>
    %slice3A_935 = vector.extract_strided_slice %select_n3A_928 {offsets = [0, 0], sizes = [128, 1024], strides = [1, 1]} : vector<128x2048xi32> to vector<128x1024xi32>
    %slice3A_936 = vector.extract_strided_slice %select_n3A_928 {offsets = [0, 1024], sizes = [128, 1024], strides = [1, 1]} : vector<128x2048xi32> to vector<128x1024xi32>
    %select_n3A_937 = arith.select %le3A_931, %slice3A_935, %slice3A_936 : vector<128x1024xi1>, vector<128x1024xi32>
    %slice3A_938 = vector.extract_strided_slice %select_n3A_934 {offsets = [0, 0], sizes = [128, 512], strides = [1, 1]} : vector<128x1024xf32> to vector<128x512xf32>
    %slice3A_939 = vector.extract_strided_slice %select_n3A_934 {offsets = [0, 512], sizes = [128, 512], strides = [1, 1]} : vector<128x1024xf32> to vector<128x512xf32>
    %le3A_940 = arith.cmpf ole, %slice3A_938, %slice3A_939 : vector<128x512xf32>
    %slice3A_941 = vector.extract_strided_slice %select_n3A_934 {offsets = [0, 0], sizes = [128, 512], strides = [1, 1]} : vector<128x1024xf32> to vector<128x512xf32>
    %slice3A_942 = vector.extract_strided_slice %select_n3A_934 {offsets = [0, 512], sizes = [128, 512], strides = [1, 1]} : vector<128x1024xf32> to vector<128x512xf32>
    %select_n3A_943 = arith.select %le3A_940, %slice3A_941, %slice3A_942 : vector<128x512xi1>, vector<128x512xf32>
    %slice3A_944 = vector.extract_strided_slice %select_n3A_937 {offsets = [0, 0], sizes = [128, 512], strides = [1, 1]} : vector<128x1024xi32> to vector<128x512xi32>
    %slice3A_945 = vector.extract_strided_slice %select_n3A_937 {offsets = [0, 512], sizes = [128, 512], strides = [1, 1]} : vector<128x1024xi32> to vector<128x512xi32>
    %select_n3A_946 = arith.select %le3A_940, %slice3A_944, %slice3A_945 : vector<128x512xi1>, vector<128x512xi32>
    %slice3A_947 = vector.extract_strided_slice %select_n3A_943 {offsets = [0, 0], sizes = [128, 256], strides = [1, 1]} : vector<128x512xf32> to vector<128x256xf32>
    %slice3A_948 = vector.extract_strided_slice %select_n3A_943 {offsets = [0, 256], sizes = [128, 256], strides = [1, 1]} : vector<128x512xf32> to vector<128x256xf32>
    %le3A_949 = arith.cmpf ole, %slice3A_947, %slice3A_948 : vector<128x256xf32>
    %slice3A_950 = vector.extract_strided_slice %select_n3A_943 {offsets = [0, 0], sizes = [128, 256], strides = [1, 1]} : vector<128x512xf32> to vector<128x256xf32>
    %slice3A_951 = vector.extract_strided_slice %select_n3A_943 {offsets = [0, 256], sizes = [128, 256], strides = [1, 1]} : vector<128x512xf32> to vector<128x256xf32>
    %select_n3A_952 = arith.select %le3A_949, %slice3A_950, %slice3A_951 : vector<128x256xi1>, vector<128x256xf32>
    %slice3A_953 = vector.extract_strided_slice %select_n3A_946 {offsets = [0, 0], sizes = [128, 256], strides = [1, 1]} : vector<128x512xi32> to vector<128x256xi32>
    %slice3A_954 = vector.extract_strided_slice %select_n3A_946 {offsets = [0, 256], sizes = [128, 256], strides = [1, 1]} : vector<128x512xi32> to vector<128x256xi32>
    %select_n3A_955 = arith.select %le3A_949, %slice3A_953, %slice3A_954 : vector<128x256xi1>, vector<128x256xi32>
    %slice3A_956 = vector.extract_strided_slice %select_n3A_952 {offsets = [0, 0], sizes = [128, 128], strides = [1, 1]} : vector<128x256xf32> to vector<128x128xf32>
    %slice3A_957 = vector.extract_strided_slice %select_n3A_952 {offsets = [0, 128], sizes = [128, 128], strides = [1, 1]} : vector<128x256xf32> to vector<128x128xf32>
    %le3A_958 = arith.cmpf ole, %slice3A_956, %slice3A_957 : vector<128x128xf32>
    %slice3A_959 = vector.extract_strided_slice %select_n3A_952 {offsets = [0, 0], sizes = [128, 128], strides = [1, 1]} : vector<128x256xf32> to vector<128x128xf32>
    %slice3A_960 = vector.extract_strided_slice %select_n3A_952 {offsets = [0, 128], sizes = [128, 128], strides = [1, 1]} : vector<128x256xf32> to vector<128x128xf32>
    %select_n3A_961 = arith.select %le3A_958, %slice3A_959, %slice3A_960 : vector<128x128xi1>, vector<128x128xf32>
    %slice3A_962 = vector.extract_strided_slice %select_n3A_955 {offsets = [0, 0], sizes = [128, 128], strides = [1, 1]} : vector<128x256xi32> to vector<128x128xi32>
    %slice3A_963 = vector.extract_strided_slice %select_n3A_955 {offsets = [0, 128], sizes = [128, 128], strides = [1, 1]} : vector<128x256xi32> to vector<128x128xi32>
    %select_n3A_964 = arith.select %le3A_958, %slice3A_962, %slice3A_963 : vector<128x128xi1>, vector<128x128xi32>
    %reduce_min3A_965 = arith.constant dense<0x7F800000> : vector<128xf32>
    %reduce_min3A_966 = vector.multi_reduction <minimumf>, %select_n3A_961, %reduce_min3A_965 [1] : vector<128x128xf32> to vector<128xf32>
    %broadcast_in_dim3A_967 = vector.shape_cast %reduce_min3A_966 : vector<128xf32> to vector<128x1xf32>
    %eq3A_968 = vector.broadcast %broadcast_in_dim3A_967 : vector<128x1xf32> to vector<128x128xf32>
    %eq3A_969 = arith.cmpf oeq, %select_n3A_961, %eq3A_968 : vector<128x128xf32>
    %jit3A_970 = arith.constant 4096 : i32
    %broadcast_in_dim3A_971 = vector.broadcast %jit3A_970 : i32 to vector<128x128xi32>
    %select_n3A_972 = arith.select %eq3A_969, %select_n3A_964, %broadcast_in_dim3A_971 : vector<128x128xi1>, vector<128x128xi32>
    %reduce_min3A_973 = arith.constant dense<2147483647> : vector<128xi32>
    %reduce_min3A_974 = vector.multi_reduction <minsi>, %select_n3A_972, %reduce_min3A_973 [1] : vector<128x128xi32> to vector<128xi32>
    %broadcast_in_dim3A_975 = vector.shape_cast %reduce_min3A_974 : vector<128xi32> to vector<128x1xi32>
    %swap3A_976 = arith.constant 0 : index
    %swap3A_977 = arith.constant 14 : index
    %swap3A_978 = vector.load %arg5[%swap3A_976, %swap3A_977] : memref<128x16xi32, #tpu.memory_space<vmem>>, vector<128x1xi32>
    tpu.vector_store %arg5[%swap3A_976, %swap3A_977], %broadcast_in_dim3A_975 {strides = array<i32>} : memref<128x16xi32, #tpu.memory_space<vmem>>, vector<128x1xi32>,
    %gt3A_979 = vector.broadcast %broadcast_in_dim3A_967 : vector<128x1xf32> to vector<128x4096xf32>
    %gt3A_980 = arith.cmpf ogt, %sub3A_30, %gt3A_979 : vector<128x4096xf32>
    %jit3A_981 = arith.constant 0x7F800000 : f32
    %broadcast_in_dim3A_982 = vector.broadcast %jit3A_981 : f32 to vector<128x4096xf32>
    %select_n3A_983 = arith.select %gt3A_980, %sub3A_30, %broadcast_in_dim3A_982 : vector<128x4096xi1>, vector<128x4096xf32>
    %slice3A_984 = vector.extract_strided_slice %select_n3A_983 {offsets = [0, 0], sizes = [128, 2048], strides = [1, 1]} : vector<128x4096xf32> to vector<128x2048xf32>
    %slice3A_985 = vector.extract_strided_slice %select_n3A_983 {offsets = [0, 2048], sizes = [128, 2048], strides = [1, 1]} : vector<128x4096xf32> to vector<128x2048xf32>
    %le3A_986 = arith.cmpf ole, %slice3A_984, %slice3A_985 : vector<128x2048xf32>
    %slice3A_987 = vector.extract_strided_slice %select_n3A_983 {offsets = [0, 0], sizes = [128, 2048], strides = [1, 1]} : vector<128x4096xf32> to vector<128x2048xf32>
    %slice3A_988 = vector.extract_strided_slice %select_n3A_983 {offsets = [0, 2048], sizes = [128, 2048], strides = [1, 1]} : vector<128x4096xf32> to vector<128x2048xf32>
    %select_n3A_989 = arith.select %le3A_986, %slice3A_987, %slice3A_988 : vector<128x2048xi1>, vector<128x2048xf32>
    %slice3A_990 = vector.extract_strided_slice %iota3A {offsets = [0, 0], sizes = [128, 2048], strides = [1, 1]} : vector<128x4096xi32> to vector<128x2048xi32>
    %slice3A_991 = vector.extract_strided_slice %iota3A {offsets = [0, 2048], sizes = [128, 2048], strides = [1, 1]} : vector<128x4096xi32> to vector<128x2048xi32>
    %select_n3A_992 = arith.select %le3A_986, %slice3A_990, %slice3A_991 : vector<128x2048xi1>, vector<128x2048xi32>
    %slice3A_993 = vector.extract_strided_slice %select_n3A_989 {offsets = [0, 0], sizes = [128, 1024], strides = [1, 1]} : vector<128x2048xf32> to vector<128x1024xf32>
    %slice3A_994 = vector.extract_strided_slice %select_n3A_989 {offsets = [0, 1024], sizes = [128, 1024], strides = [1, 1]} : vector<128x2048xf32> to vector<128x1024xf32>
    %le3A_995 = arith.cmpf ole, %slice3A_993, %slice3A_994 : vector<128x1024xf32>
    %slice3A_996 = vector.extract_strided_slice %select_n3A_989 {offsets = [0, 0], sizes = [128, 1024], strides = [1, 1]} : vector<128x2048xf32> to vector<128x1024xf32>
    %slice3A_997 = vector.extract_strided_slice %select_n3A_989 {offsets = [0, 1024], sizes = [128, 1024], strides = [1, 1]} : vector<128x2048xf32> to vector<128x1024xf32>
    %select_n3A_998 = arith.select %le3A_995, %slice3A_996, %slice3A_997 : vector<128x1024xi1>, vector<128x1024xf32>
    %slice3A_999 = vector.extract_strided_slice %select_n3A_992 {offsets = [0, 0], sizes = [128, 1024], strides = [1, 1]} : vector<128x2048xi32> to vector<128x1024xi32>
    %slice3A_1000 = vector.extract_strided_slice %select_n3A_992 {offsets = [0, 1024], sizes = [128, 1024], strides = [1, 1]} : vector<128x2048xi32> to vector<128x1024xi32>
    %select_n3A_1001 = arith.select %le3A_995, %slice3A_999, %slice3A_1000 : vector<128x1024xi1>, vector<128x1024xi32>
    %slice3A_1002 = vector.extract_strided_slice %select_n3A_998 {offsets = [0, 0], sizes = [128, 512], strides = [1, 1]} : vector<128x1024xf32> to vector<128x512xf32>
    %slice3A_1003 = vector.extract_strided_slice %select_n3A_998 {offsets = [0, 512], sizes = [128, 512], strides = [1, 1]} : vector<128x1024xf32> to vector<128x512xf32>
    %le3A_1004 = arith.cmpf ole, %slice3A_1002, %slice3A_1003 : vector<128x512xf32>
    %slice3A_1005 = vector.extract_strided_slice %select_n3A_998 {offsets = [0, 0], sizes = [128, 512], strides = [1, 1]} : vector<128x1024xf32> to vector<128x512xf32>
    %slice3A_1006 = vector.extract_strided_slice %select_n3A_998 {offsets = [0, 512], sizes = [128, 512], strides = [1, 1]} : vector<128x1024xf32> to vector<128x512xf32>
    %select_n3A_1007 = arith.select %le3A_1004, %slice3A_1005, %slice3A_1006 : vector<128x512xi1>, vector<128x512xf32>
    %slice3A_1008 = vector.extract_strided_slice %select_n3A_1001 {offsets = [0, 0], sizes = [128, 512], strides = [1, 1]} : vector<128x1024xi32> to vector<128x512xi32>
    %slice3A_1009 = vector.extract_strided_slice %select_n3A_1001 {offsets = [0, 512], sizes = [128, 512], strides = [1, 1]} : vector<128x1024xi32> to vector<128x512xi32>
    %select_n3A_1010 = arith.select %le3A_1004, %slice3A_1008, %slice3A_1009 : vector<128x512xi1>, vector<128x512xi32>
    %slice3A_1011 = vector.extract_strided_slice %select_n3A_1007 {offsets = [0, 0], sizes = [128, 256], strides = [1, 1]} : vector<128x512xf32> to vector<128x256xf32>
    %slice3A_1012 = vector.extract_strided_slice %select_n3A_1007 {offsets = [0, 256], sizes = [128, 256], strides = [1, 1]} : vector<128x512xf32> to vector<128x256xf32>
    %le3A_1013 = arith.cmpf ole, %slice3A_1011, %slice3A_1012 : vector<128x256xf32>
    %slice3A_1014 = vector.extract_strided_slice %select_n3A_1007 {offsets = [0, 0], sizes = [128, 256], strides = [1, 1]} : vector<128x512xf32> to vector<128x256xf32>
    %slice3A_1015 = vector.extract_strided_slice %select_n3A_1007 {offsets = [0, 256], sizes = [128, 256], strides = [1, 1]} : vector<128x512xf32> to vector<128x256xf32>
    %select_n3A_1016 = arith.select %le3A_1013, %slice3A_1014, %slice3A_1015 : vector<128x256xi1>, vector<128x256xf32>
    %slice3A_1017 = vector.extract_strided_slice %select_n3A_1010 {offsets = [0, 0], sizes = [128, 256], strides = [1, 1]} : vector<128x512xi32> to vector<128x256xi32>
    %slice3A_1018 = vector.extract_strided_slice %select_n3A_1010 {offsets = [0, 256], sizes = [128, 256], strides = [1, 1]} : vector<128x512xi32> to vector<128x256xi32>
    %select_n3A_1019 = arith.select %le3A_1013, %slice3A_1017, %slice3A_1018 : vector<128x256xi1>, vector<128x256xi32>
    %slice3A_1020 = vector.extract_strided_slice %select_n3A_1016 {offsets = [0, 0], sizes = [128, 128], strides = [1, 1]} : vector<128x256xf32> to vector<128x128xf32>
    %slice3A_1021 = vector.extract_strided_slice %select_n3A_1016 {offsets = [0, 128], sizes = [128, 128], strides = [1, 1]} : vector<128x256xf32> to vector<128x128xf32>
    %le3A_1022 = arith.cmpf ole, %slice3A_1020, %slice3A_1021 : vector<128x128xf32>
    %slice3A_1023 = vector.extract_strided_slice %select_n3A_1016 {offsets = [0, 0], sizes = [128, 128], strides = [1, 1]} : vector<128x256xf32> to vector<128x128xf32>
    %slice3A_1024 = vector.extract_strided_slice %select_n3A_1016 {offsets = [0, 128], sizes = [128, 128], strides = [1, 1]} : vector<128x256xf32> to vector<128x128xf32>
    %select_n3A_1025 = arith.select %le3A_1022, %slice3A_1023, %slice3A_1024 : vector<128x128xi1>, vector<128x128xf32>
    %slice3A_1026 = vector.extract_strided_slice %select_n3A_1019 {offsets = [0, 0], sizes = [128, 128], strides = [1, 1]} : vector<128x256xi32> to vector<128x128xi32>
    %slice3A_1027 = vector.extract_strided_slice %select_n3A_1019 {offsets = [0, 128], sizes = [128, 128], strides = [1, 1]} : vector<128x256xi32> to vector<128x128xi32>
    %select_n3A_1028 = arith.select %le3A_1022, %slice3A_1026, %slice3A_1027 : vector<128x128xi1>, vector<128x128xi32>
    %reduce_min3A_1029 = arith.constant dense<0x7F800000> : vector<128xf32>
    %reduce_min3A_1030 = vector.multi_reduction <minimumf>, %select_n3A_1025, %reduce_min3A_1029 [1] : vector<128x128xf32> to vector<128xf32>
    %broadcast_in_dim3A_1031 = vector.shape_cast %reduce_min3A_1030 : vector<128xf32> to vector<128x1xf32>
    %eq3A_1032 = vector.broadcast %broadcast_in_dim3A_1031 : vector<128x1xf32> to vector<128x128xf32>
    %eq3A_1033 = arith.cmpf oeq, %select_n3A_1025, %eq3A_1032 : vector<128x128xf32>
    %jit3A_1034 = arith.constant 4096 : i32
    %broadcast_in_dim3A_1035 = vector.broadcast %jit3A_1034 : i32 to vector<128x128xi32>
    %select_n3A_1036 = arith.select %eq3A_1033, %select_n3A_1028, %broadcast_in_dim3A_1035 : vector<128x128xi1>, vector<128x128xi32>
    %reduce_min3A_1037 = arith.constant dense<2147483647> : vector<128xi32>
    %reduce_min3A_1038 = vector.multi_reduction <minsi>, %select_n3A_1036, %reduce_min3A_1037 [1] : vector<128x128xi32> to vector<128xi32>
    %broadcast_in_dim3A_1039 = vector.shape_cast %reduce_min3A_1038 : vector<128xi32> to vector<128x1xi32>
    %swap3A_1040 = arith.constant 0 : index
    %swap3A_1041 = arith.constant 15 : index
    %swap3A_1042 = vector.load %arg5[%swap3A_1040, %swap3A_1041] : memref<128x16xi32, #tpu.memory_space<vmem>>, vector<128x1xi32>
    tpu.vector_store %arg5[%swap3A_1040, %swap3A_1041], %broadcast_in_dim3A_1039 {strides = array<i32>} : memref<128x16xi32, #tpu.memory_space<vmem>>, vector<128x1xi32>,
    return
  }
  func.func @transform_0(%arg0: i32) -> (i32, i32) {
    %c0_i32 = arith.constant 0 : i32
    %c0_i32_0 = arith.constant 0 : i32
    return %c0_i32, %arg0 : i32, i32
  }
  func.func @transform_1(%arg0: i32) -> (i32, i32) {
    %c0_i32 = arith.constant 0 : i32
    %c0_i32_0 = arith.constant 0 : i32
    %c0_i32_1 = arith.constant 0 : i32
    return %c0_i32, %c0_i32_0 : i32, i32
  }
  func.func @transform_2(%arg0: i32) -> (i32, i32) {
    %c0_i32 = arith.constant 0 : i32
    %c0_i32_0 = arith.constant 0 : i32
    %c0_i32_1 = arith.constant 0 : i32
    return %c0_i32, %c0_i32_0 : i32, i32
  }
  func.func @transform_3(%arg0: i32) -> (i32, i32) {
    %c0_i32 = arith.constant 0 : i32
    %c0_i32_0 = arith.constant 0 : i32
    %c0_i32_1 = arith.constant 0 : i32
    return %c0_i32, %c0_i32_0 : i32, i32
  }
  func.func @transform_4(%arg0: i32) -> (i32, i32) {
    %c0_i32 = arith.constant 0 : i32
    %c0_i32_0 = arith.constant 0 : i32
    return %arg0, %c0_i32 : i32, i32
  }
  func.func @transform_5(%arg0: i32) -> (i32, i32) {
    %c0_i32 = arith.constant 0 : i32
    %c0_i32_0 = arith.constant 0 : i32
    return %arg0, %c0_i32 : i32, i32
  }
  func.func @transform_6(%arg0: i32) -> (i32, i32) {
    %c0_i32 = arith.constant 0 : i32
    %c0_i32_0 = arith.constant 0 : i32
    return %arg0, %c0_i32 : i32, i32
  }
}

</mosaic_0001>

<sc_bundles>
// kernel: kernel.15.cloned.1.call-start
scs
__scs_entry_jumppad:
0x0: {  	(pc) =	sbr.rel $0x88, $3  }
0x1: {  	(tag) =	ssettag $0x0;
	lr =	simm.s32 $0x1  }
0x2: {  	[smem:$0x3F9C] =	sst lr;
	_ =	strace $0xD0000000  }
0x3: {  	_ = 	snop  }
0x4: {  	_ = 	snop  }
0x5: {  	_ = 	snop  }
0x6: {  	_ = 	snop  }
0x7: {  	_ = 	snop  }
__scs_overlays_trampoline_lowered:
0x8: {  	[smem:$0x3FAB] =	sst s0  }
0x9: {  	[smem:$0x3FAC] =	sst s1  }
0xa: {  	[smem:$0x3FAD] =	sst s2  }
0xb: {  	[smem:$0x3FAE] =	sst s3  }
0xc: {  	[smem:$0x3FAF] =	sst s4  }
0xd: {  	[smem:$0x3FB0] =	sst s5  }
0xe: {  	[smem:$0x3FB1] =	sst s6  }
0xf: {  	[smem:$0x3FB2] =	sst s7  }
0x10: {  	[smem:$0x3FB3] =	sst s8  }
0x11: {  	[smem:$0x3FB4] =	sst s9;
	s0 =	simm.s32 @!p0 $0x0  }
0x12: {  	s1 =	sld [smem:$0x3F9A];
	s0 =	simm.s32 @p0 $0x1  }
0x13: {  	[smem:$0x3FB5] =	sst s0;
	s0 =	simm.s32 @!p1 $0x0  }
0x14: {  	s2 =	sld [smem:$0x3F99];
	s0 =	simm.s32 @p1 $0x1  }
0x15: {  	[smem:$0x3FB6] =	sst s0;
	s0 =	simm.s32 @!p2 $0x0  }
0x16: {  	s3 =	sld [smem:$0x3FDB];
	s0 =	simm.s32 @p2 $0x1  }
0x17: {  	s4 =	simm.s32 $0x1BF5;
	[smem:$0x3FB8] =	sst s0  }
0x18: {  	s0 =	sld [smem:$0x3F9B];
	_ =	swait.ge [sflag:s4], $0x0  }
0x19: {  	s7 =	sld [smem:$0x3F9C]  }
0x1a: {  	s8 =	sadd.s32 $0xFFFFE003, lr  }
0x1b: {  	s9 =	sadd.s32 $0xFFFFFEF7, lr;
	s5 =	simm.s32 $0xFFFFFFFF;
	p2 =	slt.u32 s8, $0xFFFFF086  }
0x1c: {  	p1 =	slt.u32 s9, $0xF7A;
	s5 =	simm.s32 @!p2 $0x0  }
0x1d: {  	s5 =	simm.s32 @p1 $0x1;
	p0 =	seq.s32 s7, s2  }
0x1e: {  	s7 =	smul.u32 @!p0 $0xF7A, s2;
	p2 =	seq.s32 @!p0 s5, $0x0  }
0x1f: {  	s9 =	smul.u32 $0xF7A, s1;
	s8 =	simm.s32 @!p0 $0x1BF5;
	p2 =	por !p2, p0  }
0x20: {  	[sflag:s8] =	ssyncset.s32 @!p0 $0xFFFFF086;
	s6 =	sadd.s32 @!p0 s3, s7;
	s7 =	simm.s32 @!p0 $0x108  }
0x21: {  	s3 =	sadd.s32 s3, s9;
	s6 =	sadd.s32 @!p0 $0x88, s6;
	s7 =	simm.s32 @p2 $0x1082  }
0x22: {  	[simem:s7], [sflag:s8] =	dma.local @!p0 [hbm:s6], $0xF7A  }
0x23: {  	s9 =	sor.u32 $0xD0000000, s2;
	s6 =	simm.s32 $0x108;
	_ =	swait.ge @!p0 [sflag:s8], $0x0  }
0x24: {  	s3 =	sadd.s32 $0x88, s3;
	s6 =	simm.s32 @!p1 $0x1082;
	[sflag:s4] =	ssyncset.s32 $0xFFFFF086  }
0x25: {  	[simem:s6], [sflag:s4] =	dma.local [hbm:s3], $0xF7A  }
0x26: {  	[smem:$0x3F9C] =	sst s1;
	(tag) =	ssettag s2;
	_ =	strace s9  }
0x27: {  	s1 =	sld [smem:$0x3FAC]  }
0x28: {  	s2 =	sld [smem:$0x3FAD]  }
0x29: {  	s4 =	sld [smem:$0x3FAF]  }
0x2a: {  	p0 =	seq.s32 s5, $0x0;
	s5 =	sld [smem:$0x3FB0]  }
0x2b: {  	s6 =	sld [smem:$0x3FB1]  }
0x2c: {  	s7 =	sld [smem:$0x3FB2]  }
0x2d: {  	s3 =	simm.s32 $0x108;
	s8 =	sld [smem:$0x3FB3]  }
0x2e: {  	s3 =	simm.s32 @!p0 $0x1082;
	s9 =	sld [smem:$0x3FB4]  }
0x2f: {  	lr =	sadd.s32 s0, s3;
	s0 =	sld [smem:$0x3FAB]  }
0x30: {  	s3 =	sld [smem:$0x3FAE]  }
0x31: {  	[smem:$0x3FB7] =	sst s10  }
0x32: {  	s10 =	sld [smem:$0x3FB5];
	_ =	sdelay $0x3  }
0x33: {  	p0 =	seq.s32 s10, $0x1;
	s10 =	sld [smem:$0x3FB7];
	_ =	sdelay $0x3  }
0x34: {  	[smem:$0x3FB7] =	sst s10  }
0x35: {  	s10 =	sld [smem:$0x3FB6];
	_ =	sdelay $0x3  }
0x36: {  	p1 =	seq.s32 s10, $0x1;
	s10 =	sld [smem:$0x3FB7];
	_ =	sdelay $0x3  }
0x37: {  	[smem:$0x3FB7] =	sst s10  }
0x38: {  	s10 =	sld [smem:$0x3FB8]  }
0x39: {  	_ = 	snop;
	(pc) =	sbr.ind lr, $3  }
0x3a: {  	_ = 	snop  }
0x3b: {  	_ = 	snop  }
0x3c: {  	p2 =	seq.s32 s10, $0x1;
	s10 =	sld [smem:$0x3FB7]  }
0x3d: {  	_ =	shalt  }
0x3e: {  	_ =	shalt  }
0x3f: {  	_ =	shalt  }
0x40: {  	_ =	shalt  }
0x41: {  	_ =	shalt  }
0x42: {  	_ =	shalt  }
0x43: {  	_ =	shalt  }
0x44: {  	_ =	shalt  }
0x45: {  	_ =	shalt  }
0x46: {  	_ =	shalt  }
0x47: {  	_ =	shalt  }
0x48: {  	_ =	shalt  }
0x49: {  	_ =	shalt  }
0x4a: {  	_ =	shalt  }
0x4b: {  	_ =	shalt  }
0x4c: {  	_ =	shalt  }
0x4d: {  	_ =	shalt  }
0x4e: {  	_ =	shalt  }
0x4f: {  	_ =	shalt  }
0x50: {  	_ =	shalt  }
0x51: {  	_ =	shalt  }
0x52: {  	_ =	shalt  }
0x53: {  	_ =	shalt  }
0x54: {  	_ =	shalt  }
0x55: {  	_ =	shalt  }
0x56: {  	_ =	shalt  }
0x57: {  	_ =	shalt  }
0x58: {  	_ =	shalt  }
0x59: {  	_ =	shalt  }
0x5a: {  	_ =	shalt  }
0x5b: {  	_ =	shalt  }
0x5c: {  	_ =	shalt  }
0x5d: {  	_ =	shalt  }
0x5e: {  	_ =	shalt  }
0x5f: {  	_ =	shalt  }
0x60: {  	_ =	shalt  }
0x61: {  	_ =	shalt  }
0x62: {  	_ =	shalt  }
0x63: {  	_ =	shalt  }
0x64: {  	_ =	shalt  }
0x65: {  	_ =	shalt  }
0x66: {  	_ =	shalt  }
0x67: {  	_ =	shalt  }
0x68: {  	_ =	shalt  }
0x69: {  	_ =	shalt  }
0x6a: {  	_ =	shalt  }
0x6b: {  	_ =	shalt  }
0x6c: {  	_ =	shalt  }
0x6d: {  	_ =	shalt  }
0x6e: {  	_ =	shalt  }
0x6f: {  	_ =	shalt  }
0x70: {  	_ =	shalt  }
0x71: {  	_ =	shalt  }
0x72: {  	_ =	shalt  }
0x73: {  	_ =	shalt  }
0x74: {  	_ =	shalt  }
0x75: {  	_ =	shalt  }
0x76: {  	_ =	shalt  }
0x77: {  	_ =	shalt  }
0x78: {  	_ =	shalt  }
0x79: {  	_ =	shalt  }
0x7a: {  	_ =	shalt  }
0x7b: {  	_ =	shalt  }
0x7c: {  	_ =	shalt  }
0x7d: {  	_ =	shalt  }
0x7e: {  	_ =	shalt  }
0x7f: {  	_ =	shalt  }
0x80: {  	_ =	shalt  }
0x81: {  	_ =	shalt  }
0x82: {  	_ =	shalt  }
0x83: {  	_ =	shalt  }
0x84: {  	_ =	shalt  }
0x85: {  	_ =	shalt  }
0x86: {  	_ =	shalt  }
0x87: {  	_ =	shalt  }
.Lfunc_end0:
.L_simem_size_0:
called_computation_lowered:
.L_overlay_start_0:
0x88: {  	s2 =	sld [smem:$0x3FD9]  }
0x89: {  	s3 =	sld [smem:$0x3FFE];
	_ =	sdelay $0x1  }
0x8a: {  	s1 =	srdreg.scid  }
0x8b: {  	s0 =	sand.u32 $0x1, s1  }
0x8c: {  	s17 =	sshll.u32 s0, $0xA;
	s2 =	sadd.s32 s3, s2  }
0x8d: {  	s2 =	sadd.s32 s2, s17  }
0x8e: {  	[smem:$0x3FC3] =	sst s2  }
0x8f: {  	_ = 	snop  }
0x90: {  	s18 =	sld [smem:$0x3FD0];
	(tm) =	ssettm $0x1  }
0x91: {  	s19 =	sld [smem:$0x3FFB];
	_ =	sdelay $0x3  }
0x92: {  	_ =	strace s19  }
0x93: {  	s2 =	sld [smem:$0x3FFC];
	_ =	sdelay $0x3  }
0x94: {  	_ =	strace s2  }
0x95: {  	s2 =	sld [smem:$0x3FFD];
	_ =	sdelay $0x3  }
0x96: {  	_ =	strace s2  }
0x97: {  	_ =	strace $0x8FFFFFFF  }
0x98: {  	s20 =	sld [smem:$0x3FDB];
	_ =	sdelay $0x1  }
0x99: {  	s4 =	simm.s32 $_scs_section_size  }
0x9a: {  	s5 =	simm.s32 $_size__tile_overlayer_lowered;
	s6 =	simm.s32 $_tile_overlayer_lowered  }
0x9b: {  	s7 =	simm.s32 $0x1BFF;
	s21 =	sshll.u32 s6, $0x1;
	s4 =	sadd.s32 s4, s20  }
0x9c: {  	s22 =	simm.s32 $0x0;
	s5 =	sshll.u32 s5, $0x1;
	s6 =	sadd.s32 s21, s4  }
0x9d: {  	[timem:s22], [sflag:s7] =	dma.local [hbm:s6], s5  }
0x9e: {  	_ =	swait.ge [sflag:s7], s5  }
0x9f: {  	s5 =	ssub.s32 $0x0, s5;
	[sflag:s7] =	ssyncset.done $0x0  }
0xa0: {  	[sflag:s7] =	ssyncadd.s32 s5;
	_ =	sdelay $0x1  }
0xa1: {  	s23 =	simm.s32 $0x1B8B  }
0xa2: {  	_ =	swait.ge [sflag:s23], $0x1  }
0xa3: {  	[sflag:s23] =	ssyncset.done $0x0  }
0xa4: {  	[sflag:s23] =	ssyncadd.s32 $0xFFFFFFFF  }
0xa5: {  	s5 =	sld [smem:$0x0]  }
0xa6: {  	s6 =	sand.u32 $0xFFFFFFFE, s1  }
0xa7: {  	p0 =	sne.s32 s1, s6  }
0xa8: {  	s6 =	sshll.u32 @p0 s6, $0xE  }
0xa9: {  	s6 =	sadd.s32 @p0 $0x11B8D, s6;
	s7 =	sshll.u32 @p0 s5, $0x11  }
0xaa: {  	s6 =	sor.u32 @p0 s7, s6  }
0xab: {  	[sflag:s6] =	ssyncadd.remote.s32 @p0 $0x1;
	_ =	sdelay $0x1  }
0xac: {  	s6 =	simm.s32 @p0 $0x1B8D  }
0xad: {  	_ =	swait.eq @p0 [sflag:s6], $0x1  }
0xae: {  	[sflag:s6] =	ssyncadd.s32 @p0 $0xFFFFFFFF  }
0xaf: {  	s7 =	sshll.u32 @!p0 s1, $0xE  }
0xb0: {  	s7 =	sor.u32 @!p0 $0x4000, s7;
	s6 =	simm.s32 @!p0 $0x1B8D  }
0xb1: {  	s5 =	sshll.u32 @!p0 s5, $0x11;
	s7 =	sadd.s32 @!p0 $0x11B8D, s7;
	_ =	swait.eq @!p0 [sflag:s6], $0x1  }
0xb2: {  	s5 =	sor.u32 @!p0 s5, s7;
	[sflag:s6] =	ssyncadd.s32 @!p0 $0xFFFFFFFF  }
0xb3: {  	s25 =	simm.s32 $0x1B8E;
	s24 =	sld [smem:$0x3FFE];
	[sflag:s5] =	ssyncadd.remote.s32 @!p0 $0x1  }
0xb4: {  	s26 =	simm.s32 $execute0_lowered;
	[smem:$0x3FD2] =	sst s25  }
0xb5: {  	s6 =	sshll.u32 s26, $0x1;
	_ =	strace $0x8000004F;
	[dreg:$0x1] =	wrdreg $0xFFFFFFFF  }
0xb6: {  	s28 =	simm.s32 $_size_execute0_lowered;
	s4 =	sadd.s32 s4, s6;
	[dreg:$0x0] =	wrdreg $0x0  }
0xb7: {  	s6 =	sshll.u32 s28, $0x1;
	[dreg:$0x2] =	wrdreg s4  }
0xb8: {  	[dreg:$0x3] =	wrdreg s6  }
0xb9: {  	[dreg:$0x4] =	wrdreg $0xC0  }
0xba: {  	_ =	task [dreg:s22], $0x5FFFF  }
0xbb: {  	[dreg:$0x1] =	wrdreg $0xFFFFFFFF  }
0xbc: {  	[dreg:$0x0] =	wrdreg $0x60  }
0xbd: {  	[dreg:$0x2] =	wrdreg s18  }
0xbe: {  	[dreg:$0x3] =	wrdreg s24  }
0xbf: {  	[dreg:$0x4] =	wrdreg $0x9  }
0xc0: {  	_ =	task.clear_ibuf [dreg:s22], $0x5FFFF;
	_ =	strace $0x9000004F  }
0xc1: {  	s29 =	simm.s32 $0x9;
	_ =	strace $0x80000051  }
0xc2: {  	_ =	swait.ge [sflag:s29], $0x1  }
0xc3: {  	[sflag:s29] =	ssyncadd.s32 $0xFFFFFFFF  }
0xc4: {  	_ =	strace $0x90000051  }
0xc5: {  	_ =	sfence  }
0xc6: {  	s30 =	sld [smem:$0x0];
	_ =	sdelay $0x2  }
0xc7: {  	s31 =	sshll.u32 s1, $0xD;
	s1 =	sshrl.u32 s1, $0x2  }
0xc8: {  	s4 =	sand.u32 $0x4000, s31;
	s1 =	sadd.s32 s1, s30  }
0xc9: {  	s0 =	sor.u32 s4, s0;
	s1 =	sshll.u32 s1, $0x11  }
0xca: {  	s0 =	sor.u32 s1, s0  }
0xcb: {  	s0 =	sadd.s32 $0x8F2B, s0  }
0xcc: {  	[sflag:s0] =	ssyncadd.remote.s32 $0x1  }
0xcd: {  	_ =	sfence.sel $0xFFFF  }
0xce: {  	[dreg:$0x0] =	wrdreg $0xFFFFFFFF;
	(pc) =	sbr.abs _section_cstart, $3  }
0xcf: {  	[dreg:$0x1] =	wrdreg $0xFFFFFFFF  }
0xd0: {  	_ =	task.clear_ibuf [dreg:s22], $0x2FFFF;
	_ =	strace $0x9FFFFFFF  }
0xd1: {  	(tm) =	ssettm $0x7FFFFFFF  }
tec
execute0_lowered:
.L_overlay_start_1:
0x0: {  	(tag) =	ssettag $0x1  }
0x1: {  	s4 =	rddreg [dreg:$0x0]  }
0x2: {  	s5 =	rddreg [dreg:$0x1]  }
0x3: {  	s0 =	rddreg [dreg:$0x2];
	s2 =	simm.s32 $0x0;
	s3 =	srdreg.scid  }
0x4: {  	s1 =	stileid.u32;
	s10 =	simm.s32 $0x480;
	s11 =	simm.s32 $0x1  }
0x5: {  	s12 =	simm.s32 $0x0;
	[smem:$0x7FF] =	sst s2;
	s6 =	sand.u32 $0x1, s3  }
0x6: {  	s7 =	sshll.u32 s1, $0x10;
	s3 =	sadd.s32 $0x374000, s5;
	s9 =	sshll.u32 s1, $0xC  }
0x7: {  	_ =	strace $0x80000050;
	s8 =	ssub.s32 $0x2, s6;
	s5 =	sadd.s32 s7, s5  }
0x8: {  	s30 =	sshll.u32 s6, $0xF;
	s31 =	sadd.s32 s9, s4;
	s6 =	sshll.u32 s6, $0xB  }
0x9: {  	s9 =	simm.s32 $0x400;
	s29 =	sshrl.u32 s8, $0x1;
	s5 =	sadd.s32 s30, s5  }
0xa: {  	s6 =	sadd.s32 s6, s31;
	s7 =	ssub.s32 s8, s29;
	s5 =	sadd.s32 $0x384000, s5  }
0xb: {  	s8 =	simm.s32 $0x80;
	s4 =	smax.u32 s7, $0x1;
	s7 =	simm.s32 $0x2  }
.LBB2_1:
0xc: {  	s13 =	sadd.s32 $0x0, s6  }
0xd: {  	[tilespmem:s2], [sflag:$0x2] =	stream.linear.gather [hbm4b:s13+s2], $0x400, $0x38;
	[tilespmem:$0x4480] =	vst v63  }
0xe: {  	_ =	swait.ge [sflag:s7], $0x400  }
0xf: {  	[sflag:s7] =	ssyncset.done $0x0  }
0x10: {  	[sflag:s7] =	ssyncadd.s32 $0xFFFFFC00  }
0x11: {  	v0 =	vld [tilespmem:$0x380]  }
0x12: {  	v1 =	vld [tilespmem:$0x280]  }
0x13: {  	v2 =	vld [tilespmem:$0x300]  }
0x14: {  	v3 =	vld [tilespmem:$0x180]  }
0x15: {  	v4 =	vld [tilespmem:$0x0]  }
0x16: {  	v5 =	vld [tilespmem:$0x200];
	[tilespmem:$0x470] =	vst v0  }
0x17: {  	v62 =	vld [tilespmem:$0x100];
	[tilespmem:$0x450] =	vst v1  }
0x18: {  	v63 =	vld [tilespmem:$0x80];
	[tilespmem:$0x460] =	vst v2  }
0x19: {  	[tilespmem:$0x430] =	vst v3  }
0x1a: {  	[tilespmem:$0x400] =	vst v4  }
0x1b: {  	[tilespmem:$0x440] =	vst v5  }
0x1c: {  	[tilespmem:$0x420] =	vst v62  }
0x1d: {  	s15 =	sadd.s32 $0x800, s5;
	s14 =	smov.u32 s5;
	s13 =	simm.s32 $0x80;
	[tilespmem:$0x410] =	vst v63  }
.LBB2_2:
0x1e: {  	[tilespmem:s10], [sflag:$0x1] =	stream.indirect.gather [hbm4b:s3+s8], $0x80, s9, s8, $0xb8;
	[tilespmem:$0x4480] =	vst v63  }
0x1f: {  	s16 =	smov.u32 s13  }
0x20: {  	p0 =	sne.s32 s13, $0x780;
	s13 =	sadd.s32 $0x80, s13;
	_ =	swait.ge [sflag:s11], $0x4000  }
0x21: {  	[sflag:s11] =	ssyncset.done $0x0  }
0x22: {  	[sflag:s11] =	ssyncadd.s32 $0xFFFFC000  }
0x23: {  	[hbm4b:s14+s2] =	stream.linear.scatter [tilespmem:s10], [sflag:$0x2], $0x4000, $0x38;
	[tilespmem:$0x4480] =	vst v63  }
0x24: {  	s14 =	smov.u32 s15;
	_ =	swait.ge [sflag:s7], $0x4000  }
0x25: {  	[sflag:s7] =	ssyncset.done $0x0  }
0x26: {  	s16 =	sadd.s32 s16, s6;
	[sflag:s7] =	ssyncadd.s32 $0xFFFFC000  }
0x27: {  	[tilespmem:s2], [sflag:$0x2] =	stream.linear.gather [hbm4b:s16+s2], $0x400, $0x38;
	[tilespmem:$0x4480] =	vst v63  }
0x28: {  	_ =	swait.ge [sflag:s7], $0x400  }
0x29: {  	[sflag:s7] =	ssyncset.done $0x0  }
0x2a: {  	[sflag:s7] =	ssyncadd.s32 $0xFFFFFC00  }
0x2b: {  	v0 =	vld [tilespmem:$0x380]  }
0x2c: {  	v1 =	vld [tilespmem:$0x280]  }
0x2d: {  	v2 =	vld [tilespmem:$0x300]  }
0x2e: {  	v3 =	vld [tilespmem:$0x180]  }
0x2f: {  	v4 =	vld [tilespmem:$0x0]  }
0x30: {  	v5 =	vld [tilespmem:$0x200];
	[tilespmem:$0x470] =	vst v0  }
0x31: {  	v0 =	vld [tilespmem:$0x100];
	[tilespmem:$0x450] =	vst v1  }
0x32: {  	v1 =	vld [tilespmem:$0x80];
	[tilespmem:$0x460] =	vst v2  }
.Ltmp0:
0x33: {  	[tilespmem:$0x430] =	vst v3;
	(pc) =	sbr.rel @p0 .LBB2_2-.Ltmp0, $4  }
0x34: {  	[tilespmem:$0x400] =	vst v4  }
0x35: {  	[tilespmem:$0x440] =	vst v5  }
0x36: {  	[tilespmem:$0x420] =	vst v0  }
0x37: {  	s15 =	sadd.s32 $0x800, s15;
	[tilespmem:$0x410] =	vst v1  }
0x38: {  	[tilespmem:s10], [sflag:$0x1] =	stream.indirect.gather [hbm4b:s3+s8], $0x80, s9, s8, $0xb8;
	[tilespmem:$0x4480] =	vst v63  }
0x39: {  	s12 =	sadd.s32 $0x1, s12;
	_ =	swait.ge [sflag:s11], $0x4000  }
0x3a: {  	p0 =	sne.s32 s12, s4;
	[sflag:s11] =	ssyncset.done $0x0  }
.Ltmp1:
0x3b: {  	[sflag:s11] =	ssyncadd.s32 $0xFFFFC000;
	(pc) =	sbr.rel @p0 .LBB2_1-.Ltmp1, $4  }
0x3c: {  	[hbm4b:s14+s2] =	stream.linear.scatter [tilespmem:s10], [sflag:$0x2], $0x4000, $0x38;
	[tilespmem:$0x4480] =	vst v63  }
0x3d: {  	_ =	swait.ge [sflag:s7], $0x4000  }
0x3e: {  	[sflag:s7] =	ssyncset.done $0x0  }
0x3f: {  	[sflag:s7] =	ssyncadd.s32 $0xFFFFC000  }
0x40: {  	_ =	sfence.sel $0x180000  }
0x41: {  	[bflag:$0x0] =	sbarrier.arrive $0xFFFF  }
0x42: {  	p0 =	sne.s32 s1, $0x0;
	_ =	strace $0x90000050  }
0x43: {  	s0 =	sadd.s32 @!p0 $0x100000, s0;
	[bflag:$0x2] =	sbarrier.arrive $0xFFFF  }
0x44: {  	[sflag:s0] =	ssyncadd.tile.s32 @!p0 $0x1;
	_ =	shalt  }
.Lfunc_end2:
_tile_overlayer_lowered:
.L_overlay_start_2:
0x45: {  	(tag) =	ssettag $0x2  }
0x46: {  	s0 =	rddreg [dreg:$0x0];
	s2 =	stileid.u32  }
0x47: {  	s1 =	rddreg [dreg:$0x1];
	p0 =	sne.s32 s2, $0x0  }
0x48: {  	s3 =	rddreg [dreg:$0x2];
	[bflag:$0x3] =	sbarrier.arrive $0xFFFF;
	s2 =	simm.s32 @!p0 $0x1C02  }
0x49: {  	[timem:s3], [sflag:s2] =	dma.local @!p0 [hbm:s0], s1  }
0x4a: {  	s0 =	simm.s32 @!p0 $0x2  }
0x4b: {  	_ =	swait.ge @!p0 [sflag:s0], s1  }
0x4c: {  	s1 =	ssub.s32 @!p0 $0x0, s1;
	[sflag:s0] =	ssyncset.done @!p0 $0x0  }
0x4d: {  	[sflag:s0] =	ssyncadd.s32 @!p0 s1  }
0x4e: {  	[bflag:$0x3] =	sbarrier.arrive $0xFFFF  }
0x4f: {  	_ =	shalt  }

// kernel: kernel.18.cloned.1.call-start
scs
__scs_entry_jumppad:
0x0: {  	(pc) =	sbr.rel $0x88, $3  }
0x1: {  	(tag) =	ssettag $0x0;
	lr =	simm.s32 $0x1  }
0x2: {  	[smem:$0x3F9C] =	sst lr;
	_ =	strace $0xD0000000  }
0x3: {  	_ = 	snop  }
0x4: {  	_ = 	snop  }
0x5: {  	_ = 	snop  }
0x6: {  	_ = 	snop  }
0x7: {  	_ = 	snop  }
__scs_overlays_trampoline_lowered:
0x8: {  	[smem:$0x3FAB] =	sst s0  }
0x9: {  	[smem:$0x3FAC] =	sst s1  }
0xa: {  	[smem:$0x3FAD] =	sst s2  }
0xb: {  	[smem:$0x3FAE] =	sst s3  }
0xc: {  	[smem:$0x3FAF] =	sst s4  }
0xd: {  	[smem:$0x3FB0] =	sst s5  }
0xe: {  	[smem:$0x3FB1] =	sst s6  }
0xf: {  	[smem:$0x3FB2] =	sst s7  }
0x10: {  	[smem:$0x3FB3] =	sst s8  }
0x11: {  	[smem:$0x3FB4] =	sst s9;
	s0 =	simm.s32 @!p0 $0x0  }
0x12: {  	s1 =	sld [smem:$0x3F9A];
	s0 =	simm.s32 @p0 $0x1  }
0x13: {  	[smem:$0x3FB5] =	sst s0;
	s0 =	simm.s32 @!p1 $0x0  }
0x14: {  	s2 =	sld [smem:$0x3F99];
	s0 =	simm.s32 @p1 $0x1  }
0x15: {  	[smem:$0x3FB6] =	sst s0;
	s0 =	simm.s32 @!p2 $0x0  }
0x16: {  	s3 =	sld [smem:$0x3FDB];
	s0 =	simm.s32 @p2 $0x1  }
0x17: {  	s4 =	simm.s32 $0x1BF5;
	[smem:$0x3FB8] =	sst s0  }
0x18: {  	s0 =	sld [smem:$0x3F9B];
	_ =	swait.ge [sflag:s4], $0x0  }
0x19: {  	s7 =	sld [smem:$0x3F9C]  }
0x1a: {  	s8 =	sadd.s32 $0xFFFFE003, lr  }
0x1b: {  	s9 =	sadd.s32 $0xFFFFFEF7, lr;
	s5 =	simm.s32 $0xFFFFFFFF;
	p2 =	slt.u32 s8, $0xFFFFF086  }
0x1c: {  	p1 =	slt.u32 s9, $0xF7A;
	s5 =	simm.s32 @!p2 $0x0  }
0x1d: {  	s5 =	simm.s32 @p1 $0x1;
	p0 =	seq.s32 s7, s2  }
0x1e: {  	s7 =	smul.u32 @!p0 $0xF7A, s2;
	p2 =	seq.s32 @!p0 s5, $0x0  }
0x1f: {  	s9 =	smul.u32 $0xF7A, s1;
	s8 =	simm.s32 @!p0 $0x1BF5;
	p2 =	por !p2, p0  }
0x20: {  	[sflag:s8] =	ssyncset.s32 @!p0 $0xFFFFF086;
	s6 =	sadd.s32 @!p0 s3, s7;
	s7 =	simm.s32 @!p0 $0x108  }
0x21: {  	s3 =	sadd.s32 s3, s9;
	s6 =	sadd.s32 @!p0 $0x88, s6;
	s7 =	simm.s32 @p2 $0x1082  }
0x22: {  	[simem:s7], [sflag:s8] =	dma.local @!p0 [hbm:s6], $0xF7A  }
0x23: {  	s9 =	sor.u32 $0xD0000000, s2;
	s6 =	simm.s32 $0x108;
	_ =	swait.ge @!p0 [sflag:s8], $0x0  }
0x24: {  	s3 =	sadd.s32 $0x88, s3;
	s6 =	simm.s32 @!p1 $0x1082;
	[sflag:s4] =	ssyncset.s32 $0xFFFFF086  }
0x25: {  	[simem:s6], [sflag:s4] =	dma.local [hbm:s3], $0xF7A  }
0x26: {  	[smem:$0x3F9C] =	sst s1;
	(tag) =	ssettag s2;
	_ =	strace s9  }
0x27: {  	s1 =	sld [smem:$0x3FAC]  }
0x28: {  	s2 =	sld [smem:$0x3FAD]  }
0x29: {  	s4 =	sld [smem:$0x3FAF]  }
0x2a: {  	p0 =	seq.s32 s5, $0x0;
	s5 =	sld [smem:$0x3FB0]  }
0x2b: {  	s6 =	sld [smem:$0x3FB1]  }
0x2c: {  	s7 =	sld [smem:$0x3FB2]  }
0x2d: {  	s3 =	simm.s32 $0x108;
	s8 =	sld [smem:$0x3FB3]  }
0x2e: {  	s3 =	simm.s32 @!p0 $0x1082;
	s9 =	sld [smem:$0x3FB4]  }
0x2f: {  	lr =	sadd.s32 s0, s3;
	s0 =	sld [smem:$0x3FAB]  }
0x30: {  	s3 =	sld [smem:$0x3FAE]  }
0x31: {  	[smem:$0x3FB7] =	sst s10  }
0x32: {  	s10 =	sld [smem:$0x3FB5];
	_ =	sdelay $0x3  }
0x33: {  	p0 =	seq.s32 s10, $0x1;
	s10 =	sld [smem:$0x3FB7];
	_ =	sdelay $0x3  }
0x34: {  	[smem:$0x3FB7] =	sst s10  }
0x35: {  	s10 =	sld [smem:$0x3FB6];
	_ =	sdelay $0x3  }
0x36: {  	p1 =	seq.s32 s10, $0x1;
	s10 =	sld [smem:$0x3FB7];
	_ =	sdelay $0x3  }
0x37: {  	[smem:$0x3FB7] =	sst s10  }
0x38: {  	s10 =	sld [smem:$0x3FB8]  }
0x39: {  	_ = 	snop;
	(pc) =	sbr.ind lr, $3  }
0x3a: {  	_ = 	snop  }
0x3b: {  	_ = 	snop  }
0x3c: {  	p2 =	seq.s32 s10, $0x1;
	s10 =	sld [smem:$0x3FB7]  }
0x3d: {  	_ =	shalt  }
0x3e: {  	_ =	shalt  }
0x3f: {  	_ =	shalt  }
0x40: {  	_ =	shalt  }
0x41: {  	_ =	shalt  }
0x42: {  	_ =	shalt  }
0x43: {  	_ =	shalt  }
0x44: {  	_ =	shalt  }
0x45: {  	_ =	shalt  }
0x46: {  	_ =	shalt  }
0x47: {  	_ =	shalt  }
0x48: {  	_ =	shalt  }
0x49: {  	_ =	shalt  }
0x4a: {  	_ =	shalt  }
0x4b: {  	_ =	shalt  }
0x4c: {  	_ =	shalt  }
0x4d: {  	_ =	shalt  }
0x4e: {  	_ =	shalt  }
0x4f: {  	_ =	shalt  }
0x50: {  	_ =	shalt  }
0x51: {  	_ =	shalt  }
0x52: {  	_ =	shalt  }
0x53: {  	_ =	shalt  }
0x54: {  	_ =	shalt  }
0x55: {  	_ =	shalt  }
0x56: {  	_ =	shalt  }
0x57: {  	_ =	shalt  }
0x58: {  	_ =	shalt  }
0x59: {  	_ =	shalt  }
0x5a: {  	_ =	shalt  }
0x5b: {  	_ =	shalt  }
0x5c: {  	_ =	shalt  }
0x5d: {  	_ =	shalt  }
0x5e: {  	_ =	shalt  }
0x5f: {  	_ =	shalt  }
0x60: {  	_ =	shalt  }
0x61: {  	_ =	shalt  }
0x62: {  	_ =	shalt  }
0x63: {  	_ =	shalt  }
0x64: {  	_ =	shalt  }
0x65: {  	_ =	shalt  }
0x66: {  	_ =	shalt  }
0x67: {  	_ =	shalt  }
0x68: {  	_ =	shalt  }
0x69: {  	_ =	shalt  }
0x6a: {  	_ =	shalt  }
0x6b: {  	_ =	shalt  }
0x6c: {  	_ =	shalt  }
0x6d: {  	_ =	shalt  }
0x6e: {  	_ =	shalt  }
0x6f: {  	_ =	shalt  }
0x70: {  	_ =	shalt  }
0x71: {  	_ =	shalt  }
0x72: {  	_ =	shalt  }
0x73: {  	_ =	shalt  }
0x74: {  	_ =	shalt  }
0x75: {  	_ =	shalt  }
0x76: {  	_ =	shalt  }
0x77: {  	_ =	shalt  }
0x78: {  	_ =	shalt  }
0x79: {  	_ =	shalt  }
0x7a: {  	_ =	shalt  }
0x7b: {  	_ =	shalt  }
0x7c: {  	_ =	shalt  }
0x7d: {  	_ =	shalt  }
0x7e: {  	_ =	shalt  }
0x7f: {  	_ =	shalt  }
0x80: {  	_ =	shalt  }
0x81: {  	_ =	shalt  }
0x82: {  	_ =	shalt  }
0x83: {  	_ =	shalt  }
0x84: {  	_ =	shalt  }
0x85: {  	_ =	shalt  }
0x86: {  	_ =	shalt  }
0x87: {  	_ =	shalt  }
.Lfunc_end0:
.L_simem_size_0:
called_computation.1_lowered:
.L_overlay_start_0:
0x88: {  	s2 =	sld [smem:$0x3FD9]  }
0x89: {  	s3 =	sld [smem:$0x3FFE];
	_ =	sdelay $0x1  }
0x8a: {  	s1 =	srdreg.scid  }
0x8b: {  	s0 =	sand.u32 $0x1, s1  }
0x8c: {  	s17 =	sshll.u32 s0, $0xA;
	s2 =	sadd.s32 s3, s2  }
0x8d: {  	s2 =	sadd.s32 s2, s17  }
0x8e: {  	[smem:$0x3FC3] =	sst s2  }
0x8f: {  	_ = 	snop  }
0x90: {  	(tm) =	ssettm $0x1  }
0x91: {  	s18 =	sld [smem:$0x3FFB];
	_ =	sdelay $0x3  }
0x92: {  	_ =	strace s18  }
0x93: {  	s2 =	sld [smem:$0x3FFC];
	_ =	sdelay $0x3  }
0x94: {  	_ =	strace s2  }
0x95: {  	s2 =	sld [smem:$0x3FFD];
	_ =	sdelay $0x3  }
0x96: {  	_ =	strace s2  }
0x97: {  	_ =	strace $0x8FFFFFFF  }
0x98: {  	s19 =	sld [smem:$0x3FDB];
	_ =	sdelay $0x1  }
0x99: {  	s20 =	simm.s32 $_scs_section_size  }
0x9a: {  	s4 =	simm.s32 $_size__tile_overlayer_lowered;
	s5 =	simm.s32 $_tile_overlayer_lowered  }
0x9b: {  	s6 =	simm.s32 $0x1BFF;
	s21 =	sshll.u32 s5, $0x1;
	s3 =	sadd.s32 s20, s19  }
0x9c: {  	s22 =	simm.s32 $0x0;
	s4 =	sshll.u32 s4, $0x1;
	s5 =	sadd.s32 s21, s3  }
0x9d: {  	[timem:s22], [sflag:s6] =	dma.local [hbm:s5], s4  }
0x9e: {  	_ =	swait.ge [sflag:s6], s4  }
0x9f: {  	s4 =	ssub.s32 $0x0, s4;
	[sflag:s6] =	ssyncset.done $0x0  }
0xa0: {  	[sflag:s6] =	ssyncadd.s32 s4;
	_ =	sdelay $0x1  }
0xa1: {  	s23 =	simm.s32 $0x1B8B  }
0xa2: {  	_ =	swait.ge [sflag:s23], $0x1  }
0xa3: {  	[sflag:s23] =	ssyncset.done $0x0  }
0xa4: {  	[sflag:s23] =	ssyncadd.s32 $0xFFFFFFFF  }
0xa5: {  	s4 =	sld [smem:$0x0]  }
0xa6: {  	s5 =	sand.u32 $0xFFFFFFFE, s1  }
0xa7: {  	p0 =	sne.s32 s1, s5  }
0xa8: {  	s5 =	sshll.u32 @p0 s5, $0xE  }
0xa9: {  	s5 =	sadd.s32 @p0 $0x11B8D, s5;
	s6 =	sshll.u32 @p0 s4, $0x11  }
0xaa: {  	s5 =	sor.u32 @p0 s6, s5  }
0xab: {  	[sflag:s5] =	ssyncadd.remote.s32 @p0 $0x1;
	_ =	sdelay $0x1  }
0xac: {  	s5 =	simm.s32 @p0 $0x1B8D  }
0xad: {  	_ =	swait.eq @p0 [sflag:s5], $0x1  }
0xae: {  	[sflag:s5] =	ssyncadd.s32 @p0 $0xFFFFFFFF  }
0xaf: {  	s6 =	sshll.u32 @!p0 s1, $0xE  }
0xb0: {  	s6 =	sor.u32 @!p0 $0x4000, s6;
	s5 =	simm.s32 @!p0 $0x1B8D  }
0xb1: {  	s4 =	sshll.u32 @!p0 s4, $0x11;
	s6 =	sadd.s32 @!p0 $0x11B8D, s6;
	_ =	swait.eq @!p0 [sflag:s5], $0x1  }
0xb2: {  	s4 =	sor.u32 @!p0 s4, s6;
	[sflag:s5] =	ssyncadd.s32 @!p0 $0xFFFFFFFF  }
0xb3: {  	s25 =	simm.s32 $0x1B8E;
	s24 =	sld [smem:$0x3FFE];
	[sflag:s4] =	ssyncadd.remote.s32 @!p0 $0x1  }
0xb4: {  	s26 =	simm.s32 $execute0_lowered;
	[smem:$0x3FD2] =	sst s25  }
0xb5: {  	s5 =	sshll.u32 s26, $0x1;
	_ =	strace $0x8000004C;
	[dreg:$0x1] =	wrdreg $0xFFFFFFFF  }
0xb6: {  	s28 =	simm.s32 $_size_execute0_lowered;
	s3 =	sadd.s32 s3, s5;
	[dreg:$0x0] =	wrdreg $0x0  }
0xb7: {  	s5 =	sshll.u32 s28, $0x1;
	[dreg:$0x2] =	wrdreg s3  }
0xb8: {  	[dreg:$0x3] =	wrdreg s5  }
0xb9: {  	[dreg:$0x4] =	wrdreg $0xC0  }
0xba: {  	_ =	task [dreg:s22], $0x5FFFF  }
0xbb: {  	[dreg:$0x1] =	wrdreg $0xFFFFFFFF  }
0xbc: {  	[dreg:$0x0] =	wrdreg $0x60  }
0xbd: {  	[dreg:$0x2] =	wrdreg s24  }
0xbe: {  	[dreg:$0x3] =	wrdreg $0xA  }
0xbf: {  	_ =	task.clear_ibuf [dreg:s22], $0x4FFFF;
	_ =	strace $0x9000004C  }
0xc0: {  	s29 =	simm.s32 $0xA;
	_ =	strace $0x8000004E  }
0xc1: {  	_ =	swait.ge [sflag:s29], $0x1  }
0xc2: {  	[sflag:s29] =	ssyncadd.s32 $0xFFFFFFFF  }
0xc3: {  	_ =	strace $0x9000004E  }
0xc4: {  	_ =	sfence  }
0xc5: {  	s30 =	sld [smem:$0x0];
	_ =	sdelay $0x2  }
0xc6: {  	s31 =	sshll.u32 s1, $0xD;
	s1 =	sshrl.u32 s1, $0x2  }
0xc7: {  	s4 =	sand.u32 $0x4000, s31;
	s1 =	sadd.s32 s1, s30  }
0xc8: {  	s0 =	sor.u32 s4, s0;
	s1 =	sshll.u32 s1, $0x11  }
0xc9: {  	s0 =	sor.u32 s1, s0  }
0xca: {  	s0 =	sadd.s32 $0x8F2B, s0  }
0xcb: {  	[sflag:s0] =	ssyncadd.remote.s32 $0x1  }
0xcc: {  	_ =	sfence.sel $0xFFFF  }
0xcd: {  	[dreg:$0x0] =	wrdreg $0xFFFFFFFF;
	(pc) =	sbr.abs _section_cstart, $3  }
0xce: {  	[dreg:$0x1] =	wrdreg $0xFFFFFFFF  }
0xcf: {  	_ =	task.clear_ibuf [dreg:s22], $0x2FFFF;
	_ =	strace $0x9FFFFFFF  }
0xd0: {  	(tm) =	ssettm $0x7FFFFFFF  }
0xd1: {  	_ =	shalt  }
tec
execute0_lowered:
.L_overlay_start_1:
0x0: {  	(tag) =	ssettag $0x1  }
0x1: {  	s4 =	rddreg [dreg:$0x0]  }
0x2: {  	s0 =	rddreg [dreg:$0x1]  }
0x3: {  	s2 =	simm.s32 $0x0;
	s1 =	stileid.u32;
	s5 =	srdreg.scid  }
0x4: {  	s10 =	simm.s32 $0x480;
	s11 =	simm.s32 $0x1;
	s12 =	simm.s32 $0x0  }
0x5: {  	[smem:$0x7FF] =	sst s2;
	s3 =	sshll.u32 s1, $0xC;
	s7 =	sshll.u32 s1, $0x10  }
0x6: {  	s5 =	sand.u32 $0x1, s5;
	_ =	strace $0x8000004D;
	s6 =	sadd.s32 s3, s4  }
0x7: {  	s3 =	sadd.s32 $0x264000, s4;
	s4 =	sadd.s32 s7, s4;
	s30 =	ssub.s32 $0x2, s5  }
0x8: {  	s9 =	sshll.u32 s5, $0xF;
	s5 =	sshll.u32 s5, $0xB;
	s8 =	sshrl.u32 s30, $0x1  }
0x9: {  	s31 =	sadd.s32 s9, s4;
	s6 =	sadd.s32 s5, s6;
	s9 =	simm.s32 $0x400  }
0xa: {  	s7 =	ssub.s32 s30, s8;
	s5 =	sadd.s32 $0x274000, s31;
	s6 =	sadd.s32 $0x254000, s6  }
0xb: {  	s8 =	simm.s32 $0x80;
	s4 =	smax.u32 s7, $0x1;
	s7 =	simm.s32 $0x2  }
.LBB2_1:
0xc: {  	s13 =	sadd.s32 $0x0, s6  }
0xd: {  	[tilespmem:s2], [sflag:$0x2] =	stream.linear.gather [hbm4b:s13+s2], $0x400, $0x38;
	[tilespmem:$0x4480] =	vst v63  }
0xe: {  	_ =	swait.ge [sflag:s7], $0x400  }
0xf: {  	[sflag:s7] =	ssyncset.done $0x0  }
0x10: {  	[sflag:s7] =	ssyncadd.s32 $0xFFFFFC00  }
0x11: {  	v0 =	vld [tilespmem:$0x380]  }
0x12: {  	v1 =	vld [tilespmem:$0x280]  }
0x13: {  	v2 =	vld [tilespmem:$0x300]  }
0x14: {  	v3 =	vld [tilespmem:$0x180]  }
0x15: {  	v4 =	vld [tilespmem:$0x0]  }
0x16: {  	v5 =	vld [tilespmem:$0x200];
	[tilespmem:$0x470] =	vst v0  }
0x17: {  	v62 =	vld [tilespmem:$0x100];
	[tilespmem:$0x450] =	vst v1  }
0x18: {  	v63 =	vld [tilespmem:$0x80];
	[tilespmem:$0x460] =	vst v2  }
0x19: {  	[tilespmem:$0x430] =	vst v3  }
0x1a: {  	[tilespmem:$0x400] =	vst v4  }
0x1b: {  	[tilespmem:$0x440] =	vst v5  }
0x1c: {  	[tilespmem:$0x420] =	vst v62  }
0x1d: {  	s15 =	sadd.s32 $0x800, s5;
	s14 =	smov.u32 s5;
	s13 =	simm.s32 $0x80;
	[tilespmem:$0x410] =	vst v63  }
.LBB2_2:
0x1e: {  	[tilespmem:s10], [sflag:$0x1] =	stream.indirect.gather [hbm4b:s3+s8], $0x80, s9, s8, $0xb8;
	[tilespmem:$0x4480] =	vst v63  }
0x1f: {  	s16 =	smov.u32 s13  }
0x20: {  	p0 =	sne.s32 s13, $0x780;
	s13 =	sadd.s32 $0x80, s13;
	_ =	swait.ge [sflag:s11], $0x4000  }
0x21: {  	[sflag:s11] =	ssyncset.done $0x0  }
0x22: {  	[sflag:s11] =	ssyncadd.s32 $0xFFFFC000  }
0x23: {  	[hbm4b:s14+s2] =	stream.linear.scatter [tilespmem:s10], [sflag:$0x2], $0x4000, $0x38;
	[tilespmem:$0x4480] =	vst v63  }
0x24: {  	s14 =	smov.u32 s15;
	_ =	swait.ge [sflag:s7], $0x4000  }
0x25: {  	[sflag:s7] =	ssyncset.done $0x0  }
0x26: {  	s16 =	sadd.s32 s16, s6;
	[sflag:s7] =	ssyncadd.s32 $0xFFFFC000  }
0x27: {  	[tilespmem:s2], [sflag:$0x2] =	stream.linear.gather [hbm4b:s16+s2], $0x400, $0x38;
	[tilespmem:$0x4480] =	vst v63  }
0x28: {  	_ =	swait.ge [sflag:s7], $0x400  }
0x29: {  	[sflag:s7] =	ssyncset.done $0x0  }
0x2a: {  	[sflag:s7] =	ssyncadd.s32 $0xFFFFFC00  }
0x2b: {  	v0 =	vld [tilespmem:$0x380]  }
0x2c: {  	v1 =	vld [tilespmem:$0x280]  }
0x2d: {  	v2 =	vld [tilespmem:$0x300]  }
0x2e: {  	v3 =	vld [tilespmem:$0x180]  }
0x2f: {  	v4 =	vld [tilespmem:$0x0]  }
0x30: {  	v5 =	vld [tilespmem:$0x200];
	[tilespmem:$0x470] =	vst v0  }
0x31: {  	v0 =	vld [tilespmem:$0x100];
	[tilespmem:$0x450] =	vst v1  }
0x32: {  	v1 =	vld [tilespmem:$0x80];
	[tilespmem:$0x460] =	vst v2  }
.Ltmp0:
0x33: {  	[tilespmem:$0x430] =	vst v3;
	(pc) =	sbr.rel @p0 .LBB2_2-.Ltmp0, $4  }
0x34: {  	[tilespmem:$0x400] =	vst v4  }
0x35: {  	[tilespmem:$0x440] =	vst v5  }
0x36: {  	[tilespmem:$0x420] =	vst v0  }
0x37: {  	s15 =	sadd.s32 $0x800, s15;
	[tilespmem:$0x410] =	vst v1  }
0x38: {  	[tilespmem:s10], [sflag:$0x1] =	stream.indirect.gather [hbm4b:s3+s8], $0x80, s9, s8, $0xb8;
	[tilespmem:$0x4480] =	vst v63  }
0x39: {  	s12 =	sadd.s32 $0x1, s12;
	_ =	swait.ge [sflag:s11], $0x4000  }
0x3a: {  	p0 =	sne.s32 s12, s4;
	[sflag:s11] =	ssyncset.done $0x0  }
.Ltmp1:
0x3b: {  	[sflag:s11] =	ssyncadd.s32 $0xFFFFC000;
	(pc) =	sbr.rel @p0 .LBB2_1-.Ltmp1, $4  }
0x3c: {  	[hbm4b:s14+s2] =	stream.linear.scatter [tilespmem:s10], [sflag:$0x2], $0x4000, $0x38;
	[tilespmem:$0x4480] =	vst v63  }
0x3d: {  	_ =	swait.ge [sflag:s7], $0x4000  }
0x3e: {  	[sflag:s7] =	ssyncset.done $0x0  }
0x3f: {  	[sflag:s7] =	ssyncadd.s32 $0xFFFFC000  }
0x40: {  	_ =	sfence.sel $0x180000  }
0x41: {  	[bflag:$0x0] =	sbarrier.arrive $0xFFFF  }
0x42: {  	p0 =	sne.s32 s1, $0x0;
	_ =	strace $0x9000004D  }
0x43: {  	s0 =	sadd.s32 @!p0 $0x100000, s0;
	[bflag:$0x2] =	sbarrier.arrive $0xFFFF  }
0x44: {  	[sflag:s0] =	ssyncadd.tile.s32 @!p0 $0x1;
	_ =	shalt  }
.Lfunc_end2:
_tile_overlayer_lowered:
.L_overlay_start_2:
0x45: {  	(tag) =	ssettag $0x2  }
0x46: {  	s0 =	rddreg [dreg:$0x0];
	s2 =	stileid.u32  }
0x47: {  	s1 =	rddreg [dreg:$0x1];
	p0 =	sne.s32 s2, $0x0  }
0x48: {  	s3 =	rddreg [dreg:$0x2];
	[bflag:$0x3] =	sbarrier.arrive $0xFFFF;
	s2 =	simm.s32 @!p0 $0x1C02  }
0x49: {  	[timem:s3], [sflag:s2] =	dma.local @!p0 [hbm:s0], s1  }
0x4a: {  	s0 =	simm.s32 @!p0 $0x2  }
0x4b: {  	_ =	swait.ge @!p0 [sflag:s0], s1  }
0x4c: {  	s1 =	ssub.s32 @!p0 $0x0, s1;
	[sflag:s0] =	ssyncset.done @!p0 $0x0  }
0x4d: {  	[sflag:s0] =	ssyncadd.s32 @!p0 s1  }
0x4e: {  	[bflag:$0x3] =	sbarrier.arrive $0xFFFF  }
0x4f: {  	_ =	shalt  }

// kernel: kernel.21.cloned.1.call-start
scs
__scs_entry_jumppad:
0x0: {  	(pc) =	sbr.rel $0x88, $3  }
0x1: {  	(tag) =	ssettag $0x0;
	lr =	simm.s32 $0x1  }
0x2: {  	[smem:$0x3F9C] =	sst lr;
	_ =	strace $0xD0000000  }
0x3: {  	_ = 	snop  }
0x4: {  	_ = 	snop  }
0x5: {  	_ = 	snop  }
0x6: {  	_ = 	snop  }
0x7: {  	_ = 	snop  }
__scs_overlays_trampoline_lowered:
0x8: {  	[smem:$0x3FAB] =	sst s0  }
0x9: {  	[smem:$0x3FAC] =	sst s1  }
0xa: {  	[smem:$0x3FAD] =	sst s2  }
0xb: {  	[smem:$0x3FAE] =	sst s3  }
0xc: {  	[smem:$0x3FAF] =	sst s4  }
0xd: {  	[smem:$0x3FB0] =	sst s5  }
0xe: {  	[smem:$0x3FB1] =	sst s6  }
0xf: {  	[smem:$0x3FB2] =	sst s7  }
0x10: {  	[smem:$0x3FB3] =	sst s8  }
0x11: {  	[smem:$0x3FB4] =	sst s9;
	s0 =	simm.s32 @!p0 $0x0  }
0x12: {  	s1 =	sld [smem:$0x3F9A];
	s0 =	simm.s32 @p0 $0x1  }
0x13: {  	[smem:$0x3FB5] =	sst s0;
	s0 =	simm.s32 @!p1 $0x0  }
0x14: {  	s2 =	sld [smem:$0x3F99];
	s0 =	simm.s32 @p1 $0x1  }
0x15: {  	[smem:$0x3FB6] =	sst s0;
	s0 =	simm.s32 @!p2 $0x0  }
0x16: {  	s3 =	sld [smem:$0x3FDB];
	s0 =	simm.s32 @p2 $0x1  }
0x17: {  	s4 =	simm.s32 $0x1BF5;
	[smem:$0x3FB8] =	sst s0  }
0x18: {  	s0 =	sld [smem:$0x3F9B];
	_ =	swait.ge [sflag:s4], $0x0  }
0x19: {  	s7 =	sld [smem:$0x3F9C]  }
0x1a: {  	s8 =	sadd.s32 $0xFFFFE003, lr  }
0x1b: {  	s9 =	sadd.s32 $0xFFFFFEF7, lr;
	s5 =	simm.s32 $0xFFFFFFFF;
	p2 =	slt.u32 s8, $0xFFFFF086  }
0x1c: {  	p1 =	slt.u32 s9, $0xF7A;
	s5 =	simm.s32 @!p2 $0x0  }
0x1d: {  	s5 =	simm.s32 @p1 $0x1;
	p0 =	seq.s32 s7, s2  }
0x1e: {  	s7 =	smul.u32 @!p0 $0xF7A, s2;
	p2 =	seq.s32 @!p0 s5, $0x0  }
0x1f: {  	s9 =	smul.u32 $0xF7A, s1;
	s8 =	simm.s32 @!p0 $0x1BF5;
	p2 =	por !p2, p0  }
0x20: {  	[sflag:s8] =	ssyncset.s32 @!p0 $0xFFFFF086;
	s6 =	sadd.s32 @!p0 s3, s7;
	s7 =	simm.s32 @!p0 $0x108  }
0x21: {  	s3 =	sadd.s32 s3, s9;
	s6 =	sadd.s32 @!p0 $0x88, s6;
	s7 =	simm.s32 @p2 $0x1082  }
0x22: {  	[simem:s7], [sflag:s8] =	dma.local @!p0 [hbm:s6], $0xF7A  }
0x23: {  	s9 =	sor.u32 $0xD0000000, s2;
	s6 =	simm.s32 $0x108;
	_ =	swait.ge @!p0 [sflag:s8], $0x0  }
0x24: {  	s3 =	sadd.s32 $0x88, s3;
	s6 =	simm.s32 @!p1 $0x1082;
	[sflag:s4] =	ssyncset.s32 $0xFFFFF086  }
0x25: {  	[simem:s6], [sflag:s4] =	dma.local [hbm:s3], $0xF7A  }
0x26: {  	[smem:$0x3F9C] =	sst s1;
	(tag) =	ssettag s2;
	_ =	strace s9  }
0x27: {  	s1 =	sld [smem:$0x3FAC]  }
0x28: {  	s2 =	sld [smem:$0x3FAD]  }
0x29: {  	s4 =	sld [smem:$0x3FAF]  }
0x2a: {  	p0 =	seq.s32 s5, $0x0;
	s5 =	sld [smem:$0x3FB0]  }
0x2b: {  	s6 =	sld [smem:$0x3FB1]  }
0x2c: {  	s7 =	sld [smem:$0x3FB2]  }
0x2d: {  	s3 =	simm.s32 $0x108;
	s8 =	sld [smem:$0x3FB3]  }
0x2e: {  	s3 =	simm.s32 @!p0 $0x1082;
	s9 =	sld [smem:$0x3FB4]  }
0x2f: {  	lr =	sadd.s32 s0, s3;
	s0 =	sld [smem:$0x3FAB]  }
0x30: {  	s3 =	sld [smem:$0x3FAE]  }
0x31: {  	[smem:$0x3FB7] =	sst s10  }
0x32: {  	s10 =	sld [smem:$0x3FB5];
	_ =	sdelay $0x3  }
0x33: {  	p0 =	seq.s32 s10, $0x1;
	s10 =	sld [smem:$0x3FB7];
	_ =	sdelay $0x3  }
0x34: {  	[smem:$0x3FB7] =	sst s10  }
0x35: {  	s10 =	sld [smem:$0x3FB6];
	_ =	sdelay $0x3  }
0x36: {  	p1 =	seq.s32 s10, $0x1;
	s10 =	sld [smem:$0x3FB7];
	_ =	sdelay $0x3  }
0x37: {  	[smem:$0x3FB7] =	sst s10  }
0x38: {  	s10 =	sld [smem:$0x3FB8]  }
0x39: {  	_ = 	snop;
	(pc) =	sbr.ind lr, $3  }
0x3a: {  	_ = 	snop  }
0x3b: {  	_ = 	snop  }
0x3c: {  	p2 =	seq.s32 s10, $0x1;
	s10 =	sld [smem:$0x3FB7]  }
0x3d: {  	_ =	shalt  }
0x3e: {  	_ =	shalt  }
0x3f: {  	_ =	shalt  }
0x40: {  	_ =	shalt  }
0x41: {  	_ =	shalt  }
0x42: {  	_ =	shalt  }
0x43: {  	_ =	shalt  }
0x44: {  	_ =	shalt  }
0x45: {  	_ =	shalt  }
0x46: {  	_ =	shalt  }
0x47: {  	_ =	shalt  }
0x48: {  	_ =	shalt  }
0x49: {  	_ =	shalt  }
0x4a: {  	_ =	shalt  }
0x4b: {  	_ =	shalt  }
0x4c: {  	_ =	shalt  }
0x4d: {  	_ =	shalt  }
0x4e: {  	_ =	shalt  }
0x4f: {  	_ =	shalt  }
0x50: {  	_ =	shalt  }
0x51: {  	_ =	shalt  }
0x52: {  	_ =	shalt  }
0x53: {  	_ =	shalt  }
0x54: {  	_ =	shalt  }
0x55: {  	_ =	shalt  }
0x56: {  	_ =	shalt  }
0x57: {  	_ =	shalt  }
0x58: {  	_ =	shalt  }
0x59: {  	_ =	shalt  }
0x5a: {  	_ =	shalt  }
0x5b: {  	_ =	shalt  }
0x5c: {  	_ =	shalt  }
0x5d: {  	_ =	shalt  }
0x5e: {  	_ =	shalt  }
0x5f: {  	_ =	shalt  }
0x60: {  	_ =	shalt  }
0x61: {  	_ =	shalt  }
0x62: {  	_ =	shalt  }
0x63: {  	_ =	shalt  }
0x64: {  	_ =	shalt  }
0x65: {  	_ =	shalt  }
0x66: {  	_ =	shalt  }
0x67: {  	_ =	shalt  }
0x68: {  	_ =	shalt  }
0x69: {  	_ =	shalt  }
0x6a: {  	_ =	shalt  }
0x6b: {  	_ =	shalt  }
0x6c: {  	_ =	shalt  }
0x6d: {  	_ =	shalt  }
0x6e: {  	_ =	shalt  }
0x6f: {  	_ =	shalt  }
0x70: {  	_ =	shalt  }
0x71: {  	_ =	shalt  }
0x72: {  	_ =	shalt  }
0x73: {  	_ =	shalt  }
0x74: {  	_ =	shalt  }
0x75: {  	_ =	shalt  }
0x76: {  	_ =	shalt  }
0x77: {  	_ =	shalt  }
0x78: {  	_ =	shalt  }
0x79: {  	_ =	shalt  }
0x7a: {  	_ =	shalt  }
0x7b: {  	_ =	shalt  }
0x7c: {  	_ =	shalt  }
0x7d: {  	_ =	shalt  }
0x7e: {  	_ =	shalt  }
0x7f: {  	_ =	shalt  }
0x80: {  	_ =	shalt  }
0x81: {  	_ =	shalt  }
0x82: {  	_ =	shalt  }
0x83: {  	_ =	shalt  }
0x84: {  	_ =	shalt  }
0x85: {  	_ =	shalt  }
0x86: {  	_ =	shalt  }
0x87: {  	_ =	shalt  }
.Lfunc_end0:
.L_simem_size_0:
called_computation.2_lowered:
.L_overlay_start_0:
0x88: {  	s2 =	sld [smem:$0x3FD9]  }
0x89: {  	s3 =	sld [smem:$0x3FFE];
	_ =	sdelay $0x1  }
0x8a: {  	s1 =	srdreg.scid  }
0x8b: {  	s0 =	sand.u32 $0x1, s1  }
0x8c: {  	s17 =	sshll.u32 s0, $0xA;
	s2 =	sadd.s32 s3, s2  }
0x8d: {  	s2 =	sadd.s32 s2, s17  }
0x8e: {  	[smem:$0x3FC3] =	sst s2  }
0x8f: {  	_ = 	snop  }
0x90: {  	(tm) =	ssettm $0x1  }
0x91: {  	s18 =	sld [smem:$0x3FFB];
	_ =	sdelay $0x3  }
0x92: {  	_ =	strace s18  }
0x93: {  	s2 =	sld [smem:$0x3FFC];
	_ =	sdelay $0x3  }
0x94: {  	_ =	strace s2  }
0x95: {  	s2 =	sld [smem:$0x3FFD];
	_ =	sdelay $0x3  }
0x96: {  	_ =	strace s2  }
0x97: {  	_ =	strace $0x8FFFFFFF  }
0x98: {  	s19 =	sld [smem:$0x3FDB];
	_ =	sdelay $0x1  }
0x99: {  	s20 =	simm.s32 $_scs_section_size  }
0x9a: {  	s4 =	simm.s32 $_size__tile_overlayer_lowered;
	s5 =	simm.s32 $_tile_overlayer_lowered  }
0x9b: {  	s6 =	simm.s32 $0x1BFF;
	s21 =	sshll.u32 s5, $0x1;
	s3 =	sadd.s32 s20, s19  }
0x9c: {  	s22 =	simm.s32 $0x0;
	s4 =	sshll.u32 s4, $0x1;
	s5 =	sadd.s32 s21, s3  }
0x9d: {  	[timem:s22], [sflag:s6] =	dma.local [hbm:s5], s4  }
0x9e: {  	_ =	swait.ge [sflag:s6], s4  }
0x9f: {  	s4 =	ssub.s32 $0x0, s4;
	[sflag:s6] =	ssyncset.done $0x0  }
0xa0: {  	[sflag:s6] =	ssyncadd.s32 s4;
	_ =	sdelay $0x1  }
0xa1: {  	s23 =	simm.s32 $0x1B8B  }
0xa2: {  	_ =	swait.ge [sflag:s23], $0x1  }
0xa3: {  	[sflag:s23] =	ssyncset.done $0x0  }
0xa4: {  	[sflag:s23] =	ssyncadd.s32 $0xFFFFFFFF  }
0xa5: {  	s4 =	sld [smem:$0x0]  }
0xa6: {  	s5 =	sand.u32 $0xFFFFFFFE, s1  }
0xa7: {  	p0 =	sne.s32 s1, s5  }
0xa8: {  	s5 =	sshll.u32 @p0 s5, $0xE  }
0xa9: {  	s5 =	sadd.s32 @p0 $0x11B8D, s5;
	s6 =	sshll.u32 @p0 s4, $0x11  }
0xaa: {  	s5 =	sor.u32 @p0 s6, s5  }
0xab: {  	[sflag:s5] =	ssyncadd.remote.s32 @p0 $0x1;
	_ =	sdelay $0x1  }
0xac: {  	s5 =	simm.s32 @p0 $0x1B8D  }
0xad: {  	_ =	swait.eq @p0 [sflag:s5], $0x1  }
0xae: {  	[sflag:s5] =	ssyncadd.s32 @p0 $0xFFFFFFFF  }
0xaf: {  	s6 =	sshll.u32 @!p0 s1, $0xE  }
0xb0: {  	s6 =	sor.u32 @!p0 $0x4000, s6;
	s5 =	simm.s32 @!p0 $0x1B8D  }
0xb1: {  	s4 =	sshll.u32 @!p0 s4, $0x11;
	s6 =	sadd.s32 @!p0 $0x11B8D, s6;
	_ =	swait.eq @!p0 [sflag:s5], $0x1  }
0xb2: {  	s4 =	sor.u32 @!p0 s4, s6;
	[sflag:s5] =	ssyncadd.s32 @!p0 $0xFFFFFFFF  }
0xb3: {  	s25 =	simm.s32 $0x1B8E;
	s24 =	sld [smem:$0x3FFE];
	[sflag:s4] =	ssyncadd.remote.s32 @!p0 $0x1  }
0xb4: {  	s26 =	simm.s32 $execute0_lowered;
	[smem:$0x3FD2] =	sst s25  }
0xb5: {  	s5 =	sshll.u32 s26, $0x1;
	_ =	strace $0x80000049;
	[dreg:$0x1] =	wrdreg $0xFFFFFFFF  }
0xb6: {  	s28 =	simm.s32 $_size_execute0_lowered;
	s3 =	sadd.s32 s3, s5;
	[dreg:$0x0] =	wrdreg $0x0  }
0xb7: {  	s5 =	sshll.u32 s28, $0x1;
	[dreg:$0x2] =	wrdreg s3  }
0xb8: {  	[dreg:$0x3] =	wrdreg s5  }
0xb9: {  	[dreg:$0x4] =	wrdreg $0xC0  }
0xba: {  	_ =	task [dreg:s22], $0x5FFFF  }
0xbb: {  	[dreg:$0x1] =	wrdreg $0xFFFFFFFF  }
0xbc: {  	[dreg:$0x0] =	wrdreg $0x60  }
0xbd: {  	[dreg:$0x2] =	wrdreg s24  }
0xbe: {  	[dreg:$0x3] =	wrdreg $0xB  }
0xbf: {  	_ =	task.clear_ibuf [dreg:s22], $0x4FFFF;
	_ =	strace $0x90000049  }
0xc0: {  	s29 =	simm.s32 $0xB;
	_ =	strace $0x8000004B  }
0xc1: {  	_ =	swait.ge [sflag:s29], $0x1  }
0xc2: {  	[sflag:s29] =	ssyncadd.s32 $0xFFFFFFFF  }
0xc3: {  	_ =	strace $0x9000004B  }
0xc4: {  	_ =	sfence  }
0xc5: {  	s30 =	sld [smem:$0x0];
	_ =	sdelay $0x2  }
0xc6: {  	s31 =	sshll.u32 s1, $0xD;
	s1 =	sshrl.u32 s1, $0x2  }
0xc7: {  	s4 =	sand.u32 $0x4000, s31;
	s1 =	sadd.s32 s1, s30  }
0xc8: {  	s0 =	sor.u32 s4, s0;
	s1 =	sshll.u32 s1, $0x11  }
0xc9: {  	s0 =	sor.u32 s1, s0  }
0xca: {  	s0 =	sadd.s32 $0x8F2B, s0  }
0xcb: {  	[sflag:s0] =	ssyncadd.remote.s32 $0x1  }
0xcc: {  	_ =	sfence.sel $0xFFFF  }
0xcd: {  	[dreg:$0x0] =	wrdreg $0xFFFFFFFF;
	(pc) =	sbr.abs _section_cstart, $3  }
0xce: {  	[dreg:$0x1] =	wrdreg $0xFFFFFFFF  }
0xcf: {  	_ =	task.clear_ibuf [dreg:s22], $0x2FFFF;
	_ =	strace $0x9FFFFFFF  }
0xd0: {  	(tm) =	ssettm $0x7FFFFFFF  }
0xd1: {  	_ =	shalt  }
tec
execute0_lowered:
.L_overlay_start_1:
0x0: {  	(tag) =	ssettag $0x1  }
0x1: {  	s4 =	rddreg [dreg:$0x0]  }
0x2: {  	s0 =	rddreg [dreg:$0x1]  }
0x3: {  	s2 =	simm.s32 $0x0;
	s1 =	stileid.u32;
	s5 =	srdreg.scid  }
0x4: {  	s10 =	simm.s32 $0x480;
	s11 =	simm.s32 $0x1;
	s12 =	simm.s32 $0x0  }
0x5: {  	[smem:$0x7FF] =	sst s2;
	s3 =	sshll.u32 s1, $0xC;
	s7 =	sshll.u32 s1, $0x10  }
0x6: {  	s5 =	sand.u32 $0x1, s5;
	_ =	strace $0x8000004A;
	s6 =	sadd.s32 s3, s4  }
0x7: {  	s3 =	sadd.s32 $0x144000, s4;
	s4 =	sadd.s32 s7, s4;
	s30 =	ssub.s32 $0x2, s5  }
0x8: {  	s9 =	sshll.u32 s5, $0xF;
	s5 =	sshll.u32 s5, $0xB;
	s8 =	sshrl.u32 s30, $0x1  }
0x9: {  	s31 =	sadd.s32 s9, s4;
	s6 =	sadd.s32 s5, s6;
	s9 =	simm.s32 $0x400  }
0xa: {  	s7 =	ssub.s32 s30, s8;
	s5 =	sadd.s32 $0x154000, s31;
	s6 =	sadd.s32 $0x134000, s6  }
0xb: {  	s8 =	simm.s32 $0x80;
	s4 =	smax.u32 s7, $0x1;
	s7 =	simm.s32 $0x2  }
.LBB2_1:
0xc: {  	s13 =	sadd.s32 $0x0, s6  }
0xd: {  	[tilespmem:s2], [sflag:$0x2] =	stream.linear.gather [hbm4b:s13+s2], $0x400, $0x38;
	[tilespmem:$0x4480] =	vst v63  }
0xe: {  	_ =	swait.ge [sflag:s7], $0x400  }
0xf: {  	[sflag:s7] =	ssyncset.done $0x0  }
0x10: {  	[sflag:s7] =	ssyncadd.s32 $0xFFFFFC00  }
0x11: {  	v0 =	vld [tilespmem:$0x380]  }
0x12: {  	v1 =	vld [tilespmem:$0x280]  }
0x13: {  	v2 =	vld [tilespmem:$0x300]  }
0x14: {  	v3 =	vld [tilespmem:$0x180]  }
0x15: {  	v4 =	vld [tilespmem:$0x0]  }
0x16: {  	v5 =	vld [tilespmem:$0x200];
	[tilespmem:$0x470] =	vst v0  }
0x17: {  	v62 =	vld [tilespmem:$0x100];
	[tilespmem:$0x450] =	vst v1  }
0x18: {  	v63 =	vld [tilespmem:$0x80];
	[tilespmem:$0x460] =	vst v2  }
0x19: {  	[tilespmem:$0x430] =	vst v3  }
0x1a: {  	[tilespmem:$0x400] =	vst v4  }
0x1b: {  	[tilespmem:$0x440] =	vst v5  }
0x1c: {  	[tilespmem:$0x420] =	vst v62  }
0x1d: {  	s15 =	sadd.s32 $0x800, s5;
	s14 =	smov.u32 s5;
	s13 =	simm.s32 $0x80;
	[tilespmem:$0x410] =	vst v63  }
.LBB2_2:
0x1e: {  	[tilespmem:s10], [sflag:$0x1] =	stream.indirect.gather [hbm4b:s3+s8], $0x80, s9, s8, $0xb8;
	[tilespmem:$0x4480] =	vst v63  }
0x1f: {  	s16 =	smov.u32 s13  }
0x20: {  	p0 =	sne.s32 s13, $0x780;
	s13 =	sadd.s32 $0x80, s13;
	_ =	swait.ge [sflag:s11], $0x4000  }
0x21: {  	[sflag:s11] =	ssyncset.done $0x0  }
0x22: {  	[sflag:s11] =	ssyncadd.s32 $0xFFFFC000  }
0x23: {  	[hbm4b:s14+s2] =	stream.linear.scatter [tilespmem:s10], [sflag:$0x2], $0x4000, $0x38;
	[tilespmem:$0x4480] =	vst v63  }
0x24: {  	s14 =	smov.u32 s15;
	_ =	swait.ge [sflag:s7], $0x4000  }
0x25: {  	[sflag:s7] =	ssyncset.done $0x0  }
0x26: {  	s16 =	sadd.s32 s16, s6;
	[sflag:s7] =	ssyncadd.s32 $0xFFFFC000  }
0x27: {  	[tilespmem:s2], [sflag:$0x2] =	stream.linear.gather [hbm4b:s16+s2], $0x400, $0x38;
	[tilespmem:$0x4480] =	vst v63  }
0x28: {  	_ =	swait.ge [sflag:s7], $0x400  }
0x29: {  	[sflag:s7] =	ssyncset.done $0x0  }
0x2a: {  	[sflag:s7] =	ssyncadd.s32 $0xFFFFFC00  }
0x2b: {  	v0 =	vld [tilespmem:$0x380]  }
0x2c: {  	v1 =	vld [tilespmem:$0x280]  }
0x2d: {  	v2 =	vld [tilespmem:$0x300]  }
0x2e: {  	v3 =	vld [tilespmem:$0x180]  }
0x2f: {  	v4 =	vld [tilespmem:$0x0]  }
0x30: {  	v5 =	vld [tilespmem:$0x200];
	[tilespmem:$0x470] =	vst v0  }
0x31: {  	v0 =	vld [tilespmem:$0x100];
	[tilespmem:$0x450] =	vst v1  }
0x32: {  	v1 =	vld [tilespmem:$0x80];
	[tilespmem:$0x460] =	vst v2  }
.Ltmp0:
0x33: {  	[tilespmem:$0x430] =	vst v3;
	(pc) =	sbr.rel @p0 .LBB2_2-.Ltmp0, $4  }
0x34: {  	[tilespmem:$0x400] =	vst v4  }
0x35: {  	[tilespmem:$0x440] =	vst v5  }
0x36: {  	[tilespmem:$0x420] =	vst v0  }
0x37: {  	s15 =	sadd.s32 $0x800, s15;
	[tilespmem:$0x410] =	vst v1  }
0x38: {  	[tilespmem:s10], [sflag:$0x1] =	stream.indirect.gather [hbm4b:s3+s8], $0x80, s9, s8, $0xb8;
	[tilespmem:$0x4480] =	vst v63  }
0x39: {  	s12 =	sadd.s32 $0x1, s12;
	_ =	swait.ge [sflag:s11], $0x4000  }
0x3a: {  	p0 =	sne.s32 s12, s4;
	[sflag:s11] =	ssyncset.done $0x0  }
.Ltmp1:
0x3b: {  	[sflag:s11] =	ssyncadd.s32 $0xFFFFC000;
	(pc) =	sbr.rel @p0 .LBB2_1-.Ltmp1, $4  }
0x3c: {  	[hbm4b:s14+s2] =	stream.linear.scatter [tilespmem:s10], [sflag:$0x2], $0x4000, $0x38;
	[tilespmem:$0x4480] =	vst v63  }
0x3d: {  	_ =	swait.ge [sflag:s7], $0x4000  }
0x3e: {  	[sflag:s7] =	ssyncset.done $0x0  }
0x3f: {  	[sflag:s7] =	ssyncadd.s32 $0xFFFFC000  }
0x40: {  	_ =	sfence.sel $0x180000  }
0x41: {  	[bflag:$0x0] =	sbarrier.arrive $0xFFFF  }
0x42: {  	p0 =	sne.s32 s1, $0x0;
	_ =	strace $0x9000004A  }
0x43: {  	s0 =	sadd.s32 @!p0 $0x100000, s0;
	[bflag:$0x2] =	sbarrier.arrive $0xFFFF  }
0x44: {  	[sflag:s0] =	ssyncadd.tile.s32 @!p0 $0x1;
	_ =	shalt  }
.Lfunc_end2:
_tile_overlayer_lowered:
.L_overlay_start_2:
0x45: {  	(tag) =	ssettag $0x2  }
0x46: {  	s0 =	rddreg [dreg:$0x0];
	s2 =	stileid.u32  }
0x47: {  	s1 =	rddreg [dreg:$0x1];
	p0 =	sne.s32 s2, $0x0  }
0x48: {  	s3 =	rddreg [dreg:$0x2];
	[bflag:$0x3] =	sbarrier.arrive $0xFFFF;
	s2 =	simm.s32 @!p0 $0x1C02  }
0x49: {  	[timem:s3], [sflag:s2] =	dma.local @!p0 [hbm:s0], s1  }
0x4a: {  	s0 =	simm.s32 @!p0 $0x2  }
0x4b: {  	_ =	swait.ge @!p0 [sflag:s0], s1  }
0x4c: {  	s1 =	ssub.s32 @!p0 $0x0, s1;
	[sflag:s0] =	ssyncset.done @!p0 $0x0  }
0x4d: {  	[sflag:s0] =	ssyncadd.s32 @!p0 s1  }
0x4e: {  	[bflag:$0x3] =	sbarrier.arrive $0xFFFF  }
0x4f: {  	_ =	shalt  }

// kernel: kernel.24.cloned.1.call-start
scs
__scs_entry_jumppad:
0x0: {  	(pc) =	sbr.rel $0x88, $3  }
0x1: {  	(tag) =	ssettag $0x0;
	lr =	simm.s32 $0x1  }
0x2: {  	[smem:$0x3F9C] =	sst lr;
	_ =	strace $0xD0000000  }
0x3: {  	_ = 	snop  }
0x4: {  	_ = 	snop  }
0x5: {  	_ = 	snop  }
0x6: {  	_ = 	snop  }
0x7: {  	_ = 	snop  }
__scs_overlays_trampoline_lowered:
0x8: {  	[smem:$0x3FAB] =	sst s0  }
0x9: {  	[smem:$0x3FAC] =	sst s1  }
0xa: {  	[smem:$0x3FAD] =	sst s2  }
0xb: {  	[smem:$0x3FAE] =	sst s3  }
0xc: {  	[smem:$0x3FAF] =	sst s4  }
0xd: {  	[smem:$0x3FB0] =	sst s5  }
0xe: {  	[smem:$0x3FB1] =	sst s6  }
0xf: {  	[smem:$0x3FB2] =	sst s7  }
0x10: {  	[smem:$0x3FB3] =	sst s8  }
0x11: {  	[smem:$0x3FB4] =	sst s9;
	s0 =	simm.s32 @!p0 $0x0  }
0x12: {  	s1 =	sld [smem:$0x3F9A];
	s0 =	simm.s32 @p0 $0x1  }
0x13: {  	[smem:$0x3FB5] =	sst s0;
	s0 =	simm.s32 @!p1 $0x0  }
0x14: {  	s2 =	sld [smem:$0x3F99];
	s0 =	simm.s32 @p1 $0x1  }
0x15: {  	[smem:$0x3FB6] =	sst s0;
	s0 =	simm.s32 @!p2 $0x0  }
0x16: {  	s3 =	sld [smem:$0x3FDB];
	s0 =	simm.s32 @p2 $0x1  }
0x17: {  	s4 =	simm.s32 $0x1BF5;
	[smem:$0x3FB8] =	sst s0  }
0x18: {  	s0 =	sld [smem:$0x3F9B];
	_ =	swait.ge [sflag:s4], $0x0  }
0x19: {  	s7 =	sld [smem:$0x3F9C]  }
0x1a: {  	s8 =	sadd.s32 $0xFFFFE003, lr  }
0x1b: {  	s9 =	sadd.s32 $0xFFFFFEF7, lr;
	s5 =	simm.s32 $0xFFFFFFFF;
	p2 =	slt.u32 s8, $0xFFFFF086  }
0x1c: {  	p1 =	slt.u32 s9, $0xF7A;
	s5 =	simm.s32 @!p2 $0x0  }
0x1d: {  	s5 =	simm.s32 @p1 $0x1;
	p0 =	seq.s32 s7, s2  }
0x1e: {  	s7 =	smul.u32 @!p0 $0xF7A, s2;
	p2 =	seq.s32 @!p0 s5, $0x0  }
0x1f: {  	s9 =	smul.u32 $0xF7A, s1;
	s8 =	simm.s32 @!p0 $0x1BF5;
	p2 =	por !p2, p0  }
0x20: {  	[sflag:s8] =	ssyncset.s32 @!p0 $0xFFFFF086;
	s6 =	sadd.s32 @!p0 s3, s7;
	s7 =	simm.s32 @!p0 $0x108  }
0x21: {  	s3 =	sadd.s32 s3, s9;
	s6 =	sadd.s32 @!p0 $0x88, s6;
	s7 =	simm.s32 @p2 $0x1082  }
0x22: {  	[simem:s7], [sflag:s8] =	dma.local @!p0 [hbm:s6], $0xF7A  }
0x23: {  	s9 =	sor.u32 $0xD0000000, s2;
	s6 =	simm.s32 $0x108;
	_ =	swait.ge @!p0 [sflag:s8], $0x0  }
0x24: {  	s3 =	sadd.s32 $0x88, s3;
	s6 =	simm.s32 @!p1 $0x1082;
	[sflag:s4] =	ssyncset.s32 $0xFFFFF086  }
0x25: {  	[simem:s6], [sflag:s4] =	dma.local [hbm:s3], $0xF7A  }
0x26: {  	[smem:$0x3F9C] =	sst s1;
	(tag) =	ssettag s2;
	_ =	strace s9  }
0x27: {  	s1 =	sld [smem:$0x3FAC]  }
0x28: {  	s2 =	sld [smem:$0x3FAD]  }
0x29: {  	s4 =	sld [smem:$0x3FAF]  }
0x2a: {  	p0 =	seq.s32 s5, $0x0;
	s5 =	sld [smem:$0x3FB0]  }
0x2b: {  	s6 =	sld [smem:$0x3FB1]  }
0x2c: {  	s7 =	sld [smem:$0x3FB2]  }
0x2d: {  	s3 =	simm.s32 $0x108;
	s8 =	sld [smem:$0x3FB3]  }
0x2e: {  	s3 =	simm.s32 @!p0 $0x1082;
	s9 =	sld [smem:$0x3FB4]  }
0x2f: {  	lr =	sadd.s32 s0, s3;
	s0 =	sld [smem:$0x3FAB]  }
0x30: {  	s3 =	sld [smem:$0x3FAE]  }
0x31: {  	[smem:$0x3FB7] =	sst s10  }
0x32: {  	s10 =	sld [smem:$0x3FB5];
	_ =	sdelay $0x3  }
0x33: {  	p0 =	seq.s32 s10, $0x1;
	s10 =	sld [smem:$0x3FB7];
	_ =	sdelay $0x3  }
0x34: {  	[smem:$0x3FB7] =	sst s10  }
0x35: {  	s10 =	sld [smem:$0x3FB6];
	_ =	sdelay $0x3  }
0x36: {  	p1 =	seq.s32 s10, $0x1;
	s10 =	sld [smem:$0x3FB7];
	_ =	sdelay $0x3  }
0x37: {  	[smem:$0x3FB7] =	sst s10  }
0x38: {  	s10 =	sld [smem:$0x3FB8]  }
0x39: {  	_ = 	snop;
	(pc) =	sbr.ind lr, $3  }
0x3a: {  	_ = 	snop  }
0x3b: {  	_ = 	snop  }
0x3c: {  	p2 =	seq.s32 s10, $0x1;
	s10 =	sld [smem:$0x3FB7]  }
0x3d: {  	_ =	shalt  }
0x3e: {  	_ =	shalt  }
0x3f: {  	_ =	shalt  }
0x40: {  	_ =	shalt  }
0x41: {  	_ =	shalt  }
0x42: {  	_ =	shalt  }
0x43: {  	_ =	shalt  }
0x44: {  	_ =	shalt  }
0x45: {  	_ =	shalt  }
0x46: {  	_ =	shalt  }
0x47: {  	_ =	shalt  }
0x48: {  	_ =	shalt  }
0x49: {  	_ =	shalt  }
0x4a: {  	_ =	shalt  }
0x4b: {  	_ =	shalt  }
0x4c: {  	_ =	shalt  }
0x4d: {  	_ =	shalt  }
0x4e: {  	_ =	shalt  }
0x4f: {  	_ =	shalt  }
0x50: {  	_ =	shalt  }
0x51: {  	_ =	shalt  }
0x52: {  	_ =	shalt  }
0x53: {  	_ =	shalt  }
0x54: {  	_ =	shalt  }
0x55: {  	_ =	shalt  }
0x56: {  	_ =	shalt  }
0x57: {  	_ =	shalt  }
0x58: {  	_ =	shalt  }
0x59: {  	_ =	shalt  }
0x5a: {  	_ =	shalt  }
0x5b: {  	_ =	shalt  }
0x5c: {  	_ =	shalt  }
0x5d: {  	_ =	shalt  }
0x5e: {  	_ =	shalt  }
0x5f: {  	_ =	shalt  }
0x60: {  	_ =	shalt  }
0x61: {  	_ =	shalt  }
0x62: {  	_ =	shalt  }
0x63: {  	_ =	shalt  }
0x64: {  	_ =	shalt  }
0x65: {  	_ =	shalt  }
0x66: {  	_ =	shalt  }
0x67: {  	_ =	shalt  }
0x68: {  	_ =	shalt  }
0x69: {  	_ =	shalt  }
0x6a: {  	_ =	shalt  }
0x6b: {  	_ =	shalt  }
0x6c: {  	_ =	shalt  }
0x6d: {  	_ =	shalt  }
0x6e: {  	_ =	shalt  }
0x6f: {  	_ =	shalt  }
0x70: {  	_ =	shalt  }
0x71: {  	_ =	shalt  }
0x72: {  	_ =	shalt  }
0x73: {  	_ =	shalt  }
0x74: {  	_ =	shalt  }
0x75: {  	_ =	shalt  }
0x76: {  	_ =	shalt  }
0x77: {  	_ =	shalt  }
0x78: {  	_ =	shalt  }
0x79: {  	_ =	shalt  }
0x7a: {  	_ =	shalt  }
0x7b: {  	_ =	shalt  }
0x7c: {  	_ =	shalt  }
0x7d: {  	_ =	shalt  }
0x7e: {  	_ =	shalt  }
0x7f: {  	_ =	shalt  }
0x80: {  	_ =	shalt  }
0x81: {  	_ =	shalt  }
0x82: {  	_ =	shalt  }
0x83: {  	_ =	shalt  }
0x84: {  	_ =	shalt  }
0x85: {  	_ =	shalt  }
0x86: {  	_ =	shalt  }
0x87: {  	_ =	shalt  }
.Lfunc_end0:
.L_simem_size_0:
called_computation.3_lowered:
.L_overlay_start_0:
0x88: {  	s2 =	sld [smem:$0x3FD9]  }
0x89: {  	s3 =	sld [smem:$0x3FFE];
	_ =	sdelay $0x1  }
0x8a: {  	s1 =	srdreg.scid  }
0x8b: {  	s0 =	sand.u32 $0x1, s1  }
0x8c: {  	s16 =	sshll.u32 s0, $0xA;
	s2 =	sadd.s32 s3, s2  }
0x8d: {  	s2 =	sadd.s32 s2, s16  }
0x8e: {  	[smem:$0x3FC3] =	sst s2  }
0x8f: {  	_ = 	snop  }
0x90: {  	(tm) =	ssettm $0x1  }
0x91: {  	s17 =	sld [smem:$0x3FFB];
	_ =	sdelay $0x3  }
0x92: {  	_ =	strace s17  }
0x93: {  	s2 =	sld [smem:$0x3FFC];
	_ =	sdelay $0x3  }
0x94: {  	_ =	strace s2  }
0x95: {  	s2 =	sld [smem:$0x3FFD];
	_ =	sdelay $0x3  }
0x96: {  	_ =	strace s2  }
0x97: {  	_ =	strace $0x8FFFFFFF  }
0x98: {  	s18 =	sld [smem:$0x3FDB];
	_ =	sdelay $0x1  }
0x99: {  	s19 =	simm.s32 $_scs_section_size  }
0x9a: {  	s4 =	simm.s32 $_size__tile_overlayer_lowered;
	s5 =	simm.s32 $_tile_overlayer_lowered  }
0x9b: {  	s22 =	simm.s32 $0x1BFF;
	s21 =	sshll.u32 s5, $0x1;
	s2 =	sadd.s32 s19, s18  }
0x9c: {  	s6 =	simm.s32 $0x0;
	s20 =	sshll.u32 s4, $0x1;
	s4 =	sadd.s32 s21, s2  }
0x9d: {  	[timem:s6], [sflag:s22] =	dma.local [hbm:s4], s20  }
0x9e: {  	_ =	swait.ge [sflag:s22], s20  }
0x9f: {  	s3 =	ssub.s32 $0x0, s20;
	[sflag:s22] =	ssyncset.done $0x0  }
0xa0: {  	[sflag:s22] =	ssyncadd.s32 s3;
	_ =	sdelay $0x1  }
0xa1: {  	s23 =	simm.s32 $0x1B8B  }
0xa2: {  	_ =	swait.ge [sflag:s23], $0x1  }
0xa3: {  	[sflag:s23] =	ssyncset.done $0x0  }
0xa4: {  	s25 =	simm.s32 $0x1B8E;
	s24 =	sld [smem:$0x3FFE];
	[sflag:s23] =	ssyncadd.s32 $0xFFFFFFFF  }
0xa5: {  	s26 =	simm.s32 $execute0_lowered;
	[smem:$0x3FD2] =	sst s25  }
0xa6: {  	s4 =	sshll.u32 s26, $0x1;
	_ =	strace $0x80000046;
	[dreg:$0x1] =	wrdreg $0xFFFFFFFF  }
0xa7: {  	s28 =	simm.s32 $_size_execute0_lowered;
	s2 =	sadd.s32 s2, s4;
	[dreg:$0x0] =	wrdreg $0x0  }
0xa8: {  	s4 =	sshll.u32 s28, $0x1;
	[dreg:$0x2] =	wrdreg s2  }
0xa9: {  	[dreg:$0x3] =	wrdreg s4  }
0xaa: {  	[dreg:$0x4] =	wrdreg $0xC0  }
0xab: {  	_ =	task [dreg:s6], $0x5FFFF  }
0xac: {  	[dreg:$0x1] =	wrdreg $0xFFFFFFFF  }
0xad: {  	[dreg:$0x0] =	wrdreg $0x60  }
0xae: {  	[dreg:$0x2] =	wrdreg s24  }
0xaf: {  	[dreg:$0x3] =	wrdreg $0xC  }
0xb0: {  	_ =	task.clear_ibuf [dreg:s6], $0x4FFFF;
	_ =	strace $0x90000046  }
0xb1: {  	s29 =	simm.s32 $0xC;
	_ =	strace $0x80000048  }
0xb2: {  	_ =	swait.ge [sflag:s29], $0x1  }
0xb3: {  	[sflag:s29] =	ssyncadd.s32 $0xFFFFFFFF  }
0xb4: {  	_ =	strace $0x90000048  }
0xb5: {  	_ =	sfence  }
0xb6: {  	s30 =	sld [smem:$0x0];
	_ =	sdelay $0x2  }
0xb7: {  	s31 =	sshll.u32 s1, $0xD;
	s1 =	sshrl.u32 s1, $0x2  }
0xb8: {  	s3 =	sand.u32 $0x4000, s31;
	s1 =	sadd.s32 s1, s30  }
0xb9: {  	s0 =	sor.u32 s3, s0;
	s1 =	sshll.u32 s1, $0x11  }
0xba: {  	s0 =	sor.u32 s1, s0  }
0xbb: {  	s0 =	sadd.s32 $0x8F2B, s0  }
0xbc: {  	[sflag:s0] =	ssyncadd.remote.s32 $0x1  }
0xbd: {  	_ =	sfence.sel $0xFFFF  }
0xbe: {  	[dreg:$0x0] =	wrdreg $0xFFFFFFFF;
	(pc) =	sbr.abs _section_cstart, $3  }
0xbf: {  	[dreg:$0x1] =	wrdreg $0xFFFFFFFF  }
0xc0: {  	_ =	task.clear_ibuf [dreg:s6], $0x2FFFF;
	_ =	strace $0x9FFFFFFF  }
0xc1: {  	(tm) =	ssettm $0x7FFFFFFF  }
tec
execute0_lowered:
.L_overlay_start_1:
0x0: {  	(tag) =	ssettag $0x1  }
0x1: {  	s4 =	rddreg [dreg:$0x0]  }
0x2: {  	s0 =	rddreg [dreg:$0x1]  }
0x3: {  	s2 =	simm.s32 $0x0;
	s1 =	stileid.u32;
	s5 =	srdreg.scid  }
0x4: {  	s10 =	simm.s32 $0x480;
	s11 =	simm.s32 $0x1;
	s12 =	simm.s32 $0x0  }
0x5: {  	[smem:$0x7FF] =	sst s2;
	s3 =	sshll.u32 s1, $0xC;
	s7 =	sshll.u32 s1, $0x10  }
0x6: {  	s5 =	sand.u32 $0x1, s5;
	_ =	strace $0x80000047;
	s6 =	sadd.s32 s3, s4  }
0x7: {  	s3 =	sadd.s32 $0x14000, s4;
	s4 =	sadd.s32 s7, s4;
	s30 =	ssub.s32 $0x2, s5  }
0x8: {  	s9 =	sshll.u32 s5, $0xF;
	s5 =	sshll.u32 s5, $0xB;
	s8 =	sshrl.u32 s30, $0x1  }
0x9: {  	s31 =	sadd.s32 s9, s4;
	s6 =	sadd.s32 s5, s6;
	s9 =	simm.s32 $0x400  }
0xa: {  	s7 =	ssub.s32 s30, s8;
	s5 =	sadd.s32 $0x34000, s31;
	s6 =	sadd.s32 $0x4000, s6  }
0xb: {  	s8 =	simm.s32 $0x80;
	s4 =	smax.u32 s7, $0x1;
	s7 =	simm.s32 $0x2  }
.LBB2_1:
0xc: {  	s13 =	sadd.s32 $0x0, s6  }
0xd: {  	[tilespmem:s2], [sflag:$0x2] =	stream.linear.gather [hbm4b:s13+s2], $0x400, $0x38;
	[tilespmem:$0x4480] =	vst v63  }
0xe: {  	_ =	swait.ge [sflag:s7], $0x400  }
0xf: {  	[sflag:s7] =	ssyncset.done $0x0  }
0x10: {  	[sflag:s7] =	ssyncadd.s32 $0xFFFFFC00  }
0x11: {  	v0 =	vld [tilespmem:$0x380]  }
0x12: {  	v1 =	vld [tilespmem:$0x280]  }
0x13: {  	v2 =	vld [tilespmem:$0x300]  }
0x14: {  	v3 =	vld [tilespmem:$0x180]  }
0x15: {  	v4 =	vld [tilespmem:$0x0]  }
0x16: {  	v5 =	vld [tilespmem:$0x200];
	[tilespmem:$0x470] =	vst v0  }
0x17: {  	v62 =	vld [tilespmem:$0x100];
	[tilespmem:$0x450] =	vst v1  }
0x18: {  	v63 =	vld [tilespmem:$0x80];
	[tilespmem:$0x460] =	vst v2  }
0x19: {  	[tilespmem:$0x430] =	vst v3  }
0x1a: {  	[tilespmem:$0x400] =	vst v4  }
0x1b: {  	[tilespmem:$0x440] =	vst v5  }
0x1c: {  	[tilespmem:$0x420] =	vst v62  }
0x1d: {  	s15 =	sadd.s32 $0x800, s5;
	s14 =	smov.u32 s5;
	s13 =	simm.s32 $0x80;
	[tilespmem:$0x410] =	vst v63  }
.LBB2_2:
0x1e: {  	[tilespmem:s10], [sflag:$0x1] =	stream.indirect.gather [hbm4b:s3+s8], $0x80, s9, s8, $0xb8;
	[tilespmem:$0x4480] =	vst v63  }
0x1f: {  	s16 =	smov.u32 s13  }
0x20: {  	p0 =	sne.s32 s13, $0x780;
	s13 =	sadd.s32 $0x80, s13;
	_ =	swait.ge [sflag:s11], $0x4000  }
0x21: {  	[sflag:s11] =	ssyncset.done $0x0  }
0x22: {  	[sflag:s11] =	ssyncadd.s32 $0xFFFFC000  }
0x23: {  	[hbm4b:s14+s2] =	stream.linear.scatter [tilespmem:s10], [sflag:$0x2], $0x4000, $0x38;
	[tilespmem:$0x4480] =	vst v63  }
0x24: {  	s14 =	smov.u32 s15;
	_ =	swait.ge [sflag:s7], $0x4000  }
0x25: {  	[sflag:s7] =	ssyncset.done $0x0  }
0x26: {  	s16 =	sadd.s32 s16, s6;
	[sflag:s7] =	ssyncadd.s32 $0xFFFFC000  }
0x27: {  	[tilespmem:s2], [sflag:$0x2] =	stream.linear.gather [hbm4b:s16+s2], $0x400, $0x38;
	[tilespmem:$0x4480] =	vst v63  }
0x28: {  	_ =	swait.ge [sflag:s7], $0x400  }
0x29: {  	[sflag:s7] =	ssyncset.done $0x0  }
0x2a: {  	[sflag:s7] =	ssyncadd.s32 $0xFFFFFC00  }
0x2b: {  	v0 =	vld [tilespmem:$0x380]  }
0x2c: {  	v1 =	vld [tilespmem:$0x280]  }
0x2d: {  	v2 =	vld [tilespmem:$0x300]  }
0x2e: {  	v3 =	vld [tilespmem:$0x180]  }
0x2f: {  	v4 =	vld [tilespmem:$0x0]  }
0x30: {  	v5 =	vld [tilespmem:$0x200];
	[tilespmem:$0x470] =	vst v0  }
0x31: {  	v0 =	vld [tilespmem:$0x100];
	[tilespmem:$0x450] =	vst v1  }
0x32: {  	v1 =	vld [tilespmem:$0x80];
	[tilespmem:$0x460] =	vst v2  }
.Ltmp0:
0x33: {  	[tilespmem:$0x430] =	vst v3;
	(pc) =	sbr.rel @p0 .LBB2_2-.Ltmp0, $4  }
0x34: {  	[tilespmem:$0x400] =	vst v4  }
0x35: {  	[tilespmem:$0x440] =	vst v5  }
0x36: {  	[tilespmem:$0x420] =	vst v0  }
0x37: {  	s15 =	sadd.s32 $0x800, s15;
	[tilespmem:$0x410] =	vst v1  }
0x38: {  	[tilespmem:s10], [sflag:$0x1] =	stream.indirect.gather [hbm4b:s3+s8], $0x80, s9, s8, $0xb8;
	[tilespmem:$0x4480] =	vst v63  }
0x39: {  	s12 =	sadd.s32 $0x1, s12;
	_ =	swait.ge [sflag:s11], $0x4000  }
0x3a: {  	p0 =	sne.s32 s12, s4;
	[sflag:s11] =	ssyncset.done $0x0  }
.Ltmp1:
0x3b: {  	[sflag:s11] =	ssyncadd.s32 $0xFFFFC000;
	(pc) =	sbr.rel @p0 .LBB2_1-.Ltmp1, $4  }
0x3c: {  	[hbm4b:s14+s2] =	stream.linear.scatter [tilespmem:s10], [sflag:$0x2], $0x4000, $0x38;
	[tilespmem:$0x4480] =	vst v63  }
0x3d: {  	_ =	swait.ge [sflag:s7], $0x4000  }
0x3e: {  	[sflag:s7] =	ssyncset.done $0x0  }
0x3f: {  	[sflag:s7] =	ssyncadd.s32 $0xFFFFC000  }
0x40: {  	_ =	sfence.sel $0x180000  }
0x41: {  	[bflag:$0x0] =	sbarrier.arrive $0xFFFF  }
0x42: {  	p0 =	sne.s32 s1, $0x0;
	_ =	strace $0x90000047  }
0x43: {  	s0 =	sadd.s32 @!p0 $0x100000, s0;
	[bflag:$0x2] =	sbarrier.arrive $0xFFFF  }
0x44: {  	[sflag:s0] =	ssyncadd.tile.s32 @!p0 $0x1;
	_ =	shalt  }
.Lfunc_end2:
_tile_overlayer_lowered:
.L_overlay_start_2:
0x45: {  	(tag) =	ssettag $0x2  }
0x46: {  	s0 =	rddreg [dreg:$0x0];
	s2 =	stileid.u32  }
0x47: {  	s1 =	rddreg [dreg:$0x1];
	p0 =	sne.s32 s2, $0x0  }
0x48: {  	s3 =	rddreg [dreg:$0x2];
	[bflag:$0x3] =	sbarrier.arrive $0xFFFF;
	s2 =	simm.s32 @!p0 $0x1C02  }
0x49: {  	[timem:s3], [sflag:s2] =	dma.local @!p0 [hbm:s0], s1  }
0x4a: {  	s0 =	simm.s32 @!p0 $0x2  }
0x4b: {  	_ =	swait.ge @!p0 [sflag:s0], s1  }
0x4c: {  	s1 =	ssub.s32 @!p0 $0x0, s1;
	[sflag:s0] =	ssyncset.done @!p0 $0x0  }
0x4d: {  	[sflag:s0] =	ssyncadd.s32 @!p0 s1  }
0x4e: {  	[bflag:$0x3] =	sbarrier.arrive $0xFFFF  }
0x4f: {  	_ =	shalt  }

</sc_bundles>
